<compile_context>
chip_gen: v7x
topology: tpu7x:2x2x1
jax: 0.10.2.dev20260603
libtpu: 0.0.44.dev20260713+nightly
codegen_flags: <defaults>
</compile_context>

<pallas_src>
import functools

import jax
import jax.numpy as jnp
from jax import lax
from jax.experimental import pallas as pl
from jax.experimental.pallas import tpu as pltpu
from jax.experimental.pallas import tpu_sc as plsc

N = 10000
E = 320000
D = 128
DH = 64

N_PAD = 10240
CHUNK = 128
H_CHUNKS = 80
P_CHUNKS = 160
NBUF = 5
GLA = 3
E_PAD = 16 * P_CHUNKS * CHUNK
ROWS_PER_SUBCORE = N_PAD // 16

_mesh = plsc.VectorSubcoreMesh(core_axis_name="c", subcore_axis_name="s")


@functools.partial(
    pl.kernel,
    out_type=jax.ShapeDtypeStruct((2, N_PAD, 16), jnp.float32),
    mesh=_mesh,
    scratch_types=[
        pltpu.VMEM((H_CHUNKS, CHUNK), jnp.int32),
        pltpu.VMEM((CHUNK, 16), jnp.float32),
        pltpu.VMEM_SHARED((N_PAD, 16), jnp.float32),
        pltpu.SemaphoreType.DMA,
    ],
)
def _histo_sc(dst_hbm, out_hbm, idx_v, ones_v, acc_sh, hsem):
    c = lax.axis_index("c")
    s = lax.axis_index("s")
    wid = c * 16 + s
    base = s * ROWS_PER_SUBCORE

    @pl.loop(0, CHUNK)
    def _(i):
        ones_v[i, :] = jnp.zeros((16,), jnp.float32)

    @pl.loop(0, ROWS_PER_SUBCORE // CHUNK)
    def _(k):
        pltpu.sync_copy(ones_v, acc_sh.at[pl.ds(base + k * CHUNK, CHUNK)])

    @pl.loop(0, CHUNK)
    def _(i):
        ones_v[i, :] = jnp.ones((16,), jnp.float32)

    pltpu.sync_copy(dst_hbm.at[wid], idx_v)
    plsc.subcore_barrier()

    K = 8
    for j in range(K):
        pltpu.async_copy(ones_v, acc_sh.at[idx_v.at[j]], hsem, add=True)

    @pl.loop(0, H_CHUNKS - K)
    def _(j):
        pltpu.make_async_copy(ones_v, acc_sh.at[idx_v.at[j]], hsem).wait()
        pltpu.async_copy(ones_v, acc_sh.at[idx_v.at[j + K]], hsem, add=True)

    for j in range(H_CHUNKS - K, H_CHUNKS):
        pltpu.make_async_copy(ones_v, acc_sh.at[idx_v.at[j]], hsem).wait()

    plsc.subcore_barrier()
    pltpu.sync_copy(
        acc_sh.at[pl.ds(base, ROWS_PER_SUBCORE)],
        out_hbm.at[c, pl.ds(base, ROWS_PER_SUBCORE)],
    )


@functools.partial(
    pl.kernel,
    out_type=jax.ShapeDtypeStruct((2, N_PAD, DH), jnp.float32),
    mesh=_mesh,
    scratch_types=[
        pltpu.VMEM((P_CHUNKS, CHUNK), jnp.int32),
        pltpu.VMEM((P_CHUNKS, CHUNK), jnp.int32),
        pltpu.VMEM((NBUF, CHUNK, DH), jnp.float32),
        pltpu.VMEM_SHARED((N_PAD, DH), jnp.float32),
    ] + [pltpu.SemaphoreType.DMA] * (2 * NBUF),
    compiler_params=pltpu.CompilerParams(use_tc_tiling_on_sc=False),
)
def _prop_sc(g_hbm, src_hbm, dst_hbm, out_hbm, src_v, dst_v, rows_v, acc_sh,
             *sems):
    c = lax.axis_index("c")
    s = lax.axis_index("s")
    base = s * ROWS_PER_SUBCORE
    gc = g_hbm.at[c]

    @pl.loop(0, CHUNK)
    def _(i):
        @pl.loop(0, DH // 16)
        def _(l):
            rows_v[0, i, pl.ds(l * 16, 16)] = jnp.zeros((16,), jnp.float32)

    @pl.loop(0, ROWS_PER_SUBCORE // CHUNK)
    def _(k):
        pltpu.sync_copy(rows_v.at[0], acc_sh.at[pl.ds(base + k * CHUNK, CHUNK)])

    pltpu.sync_copy(src_hbm.at[s], src_v)
    pltpu.sync_copy(dst_hbm.at[s], dst_v)
    plsc.subcore_barrier()

    gsems = sems[:NBUF]
    ssems = sems[NBUF:]
    SLAG = NBUF - GLA

    def _ig(b, j):
        pltpu.async_copy(gc.at[src_v.at[j]], rows_v.at[b], gsems[b])

    def _wg(b, j):
        pltpu.make_async_copy(gc.at[src_v.at[j]], rows_v.at[b], gsems[b]).wait()

    def _is(b, j):
        pltpu.async_copy(rows_v.at[b], acc_sh.at[dst_v.at[j]], ssems[b],
                         add=True)

    def _ws(b, j):
        pltpu.make_async_copy(rows_v.at[b], acc_sh.at[dst_v.at[j]],
                              ssems[b]).wait()

    for j in range(GLA):
        _ig(j % NBUF, j)
    for j in range(SLAG):
        _ig((j + GLA) % NBUF, j + GLA)
        _wg(j % NBUF, j)
        _is(j % NBUF, j)

    @pl.loop(0, (P_CHUNKS - NBUF) // NBUF)
    def _(grp):
        for k in range(NBUF):
            j = SLAG + grp * NBUF + k
            b = (SLAG + k) % NBUF
            bg = (SLAG + k + GLA) % NBUF
            _ws(bg, j - SLAG)
            _ig(bg, j + GLA)
            _wg(b, j)
            _is(b, j)

    for k in range(GLA):
        j = P_CHUNKS - GLA + k
        _wg(j % NBUF, j)
        _is(j % NBUF, j)
    for j in range(P_CHUNKS - NBUF, P_CHUNKS):
        _ws(j % NBUF, j)

    plsc.subcore_barrier()
    pltpu.sync_copy(
        acc_sh.at[pl.ds(base, ROWS_PER_SUBCORE)],
        out_hbm.at[c, pl.ds(base, ROWS_PER_SUBCORE)],
    )


_BLK = 512
_GRID = N_PAD // _BLK


def _dinv_block(c0_ref, c1_ref, pid):
    cnt = c0_ref[:, :1] + c1_ref[:, :1] + 1.0
    rows = lax.broadcasted_iota(jnp.int32, (_BLK, 1), 0) + pid * _BLK
    return jnp.where(rows < N, lax.rsqrt(cnt), 0.0)


def _split_store(o_ref, p):
    o_ref[0] = p[:, :DH]
    o_ref[1] = p[:, DH:]


def _p1_body(x_ref, w_ref, o_ref):
    o_ref[...] = jnp.dot(x_ref[...], w_ref[...],
                         preferred_element_type=jnp.float32)


def _scale1_body(p_ref, c0_ref, c1_ref, o_ref):
    dinv = _dinv_block(c0_ref, c1_ref, pl.program_id(0))
    _split_store(o_ref, p_ref[...] * dinv)


def _mm2_body(a_ref, g_ref, b_ref, w_ref, c0_ref, c1_ref, o_ref):
    dinv = _dinv_block(c0_ref, c1_ref, pl.program_id(0))
    agg = jnp.concatenate([a_ref[0] + g_ref[0], a_ref[1] + g_ref[1]], axis=1)
    h = jnp.maximum(dinv * agg + b_ref[...], 0.0)
    p = jnp.dot(h, w_ref[...], preferred_element_type=jnp.float32)
    _split_store(o_ref, p * dinv)


def _fin_body(a_ref, g_ref, b_ref, c0_ref, c1_ref, o_ref):
    dinv = _dinv_block(c0_ref, c1_ref, pl.program_id(0))
    agg = jnp.concatenate([a_ref[0] + g_ref[0], a_ref[1] + g_ref[1]], axis=1)
    o_ref[...] = dinv * agg + b_ref[...]


def _row_spec():
    return pl.BlockSpec((_BLK, D), lambda i: (i, 0))


def _half_spec():
    return pl.BlockSpec((2, _BLK, DH), lambda i: (0, i, 0))


def _cnt_spec():
    return pl.BlockSpec((_BLK, 16), lambda i: (i, 0))


def _full_spec(shape):
    return pl.BlockSpec(shape, lambda i: (0,) * len(shape))


_HALF_TY = jax.ShapeDtypeStruct((2, N_PAD, DH), jnp.float32)


def _p1(x_pad, W1):
    return pl.pallas_call(
        _p1_body,
        grid=(_GRID,),
        in_specs=[_row_spec(), _full_spec((D, D))],
        out_specs=_row_spec(),
        out_shape=jax.ShapeDtypeStruct((N_PAD, D), jnp.float32),
    )(x_pad, W1)


def _scale1(p1, cnt0, cnt1):
    return pl.pallas_call(
        _scale1_body,
        grid=(_GRID,),
        in_specs=[_row_spec(), _cnt_spec(), _cnt_spec()],
        out_specs=_half_spec(),
        out_shape=_HALF_TY,
    )(p1, cnt0, cnt1)


def _mm2(acc1, g1, b1, W2, cnt0, cnt1):
    return pl.pallas_call(
        _mm2_body,
        grid=(_GRID,),
        in_specs=[_half_spec(), _half_spec(), _full_spec((1, D)),
                  _full_spec((D, D)), _cnt_spec(), _cnt_spec()],
        out_specs=_half_spec(),
        out_shape=_HALF_TY,
    )(acc1, g1, b1, W2, cnt0, cnt1)


def _fin(acc2, g2, b2, cnt0, cnt1):
    return pl.pallas_call(
        _fin_body,
        grid=(_GRID,),
        in_specs=[_half_spec(), _half_spec(), _full_spec((1, D)),
                  _cnt_spec(), _cnt_spec()],
        out_specs=_row_spec(),
        out_shape=jax.ShapeDtypeStruct((N_PAD, D), jnp.float32),
    )(acc2, g2, b2, cnt0, cnt1)


def kernel(x, edge_index, W1, b1, W2, b2):
    pad = E_PAD - E
    src = jnp.concatenate([edge_index[0], jnp.full((pad,), N, jnp.int32)])
    dst = jnp.concatenate([edge_index[1], jnp.full((pad,), N, jnp.int32)])
    src_p = src.reshape(16, P_CHUNKS, CHUNK)
    dst_p = dst.reshape(16, P_CHUNKS, CHUNK)
    dst_h = dst.reshape(32, H_CHUNKS, CHUNK)
    x_pad = jnp.pad(x, ((0, N_PAD - N), (0, 0)))
    b1r = b1.reshape(1, D)
    b2r = b2.reshape(1, D)

    p1 = _p1(x_pad, W1)
    cnt = _histo_sc(dst_h)
    cnt0, cnt1 = cnt[0], cnt[1]

    g1 = _scale1(p1, cnt0, cnt1)
    acc1 = _prop_sc(g1, src_p, dst_p)
    g2 = _mm2(acc1, g1, b1r, W2, cnt0, cnt1)
    acc2 = _prop_sc(g2, src_p, dst_p)
    out = _fin(acc2, g2, b2r, cnt0, cnt1)
    return out[:N]

# --- scband reference (transcript-rebuilt; emitter-appended) ---
"""Pipeline reference for scband-standard-gcnencoder-67156108640278 (READ-ONLY COPY).

The authoritative reference and input builder live on the scoring server;
editing this copy changes nothing except your own understanding.
"""

import jax, jax.numpy as jnp
import numpy as np

N = 10000
E = 320000
D_IN = 128
D_HID = 128
D_OUT = 128


def setup_inputs(seed: int = 0) -> dict:
    key = jax.random.key(seed)
    k1, k2, k3, k4, k5, k6 = jax.random.split(key, 6)
    x = jax.random.normal(k1, (N, D_IN), dtype=jnp.float32)
    edge_index = jax.random.randint(k2, (2, E), 0, N).astype(jnp.int32)
    # GCNConv linear weights (glorot-ish) and post-aggregation biases
    W1 = jax.random.normal(k3, (D_IN, D_HID), dtype=jnp.float32) * (1.0 / np.sqrt(D_IN))
    b1 = jnp.zeros((D_HID,), dtype=jnp.float32)
    W2 = jax.random.normal(k4, (D_HID, D_OUT), dtype=jnp.float32) * (1.0 / np.sqrt(D_HID))
    b2 = jnp.zeros((D_OUT,), dtype=jnp.float32)
    return {"x": x, "edge_index": edge_index, "W1": W1, "b1": b1, "W2": W2, "b2": b2}


def reference(x, edge_index, W1, b1, W2, b2):
    # PyG GCNConv with add_self_loops=True, normalize=True, edge_weight=None.
    # x' = D^{-1/2} (A + I) D^{-1/2} X W + b
    n = x.shape[0]
    loop = jnp.arange(n, dtype=edge_index.dtype)
    src = jnp.concatenate([edge_index[0], loop])
    dst = jnp.concatenate([edge_index[1], loop])
    w = jnp.ones(src.shape[0], dtype=jnp.float32)
    deg = jax.ops.segment_sum(w, dst, num_segments=n)
    deg_inv_sqrt = jnp.where(deg > 0, 1.0 / jnp.sqrt(deg), 0.0)
    norm = deg_inv_sqrt[src] * w * deg_inv_sqrt[dst]

    def gcn_conv(h, W, b):
        h = h @ W                        # lin (no bias inside)
        msg = h[src] * norm[:, None]     # gather + scale (message)
        agg = jax.ops.segment_sum(msg, dst, num_segments=n)  # scatter-add aggregate
        return agg + b                   # bias after aggregation

    h = gcn_conv(x, W1, b1)
    h = jax.nn.relu(h)
    # dropout(0.2) is identity in eval mode (reference)
    out = gcn_conv(h, W2, b2)
    return out

if __name__ == "__main__":
    import jax
    _d = setup_inputs()
    print(jax.jit(kernel)(*tuple(_d.values())))

</pallas_src>

<mosaic_0001>
#map = affine_map<(d0, d1) -> (0, 0, 0)>
module attributes {stable_mosaic.version = 14 : i64} {
  func.func @_histo_sc(%arg0: i32, %arg1: i32, %arg2: memref<32x80x128xi32, #tpu.memory_space<hbm>>, %arg3: memref<2x10240x16xf32, #tpu.memory_space<hbm>>, %arg4: memref<80x128xi32, #tpu.memory_space<vmem>>, %arg5: memref<128x16xf32, #tpu.memory_space<vmem>>, %arg6: memref<10240x16xf32, #tpu.memory_space<vmem_shared>>, %arg7: memref<!tpu.dma_semaphore, #tpu.memory_space<semaphore_mem>>) attributes {dimension_semantics = [#tpu.dimension_semantics<core_parallel>, #tpu.dimension_semantics<subcore_parallel>], iteration_bounds = array<i64: 2, 16>, scalar_prefetch = 0 : i64, scratch_operands = 4 : i64, tpu.core_type = #tpu.core_type<sc_vector_subcore>, window_params = [{transform_indices = #map}, {transform_indices = #map}]} {
    %mul3A = arith.constant 16 : i32
    %mul3A_0 = arith.muli %arg0, %mul3A : i32
    %add3A = arith.addi %mul3A_0, %arg1 : i32
    %mul3A_1 = arith.constant 640 : i32
    %mul3A_2 = arith.muli %arg1, %mul3A_1 : i32
    %scan3A = arith.constant 0 : i32
    %scan3A_3 = arith.constant 128 : i32
    %scan3A_4 = arith.addi %scan3A, %scan3A_3 : i32
    %scan3A_5 = arith.constant 1 : i32
    scf.for %scan3A_133 = %scan3A to %scan3A_4 step %scan3A_5  : i32 {
      %mul3A_134 = arith.constant 1 : i32
      %mul3A_135 = arith.muli %scan3A_133, %mul3A_134 : i32
      %add3A_136 = arith.constant 0 : i32
      %add3A_137 = arith.addi %add3A_136, %mul3A_135 : i32
      %broadcast_in_dim3A = arith.constant 0.000000e+00 : f32
      %broadcast_in_dim3A_138 = vector.broadcast %broadcast_in_dim3A : f32 to vector<16xf32>
      %swap3A = arith.index_cast %add3A_137 : i32 to index
      %swap3A_139 = arith.constant 0 : index
      %swap3A_140 = tpu.vector_load %arg5[%swap3A, %swap3A_139] {strides = array<i32>} : memref<128x16xf32, #tpu.memory_space<vmem>>, vector<1x16xf32>,
      %swap3A_141 = vector.shape_cast %swap3A_140 : vector<1x16xf32> to vector<16xf32>
      %swap3A_142 = vector.shape_cast %broadcast_in_dim3A_138 : vector<16xf32> to vector<1x16xf32>
      tpu.vector_store %arg5[%swap3A, %swap3A_139], %swap3A_142 {strides = array<i32>} : memref<128x16xf32, #tpu.memory_space<vmem>>, vector<1x16xf32>,
    }
    %scan3A_6 = arith.constant 128 : i32
    %scan3A_7 = arith.constant 0 : i32
    %scan3A_8 = arith.constant 5 : i32
    %scan3A_9 = arith.addi %scan3A_7, %scan3A_8 : i32
    %scan3A_10 = arith.constant 1 : i32
    scf.for %scan3A_133 = %scan3A_7 to %scan3A_9 step %scan3A_10  : i32 {
      %mul3A_134 = arith.constant 1 : i32
      %mul3A_135 = arith.muli %scan3A_133, %mul3A_134 : i32
      %add3A_136 = arith.constant 0 : i32
      %add3A_137 = arith.addi %add3A_136, %mul3A_135 : i32
      %mul3A_138 = arith.constant 128 : i32
      %mul3A_139 = arith.muli %add3A_137, %mul3A_138 : i32
      %add3A_140 = arith.addi %mul3A_2, %mul3A_139 : i32
      "tpu.region"() ({
        %run_scoped3A = tpu.sem_alloc : memref<!tpu.dma_semaphore, #tpu.memory_space<semaphore_mem>>
        %dma_start3A_141 = arith.constant 0 : i32
        %dma_start3A_142 = tpu.memref_slice %arg6[%add3A_140, %dma_start3A_141] : memref<10240x16xf32, #tpu.memory_space<vmem_shared>> -> memref<128x16xf32, #tpu.memory_space<vmem_shared>>
        %dma_start3A_143 = arith.constant 0 : i32
        %dma_start3A_144 = tpu.memref_slice %arg6[%add3A_140, %dma_start3A_143] : memref<10240x16xf32, #tpu.memory_space<vmem_shared>> -> memref<128x16xf32, #tpu.memory_space<vmem_shared>>
        tpu.enqueue_dma source(%arg5 : memref<128x16xf32, #tpu.memory_space<vmem>>) target(%dma_start3A_144 : memref<128x16xf32, #tpu.memory_space<vmem_shared>>) target_semaphore(%run_scoped3A : memref<!tpu.dma_semaphore, #tpu.memory_space<semaphore_mem>>)
        %dma_wait3A_145 = arith.constant 0 : i32
        %dma_wait3A_146 = tpu.memref_slice %arg6[%add3A_140, %dma_wait3A_145] : memref<10240x16xf32, #tpu.memory_space<vmem_shared>> -> memref<128x16xf32, #tpu.memory_space<vmem_shared>>
        %dma_wait3A_147 = arith.constant 0 : i32
        %dma_wait3A_148 = tpu.memref_slice %arg6[%add3A_140, %dma_wait3A_147] : memref<10240x16xf32, #tpu.memory_space<vmem_shared>> -> memref<128x16xf32, #tpu.memory_space<vmem_shared>>
        tpu.wait_dma2 semaphore(%run_scoped3A : memref<!tpu.dma_semaphore, #tpu.memory_space<semaphore_mem>>) src(%arg5 : memref<128x16xf32, #tpu.memory_space<vmem>>) dst(%dma_wait3A_148 : memref<128x16xf32, #tpu.memory_space<vmem_shared>>)
        tpu.yield
      }) : () -> ()
    }
    %scan3A_11 = arith.constant 5 : i32
    %scan3A_12 = arith.constant 0 : i32
    %scan3A_13 = arith.constant 128 : i32
    %scan3A_14 = arith.addi %scan3A_12, %scan3A_13 : i32
    %scan3A_15 = arith.constant 1 : i32
    scf.for %scan3A_133 = %scan3A_12 to %scan3A_14 step %scan3A_15  : i32 {
      %mul3A_134 = arith.constant 1 : i32
      %mul3A_135 = arith.muli %scan3A_133, %mul3A_134 : i32
      %add3A_136 = arith.constant 0 : i32
      %add3A_137 = arith.addi %add3A_136, %mul3A_135 : i32
      %broadcast_in_dim3A = arith.constant 1.000000e+00 : f32
      %broadcast_in_dim3A_138 = vector.broadcast %broadcast_in_dim3A : f32 to vector<16xf32>
      %swap3A = arith.index_cast %add3A_137 : i32 to index
      %swap3A_139 = arith.constant 0 : index
      %swap3A_140 = tpu.vector_load %arg5[%swap3A, %swap3A_139] {strides = array<i32>} : memref<128x16xf32, #tpu.memory_space<vmem>>, vector<1x16xf32>,
      %swap3A_141 = vector.shape_cast %swap3A_140 : vector<1x16xf32> to vector<16xf32>
      %swap3A_142 = vector.shape_cast %broadcast_in_dim3A_138 : vector<16xf32> to vector<1x16xf32>
      tpu.vector_store %arg5[%swap3A, %swap3A_139], %swap3A_142 {strides = array<i32>} : memref<128x16xf32, #tpu.memory_space<vmem>>, vector<1x16xf32>,
    }
    %scan3A_16 = arith.constant 128 : i32
    "tpu.region"() ({
      %run_scoped3A = tpu.sem_alloc : memref<!tpu.dma_semaphore, #tpu.memory_space<semaphore_mem>>
      %dma_start3A_133 = arith.constant 0 : i32
      %dma_start3A_134 = arith.constant 0 : i32
      %dma_start3A_135 = tpu.memref_slice %arg2[%add3A, %dma_start3A_133, %dma_start3A_134] : memref<32x80x128xi32, #tpu.memory_space<hbm>> -> memref<1x80x128xi32, #tpu.memory_space<hbm>>
      %dma_start3A_136 = tpu.memref_squeeze %dma_start3A_135 : memref<1x80x128xi32, #tpu.memory_space<hbm>> -> memref<80x128xi32, #tpu.memory_space<hbm>>
      %dma_start3A_137 = arith.constant 0 : i32
      %dma_start3A_138 = arith.constant 0 : i32
      %dma_start3A_139 = tpu.memref_slice %arg2[%add3A, %dma_start3A_137, %dma_start3A_138] : memref<32x80x128xi32, #tpu.memory_space<hbm>> -> memref<1x80x128xi32, #tpu.memory_space<hbm>>
      %dma_start3A_140 = tpu.memref_squeeze %dma_start3A_139 : memref<1x80x128xi32, #tpu.memory_space<hbm>> -> memref<80x128xi32, #tpu.memory_space<hbm>>
      tpu.enqueue_dma source(%dma_start3A_140 : memref<80x128xi32, #tpu.memory_space<hbm>>) target(%arg4 : memref<80x128xi32, #tpu.memory_space<vmem>>) target_semaphore(%run_scoped3A : memref<!tpu.dma_semaphore, #tpu.memory_space<semaphore_mem>>)
      %dma_wait3A_141 = arith.constant 0 : i32
      %dma_wait3A_142 = arith.constant 0 : i32
      %dma_wait3A_143 = tpu.memref_slice %arg2[%add3A, %dma_wait3A_141, %dma_wait3A_142] : memref<32x80x128xi32, #tpu.memory_space<hbm>> -> memref<1x80x128xi32, #tpu.memory_space<hbm>>
      %dma_wait3A_144 = tpu.memref_squeeze %dma_wait3A_143 : memref<1x80x128xi32, #tpu.memory_space<hbm>> -> memref<80x128xi32, #tpu.memory_space<hbm>>
      %dma_wait3A_145 = arith.constant 0 : i32
      %dma_wait3A_146 = arith.constant 0 : i32
      %dma_wait3A_147 = tpu.memref_slice %arg2[%add3A, %dma_wait3A_145, %dma_wait3A_146] : memref<32x80x128xi32, #tpu.memory_space<hbm>> -> memref<1x80x128xi32, #tpu.memory_space<hbm>>
      %dma_wait3A_148 = tpu.memref_squeeze %dma_wait3A_147 : memref<1x80x128xi32, #tpu.memory_space<hbm>> -> memref<80x128xi32, #tpu.memory_space<hbm>>
      tpu.wait_dma2 semaphore(%run_scoped3A : memref<!tpu.dma_semaphore, #tpu.memory_space<semaphore_mem>>) src(%dma_wait3A_148 : memref<80x128xi32, #tpu.memory_space<hbm>>) dst(%arg4 : memref<80x128xi32, #tpu.memory_space<vmem>>)
      tpu.yield
    }) : () -> ()
    %barrier3A = arith.constant 0 : index
    tpu.barrier barrier_id(%barrier3A)
    %dma_start3A = arith.constant 0 : i32
    %dma_start3A_17 = arith.constant 0 : i32
    %dma_start3A_18 = tpu.memref_slice %arg4[%dma_start3A, %dma_start3A_17] : memref<80x128xi32, #tpu.memory_space<vmem>> -> memref<1x128xi32, #tpu.memory_space<vmem>>
    %dma_start3A_19 = tpu.memref_squeeze %dma_start3A_18 : memref<1x128xi32, #tpu.memory_space<vmem>> -> memref<128xi32, #tpu.memory_space<vmem>>
    %dma_start3A_20 = arith.constant 0 : i32
    %dma_start3A_21 = arith.constant 0 : i32
    %dma_start3A_22 = tpu.memref_slice %arg6[%dma_start3A_20, %dma_start3A_21] : memref<10240x16xf32, #tpu.memory_space<vmem_shared>> -> memref<10240x16xf32, #tpu.memory_space<vmem_shared>>
    tpu.enqueue_indirect_dma source(%arg5 : memref<128x16xf32, #tpu.memory_space<vmem>>) target(%dma_start3A_22 : memref<10240x16xf32, #tpu.memory_space<vmem_shared>>) offsets(%dma_start3A_19 : memref<128xi32, #tpu.memory_space<vmem>>) semaphore(%arg7 : memref<!tpu.dma_semaphore, #tpu.memory_space<semaphore_mem>>) {add = true}
    %dma_start3A_23 = arith.constant 1 : i32
    %dma_start3A_24 = arith.constant 0 : i32
    %dma_start3A_25 = tpu.memref_slice %arg4[%dma_start3A_23, %dma_start3A_24] : memref<80x128xi32, #tpu.memory_space<vmem>> -> memref<1x128xi32, #tpu.memory_space<vmem>>
    %dma_start3A_26 = tpu.memref_squeeze %dma_start3A_25 : memref<1x128xi32, #tpu.memory_space<vmem>> -> memref<128xi32, #tpu.memory_space<vmem>>
    %dma_start3A_27 = arith.constant 0 : i32
    %dma_start3A_28 = arith.constant 0 : i32
    %dma_start3A_29 = tpu.memref_slice %arg6[%dma_start3A_27, %dma_start3A_28] : memref<10240x16xf32, #tpu.memory_space<vmem_shared>> -> memref<10240x16xf32, #tpu.memory_space<vmem_shared>>
    tpu.enqueue_indirect_dma source(%arg5 : memref<128x16xf32, #tpu.memory_space<vmem>>) target(%dma_start3A_29 : memref<10240x16xf32, #tpu.memory_space<vmem_shared>>) offsets(%dma_start3A_26 : memref<128xi32, #tpu.memory_space<vmem>>) semaphore(%arg7 : memref<!tpu.dma_semaphore, #tpu.memory_space<semaphore_mem>>) {add = true}
    %dma_start3A_30 = arith.constant 2 : i32
    %dma_start3A_31 = arith.constant 0 : i32
    %dma_start3A_32 = tpu.memref_slice %arg4[%dma_start3A_30, %dma_start3A_31] : memref<80x128xi32, #tpu.memory_space<vmem>> -> memref<1x128xi32, #tpu.memory_space<vmem>>
    %dma_start3A_33 = tpu.memref_squeeze %dma_start3A_32 : memref<1x128xi32, #tpu.memory_space<vmem>> -> memref<128xi32, #tpu.memory_space<vmem>>
    %dma_start3A_34 = arith.constant 0 : i32
    %dma_start3A_35 = arith.constant 0 : i32
    %dma_start3A_36 = tpu.memref_slice %arg6[%dma_start3A_34, %dma_start3A_35] : memref<10240x16xf32, #tpu.memory_space<vmem_shared>> -> memref<10240x16xf32, #tpu.memory_space<vmem_shared>>
    tpu.enqueue_indirect_dma source(%arg5 : memref<128x16xf32, #tpu.memory_space<vmem>>) target(%dma_start3A_36 : memref<10240x16xf32, #tpu.memory_space<vmem_shared>>) offsets(%dma_start3A_33 : memref<128xi32, #tpu.memory_space<vmem>>) semaphore(%arg7 : memref<!tpu.dma_semaphore, #tpu.memory_space<semaphore_mem>>) {add = true}
    %dma_start3A_37 = arith.constant 3 : i32
    %dma_start3A_38 = arith.constant 0 : i32
    %dma_start3A_39 = tpu.memref_slice %arg4[%dma_start3A_37, %dma_start3A_38] : memref<80x128xi32, #tpu.memory_space<vmem>> -> memref<1x128xi32, #tpu.memory_space<vmem>>
    %dma_start3A_40 = tpu.memref_squeeze %dma_start3A_39 : memref<1x128xi32, #tpu.memory_space<vmem>> -> memref<128xi32, #tpu.memory_space<vmem>>
    %dma_start3A_41 = arith.constant 0 : i32
    %dma_start3A_42 = arith.constant 0 : i32
    %dma_start3A_43 = tpu.memref_slice %arg6[%dma_start3A_41, %dma_start3A_42] : memref<10240x16xf32, #tpu.memory_space<vmem_shared>> -> memref<10240x16xf32, #tpu.memory_space<vmem_shared>>
    tpu.enqueue_indirect_dma source(%arg5 : memref<128x16xf32, #tpu.memory_space<vmem>>) target(%dma_start3A_43 : memref<10240x16xf32, #tpu.memory_space<vmem_shared>>) offsets(%dma_start3A_40 : memref<128xi32, #tpu.memory_space<vmem>>) semaphore(%arg7 : memref<!tpu.dma_semaphore, #tpu.memory_space<semaphore_mem>>) {add = true}
    %dma_start3A_44 = arith.constant 4 : i32
    %dma_start3A_45 = arith.constant 0 : i32
    %dma_start3A_46 = tpu.memref_slice %arg4[%dma_start3A_44, %dma_start3A_45] : memref<80x128xi32, #tpu.memory_space<vmem>> -> memref<1x128xi32, #tpu.memory_space<vmem>>
    %dma_start3A_47 = tpu.memref_squeeze %dma_start3A_46 : memref<1x128xi32, #tpu.memory_space<vmem>> -> memref<128xi32, #tpu.memory_space<vmem>>
    %dma_start3A_48 = arith.constant 0 : i32
    %dma_start3A_49 = arith.constant 0 : i32
    %dma_start3A_50 = tpu.memref_slice %arg6[%dma_start3A_48, %dma_start3A_49] : memref<10240x16xf32, #tpu.memory_space<vmem_shared>> -> memref<10240x16xf32, #tpu.memory_space<vmem_shared>>
    tpu.enqueue_indirect_dma source(%arg5 : memref<128x16xf32, #tpu.memory_space<vmem>>) target(%dma_start3A_50 : memref<10240x16xf32, #tpu.memory_space<vmem_shared>>) offsets(%dma_start3A_47 : memref<128xi32, #tpu.memory_space<vmem>>) semaphore(%arg7 : memref<!tpu.dma_semaphore, #tpu.memory_space<semaphore_mem>>) {add = true}
    %dma_start3A_51 = arith.constant 5 : i32
    %dma_start3A_52 = arith.constant 0 : i32
    %dma_start3A_53 = tpu.memref_slice %arg4[%dma_start3A_51, %dma_start3A_52] : memref<80x128xi32, #tpu.memory_space<vmem>> -> memref<1x128xi32, #tpu.memory_space<vmem>>
    %dma_start3A_54 = tpu.memref_squeeze %dma_start3A_53 : memref<1x128xi32, #tpu.memory_space<vmem>> -> memref<128xi32, #tpu.memory_space<vmem>>
    %dma_start3A_55 = arith.constant 0 : i32
    %dma_start3A_56 = arith.constant 0 : i32
    %dma_start3A_57 = tpu.memref_slice %arg6[%dma_start3A_55, %dma_start3A_56] : memref<10240x16xf32, #tpu.memory_space<vmem_shared>> -> memref<10240x16xf32, #tpu.memory_space<vmem_shared>>
    tpu.enqueue_indirect_dma source(%arg5 : memref<128x16xf32, #tpu.memory_space<vmem>>) target(%dma_start3A_57 : memref<10240x16xf32, #tpu.memory_space<vmem_shared>>) offsets(%dma_start3A_54 : memref<128xi32, #tpu.memory_space<vmem>>) semaphore(%arg7 : memref<!tpu.dma_semaphore, #tpu.memory_space<semaphore_mem>>) {add = true}
    %dma_start3A_58 = arith.constant 6 : i32
    %dma_start3A_59 = arith.constant 0 : i32
    %dma_start3A_60 = tpu.memref_slice %arg4[%dma_start3A_58, %dma_start3A_59] : memref<80x128xi32, #tpu.memory_space<vmem>> -> memref<1x128xi32, #tpu.memory_space<vmem>>
    %dma_start3A_61 = tpu.memref_squeeze %dma_start3A_60 : memref<1x128xi32, #tpu.memory_space<vmem>> -> memref<128xi32, #tpu.memory_space<vmem>>
    %dma_start3A_62 = arith.constant 0 : i32
    %dma_start3A_63 = arith.constant 0 : i32
    %dma_start3A_64 = tpu.memref_slice %arg6[%dma_start3A_62, %dma_start3A_63] : memref<10240x16xf32, #tpu.memory_space<vmem_shared>> -> memref<10240x16xf32, #tpu.memory_space<vmem_shared>>
    tpu.enqueue_indirect_dma source(%arg5 : memref<128x16xf32, #tpu.memory_space<vmem>>) target(%dma_start3A_64 : memref<10240x16xf32, #tpu.memory_space<vmem_shared>>) offsets(%dma_start3A_61 : memref<128xi32, #tpu.memory_space<vmem>>) semaphore(%arg7 : memref<!tpu.dma_semaphore, #tpu.memory_space<semaphore_mem>>) {add = true}
    %dma_start3A_65 = arith.constant 7 : i32
    %dma_start3A_66 = arith.constant 0 : i32
    %dma_start3A_67 = tpu.memref_slice %arg4[%dma_start3A_65, %dma_start3A_66] : memref<80x128xi32, #tpu.memory_space<vmem>> -> memref<1x128xi32, #tpu.memory_space<vmem>>
    %dma_start3A_68 = tpu.memref_squeeze %dma_start3A_67 : memref<1x128xi32, #tpu.memory_space<vmem>> -> memref<128xi32, #tpu.memory_space<vmem>>
    %dma_start3A_69 = arith.constant 0 : i32
    %dma_start3A_70 = arith.constant 0 : i32
    %dma_start3A_71 = tpu.memref_slice %arg6[%dma_start3A_69, %dma_start3A_70] : memref<10240x16xf32, #tpu.memory_space<vmem_shared>> -> memref<10240x16xf32, #tpu.memory_space<vmem_shared>>
    tpu.enqueue_indirect_dma source(%arg5 : memref<128x16xf32, #tpu.memory_space<vmem>>) target(%dma_start3A_71 : memref<10240x16xf32, #tpu.memory_space<vmem_shared>>) offsets(%dma_start3A_68 : memref<128xi32, #tpu.memory_space<vmem>>) semaphore(%arg7 : memref<!tpu.dma_semaphore, #tpu.memory_space<semaphore_mem>>) {add = true}
    %scan3A_72 = arith.constant 0 : i32
    %scan3A_73 = arith.constant 72 : i32
    %scan3A_74 = arith.addi %scan3A_72, %scan3A_73 : i32
    %scan3A_75 = arith.constant 1 : i32
    scf.for %scan3A_133 = %scan3A_72 to %scan3A_74 step %scan3A_75  : i32 {
      %mul3A_134 = arith.constant 1 : i32
      %mul3A_135 = arith.muli %scan3A_133, %mul3A_134 : i32
      %add3A_136 = arith.constant 0 : i32
      %add3A_137 = arith.addi %add3A_136, %mul3A_135 : i32
      %dma_wait3A_138 = arith.constant 0 : i32
      %dma_wait3A_139 = tpu.memref_slice %arg4[%add3A_137, %dma_wait3A_138] : memref<80x128xi32, #tpu.memory_space<vmem>> -> memref<1x128xi32, #tpu.memory_space<vmem>>
      %dma_wait3A_140 = tpu.memref_squeeze %dma_wait3A_139 : memref<1x128xi32, #tpu.memory_space<vmem>> -> memref<128xi32, #tpu.memory_space<vmem>>
      %dma_wait3A_141 = arith.constant 0 : i32
      %dma_wait3A_142 = arith.constant 0 : i32
      %dma_wait3A_143 = tpu.memref_slice %arg6[%dma_wait3A_141, %dma_wait3A_142] : memref<10240x16xf32, #tpu.memory_space<vmem_shared>> -> memref<10240x16xf32, #tpu.memory_space<vmem_shared>>
      tpu.wait_indirect_dma semaphore(%arg7 : memref<!tpu.dma_semaphore, #tpu.memory_space<semaphore_mem>>) src(%arg5 : memref<128x16xf32, #tpu.memory_space<vmem>>) dst(%dma_wait3A_143 : memref<10240x16xf32, #tpu.memory_space<vmem_shared>>)
      %add3A_144 = arith.constant 8 : i32
      %add3A_145 = arith.addi %add3A_137, %add3A_144 : i32
      %dma_start3A_146 = arith.constant 0 : i32
      %dma_start3A_147 = tpu.memref_slice %arg4[%add3A_145, %dma_start3A_146] : memref<80x128xi32, #tpu.memory_space<vmem>> -> memref<1x128xi32, #tpu.memory_space<vmem>>
      %dma_start3A_148 = tpu.memref_squeeze %dma_start3A_147 : memref<1x128xi32, #tpu.memory_space<vmem>> -> memref<128xi32, #tpu.memory_space<vmem>>
      %dma_start3A_149 = arith.constant 0 : i32
      %dma_start3A_150 = arith.constant 0 : i32
      %dma_start3A_151 = tpu.memref_slice %arg6[%dma_start3A_149, %dma_start3A_150] : memref<10240x16xf32, #tpu.memory_space<vmem_shared>> -> memref<10240x16xf32, #tpu.memory_space<vmem_shared>>
      tpu.enqueue_indirect_dma source(%arg5 : memref<128x16xf32, #tpu.memory_space<vmem>>) target(%dma_start3A_151 : memref<10240x16xf32, #tpu.memory_space<vmem_shared>>) offsets(%dma_start3A_148 : memref<128xi32, #tpu.memory_space<vmem>>) semaphore(%arg7 : memref<!tpu.dma_semaphore, #tpu.memory_space<semaphore_mem>>) {add = true}
    }
    %scan3A_76 = arith.constant 72 : i32
    %dma_wait3A = arith.constant 72 : i32
    %dma_wait3A_77 = arith.constant 0 : i32
    %dma_wait3A_78 = tpu.memref_slice %arg4[%dma_wait3A, %dma_wait3A_77] : memref<80x128xi32, #tpu.memory_space<vmem>> -> memref<1x128xi32, #tpu.memory_space<vmem>>
    %dma_wait3A_79 = tpu.memref_squeeze %dma_wait3A_78 : memref<1x128xi32, #tpu.memory_space<vmem>> -> memref<128xi32, #tpu.memory_space<vmem>>
    %dma_wait3A_80 = arith.constant 0 : i32
    %dma_wait3A_81 = arith.constant 0 : i32
    %dma_wait3A_82 = tpu.memref_slice %arg6[%dma_wait3A_80, %dma_wait3A_81] : memref<10240x16xf32, #tpu.memory_space<vmem_shared>> -> memref<10240x16xf32, #tpu.memory_space<vmem_shared>>
    tpu.wait_indirect_dma semaphore(%arg7 : memref<!tpu.dma_semaphore, #tpu.memory_space<semaphore_mem>>) src(%arg5 : memref<128x16xf32, #tpu.memory_space<vmem>>) dst(%dma_wait3A_82 : memref<10240x16xf32, #tpu.memory_space<vmem_shared>>)
    %dma_wait3A_83 = arith.constant 73 : i32
    %dma_wait3A_84 = arith.constant 0 : i32
    %dma_wait3A_85 = tpu.memref_slice %arg4[%dma_wait3A_83, %dma_wait3A_84] : memref<80x128xi32, #tpu.memory_space<vmem>> -> memref<1x128xi32, #tpu.memory_space<vmem>>
    %dma_wait3A_86 = tpu.memref_squeeze %dma_wait3A_85 : memref<1x128xi32, #tpu.memory_space<vmem>> -> memref<128xi32, #tpu.memory_space<vmem>>
    %dma_wait3A_87 = arith.constant 0 : i32
    %dma_wait3A_88 = arith.constant 0 : i32
    %dma_wait3A_89 = tpu.memref_slice %arg6[%dma_wait3A_87, %dma_wait3A_88] : memref<10240x16xf32, #tpu.memory_space<vmem_shared>> -> memref<10240x16xf32, #tpu.memory_space<vmem_shared>>
    tpu.wait_indirect_dma semaphore(%arg7 : memref<!tpu.dma_semaphore, #tpu.memory_space<semaphore_mem>>) src(%arg5 : memref<128x16xf32, #tpu.memory_space<vmem>>) dst(%dma_wait3A_89 : memref<10240x16xf32, #tpu.memory_space<vmem_shared>>)
    %dma_wait3A_90 = arith.constant 74 : i32
    %dma_wait3A_91 = arith.constant 0 : i32
    %dma_wait3A_92 = tpu.memref_slice %arg4[%dma_wait3A_90, %dma_wait3A_91] : memref<80x128xi32, #tpu.memory_space<vmem>> -> memref<1x128xi32, #tpu.memory_space<vmem>>
    %dma_wait3A_93 = tpu.memref_squeeze %dma_wait3A_92 : memref<1x128xi32, #tpu.memory_space<vmem>> -> memref<128xi32, #tpu.memory_space<vmem>>
    %dma_wait3A_94 = arith.constant 0 : i32
    %dma_wait3A_95 = arith.constant 0 : i32
    %dma_wait3A_96 = tpu.memref_slice %arg6[%dma_wait3A_94, %dma_wait3A_95] : memref<10240x16xf32, #tpu.memory_space<vmem_shared>> -> memref<10240x16xf32, #tpu.memory_space<vmem_shared>>
    tpu.wait_indirect_dma semaphore(%arg7 : memref<!tpu.dma_semaphore, #tpu.memory_space<semaphore_mem>>) src(%arg5 : memref<128x16xf32, #tpu.memory_space<vmem>>) dst(%dma_wait3A_96 : memref<10240x16xf32, #tpu.memory_space<vmem_shared>>)
    %dma_wait3A_97 = arith.constant 75 : i32
    %dma_wait3A_98 = arith.constant 0 : i32
    %dma_wait3A_99 = tpu.memref_slice %arg4[%dma_wait3A_97, %dma_wait3A_98] : memref<80x128xi32, #tpu.memory_space<vmem>> -> memref<1x128xi32, #tpu.memory_space<vmem>>
    %dma_wait3A_100 = tpu.memref_squeeze %dma_wait3A_99 : memref<1x128xi32, #tpu.memory_space<vmem>> -> memref<128xi32, #tpu.memory_space<vmem>>
    %dma_wait3A_101 = arith.constant 0 : i32
    %dma_wait3A_102 = arith.constant 0 : i32
    %dma_wait3A_103 = tpu.memref_slice %arg6[%dma_wait3A_101, %dma_wait3A_102] : memref<10240x16xf32, #tpu.memory_space<vmem_shared>> -> memref<10240x16xf32, #tpu.memory_space<vmem_shared>>
    tpu.wait_indirect_dma semaphore(%arg7 : memref<!tpu.dma_semaphore, #tpu.memory_space<semaphore_mem>>) src(%arg5 : memref<128x16xf32, #tpu.memory_space<vmem>>) dst(%dma_wait3A_103 : memref<10240x16xf32, #tpu.memory_space<vmem_shared>>)
    %dma_wait3A_104 = arith.constant 76 : i32
    %dma_wait3A_105 = arith.constant 0 : i32
    %dma_wait3A_106 = tpu.memref_slice %arg4[%dma_wait3A_104, %dma_wait3A_105] : memref<80x128xi32, #tpu.memory_space<vmem>> -> memref<1x128xi32, #tpu.memory_space<vmem>>
    %dma_wait3A_107 = tpu.memref_squeeze %dma_wait3A_106 : memref<1x128xi32, #tpu.memory_space<vmem>> -> memref<128xi32, #tpu.memory_space<vmem>>
    %dma_wait3A_108 = arith.constant 0 : i32
    %dma_wait3A_109 = arith.constant 0 : i32
    %dma_wait3A_110 = tpu.memref_slice %arg6[%dma_wait3A_108, %dma_wait3A_109] : memref<10240x16xf32, #tpu.memory_space<vmem_shared>> -> memref<10240x16xf32, #tpu.memory_space<vmem_shared>>
    tpu.wait_indirect_dma semaphore(%arg7 : memref<!tpu.dma_semaphore, #tpu.memory_space<semaphore_mem>>) src(%arg5 : memref<128x16xf32, #tpu.memory_space<vmem>>) dst(%dma_wait3A_110 : memref<10240x16xf32, #tpu.memory_space<vmem_shared>>)
    %dma_wait3A_111 = arith.constant 77 : i32
    %dma_wait3A_112 = arith.constant 0 : i32
    %dma_wait3A_113 = tpu.memref_slice %arg4[%dma_wait3A_111, %dma_wait3A_112] : memref<80x128xi32, #tpu.memory_space<vmem>> -> memref<1x128xi32, #tpu.memory_space<vmem>>
    %dma_wait3A_114 = tpu.memref_squeeze %dma_wait3A_113 : memref<1x128xi32, #tpu.memory_space<vmem>> -> memref<128xi32, #tpu.memory_space<vmem>>
    %dma_wait3A_115 = arith.constant 0 : i32
    %dma_wait3A_116 = arith.constant 0 : i32
    %dma_wait3A_117 = tpu.memref_slice %arg6[%dma_wait3A_115, %dma_wait3A_116] : memref<10240x16xf32, #tpu.memory_space<vmem_shared>> -> memref<10240x16xf32, #tpu.memory_space<vmem_shared>>
    tpu.wait_indirect_dma semaphore(%arg7 : memref<!tpu.dma_semaphore, #tpu.memory_space<semaphore_mem>>) src(%arg5 : memref<128x16xf32, #tpu.memory_space<vmem>>) dst(%dma_wait3A_117 : memref<10240x16xf32, #tpu.memory_space<vmem_shared>>)
    %dma_wait3A_118 = arith.constant 78 : i32
    %dma_wait3A_119 = arith.constant 0 : i32
    %dma_wait3A_120 = tpu.memref_slice %arg4[%dma_wait3A_118, %dma_wait3A_119] : memref<80x128xi32, #tpu.memory_space<vmem>> -> memref<1x128xi32, #tpu.memory_space<vmem>>
    %dma_wait3A_121 = tpu.memref_squeeze %dma_wait3A_120 : memref<1x128xi32, #tpu.memory_space<vmem>> -> memref<128xi32, #tpu.memory_space<vmem>>
    %dma_wait3A_122 = arith.constant 0 : i32
    %dma_wait3A_123 = arith.constant 0 : i32
    %dma_wait3A_124 = tpu.memref_slice %arg6[%dma_wait3A_122, %dma_wait3A_123] : memref<10240x16xf32, #tpu.memory_space<vmem_shared>> -> memref<10240x16xf32, #tpu.memory_space<vmem_shared>>
    tpu.wait_indirect_dma semaphore(%arg7 : memref<!tpu.dma_semaphore, #tpu.memory_space<semaphore_mem>>) src(%arg5 : memref<128x16xf32, #tpu.memory_space<vmem>>) dst(%dma_wait3A_124 : memref<10240x16xf32, #tpu.memory_space<vmem_shared>>)
    %dma_wait3A_125 = arith.constant 79 : i32
    %dma_wait3A_126 = arith.constant 0 : i32
    %dma_wait3A_127 = tpu.memref_slice %arg4[%dma_wait3A_125, %dma_wait3A_126] : memref<80x128xi32, #tpu.memory_space<vmem>> -> memref<1x128xi32, #tpu.memory_space<vmem>>
    %dma_wait3A_128 = tpu.memref_squeeze %dma_wait3A_127 : memref<1x128xi32, #tpu.memory_space<vmem>> -> memref<128xi32, #tpu.memory_space<vmem>>
    %dma_wait3A_129 = arith.constant 0 : i32
    %dma_wait3A_130 = arith.constant 0 : i32
    %dma_wait3A_131 = tpu.memref_slice %arg6[%dma_wait3A_129, %dma_wait3A_130] : memref<10240x16xf32, #tpu.memory_space<vmem_shared>> -> memref<10240x16xf32, #tpu.memory_space<vmem_shared>>
    tpu.wait_indirect_dma semaphore(%arg7 : memref<!tpu.dma_semaphore, #tpu.memory_space<semaphore_mem>>) src(%arg5 : memref<128x16xf32, #tpu.memory_space<vmem>>) dst(%dma_wait3A_131 : memref<10240x16xf32, #tpu.memory_space<vmem_shared>>)
    %barrier3A_132 = arith.constant 0 : index
    tpu.barrier barrier_id(%barrier3A_132)
    "tpu.region"() ({
      %run_scoped3A = tpu.sem_alloc : memref<!tpu.dma_semaphore, #tpu.memory_space<semaphore_mem>>
      %dma_start3A_133 = arith.constant 0 : i32
      %dma_start3A_134 = tpu.memref_slice %arg3[%arg0, %mul3A_2, %dma_start3A_133] : memref<2x10240x16xf32, #tpu.memory_space<hbm>> -> memref<1x640x16xf32, #tpu.memory_space<hbm>>
      %dma_start3A_135 = tpu.memref_squeeze %dma_start3A_134 : memref<1x640x16xf32, #tpu.memory_space<hbm>> -> memref<640x16xf32, #tpu.memory_space<hbm>>
      %dma_start3A_136 = arith.constant 0 : i32
      %dma_start3A_137 = tpu.memref_slice %arg6[%mul3A_2, %dma_start3A_136] : memref<10240x16xf32, #tpu.memory_space<vmem_shared>> -> memref<640x16xf32, #tpu.memory_space<vmem_shared>>
      tpu.enqueue_dma source(%dma_start3A_137 : memref<640x16xf32, #tpu.memory_space<vmem_shared>>) target(%dma_start3A_135 : memref<640x16xf32, #tpu.memory_space<hbm>>) target_semaphore(%run_scoped3A : memref<!tpu.dma_semaphore, #tpu.memory_space<semaphore_mem>>)
      %dma_wait3A_138 = arith.constant 0 : i32
      %dma_wait3A_139 = tpu.memref_slice %arg3[%arg0, %mul3A_2, %dma_wait3A_138] : memref<2x10240x16xf32, #tpu.memory_space<hbm>> -> memref<1x640x16xf32, #tpu.memory_space<hbm>>
      %dma_wait3A_140 = tpu.memref_squeeze %dma_wait3A_139 : memref<1x640x16xf32, #tpu.memory_space<hbm>> -> memref<640x16xf32, #tpu.memory_space<hbm>>
      %dma_wait3A_141 = arith.constant 0 : i32
      %dma_wait3A_142 = tpu.memref_slice %arg6[%mul3A_2, %dma_wait3A_141] : memref<10240x16xf32, #tpu.memory_space<vmem_shared>> -> memref<640x16xf32, #tpu.memory_space<vmem_shared>>
      tpu.wait_dma2 semaphore(%run_scoped3A : memref<!tpu.dma_semaphore, #tpu.memory_space<semaphore_mem>>) src(%dma_wait3A_142 : memref<640x16xf32, #tpu.memory_space<vmem_shared>>) dst(%dma_wait3A_140 : memref<640x16xf32, #tpu.memory_space<hbm>>)
      tpu.yield
    }) : () -> ()
    return
  }
}

#map = affine_map<(d0, d1) -> (0, 0, 0)>
module attributes {stable_mosaic.version = 14 : i64} {
  func.func @_prop_sc(%arg0: i32, %arg1: i32, %arg2: memref<2x10240x64xf32, #tpu.memory_space<hbm>>, %arg3: memref<16x160x128xi32, #tpu.memory_space<hbm>>, %arg4: memref<16x160x128xi32, #tpu.memory_space<hbm>>, %arg5: memref<2x10240x64xf32, #tpu.memory_space<hbm>>, %arg6: memref<160x128xi32, #tpu.memory_space<vmem>>, %arg7: memref<160x128xi32, #tpu.memory_space<vmem>>, %arg8: memref<5x128x64xf32, #tpu.memory_space<vmem>>, %arg9: memref<10240x64xf32, #tpu.memory_space<vmem_shared>>, %arg10: memref<!tpu.dma_semaphore, #tpu.memory_space<semaphore_mem>>, %arg11: memref<!tpu.dma_semaphore, #tpu.memory_space<semaphore_mem>>, %arg12: memref<!tpu.dma_semaphore, #tpu.memory_space<semaphore_mem>>, %arg13: memref<!tpu.dma_semaphore, #tpu.memory_space<semaphore_mem>>, %arg14: memref<!tpu.dma_semaphore, #tpu.memory_space<semaphore_mem>>, %arg15: memref<!tpu.dma_semaphore, #tpu.memory_space<semaphore_mem>>, %arg16: memref<!tpu.dma_semaphore, #tpu.memory_space<semaphore_mem>>, %arg17: memref<!tpu.dma_semaphore, #tpu.memory_space<semaphore_mem>>, %arg18: memref<!tpu.dma_semaphore, #tpu.memory_space<semaphore_mem>>, %arg19: memref<!tpu.dma_semaphore, #tpu.memory_space<semaphore_mem>>) attributes {dimension_semantics = [#tpu.dimension_semantics<core_parallel>, #tpu.dimension_semantics<subcore_parallel>], iteration_bounds = array<i64: 2, 16>, scalar_prefetch = 0 : i64, scratch_operands = 14 : i64, tpu.core_type = #tpu.core_type<sc_vector_subcore>, window_params = [{transform_indices = #map}, {transform_indices = #map}, {transform_indices = #map}, {transform_indices = #map}]} {
    %mul3A = arith.constant 640 : i32
    %mul3A_0 = arith.muli %arg1, %mul3A : i32
    %scan3A = arith.constant 0 : i32
    %scan3A_1 = arith.constant 128 : i32
    %scan3A_2 = arith.addi %scan3A, %scan3A_1 : i32
    %scan3A_3 = arith.constant 1 : i32
    scf.for %scan3A_294 = %scan3A to %scan3A_2 step %scan3A_3  : i32 {
      %mul3A_295 = arith.constant 1 : i32
      %mul3A_296 = arith.muli %scan3A_294, %mul3A_295 : i32
      %add3A = arith.constant 0 : i32
      %add3A_297 = arith.addi %add3A, %mul3A_296 : i32
      %scan3A_298 = arith.constant 0 : i32
      %scan3A_299 = arith.constant 4 : i32
      %scan3A_300 = arith.addi %scan3A_298, %scan3A_299 : i32
      %scan3A_301 = arith.constant 1 : i32
      scf.for %scan3A_303 = %scan3A_298 to %scan3A_300 step %scan3A_301  : i32 {
        %mul3A_304 = arith.constant 1 : i32
        %mul3A_305 = arith.muli %scan3A_303, %mul3A_304 : i32
        %add3A_306 = arith.constant 0 : i32
        %add3A_307 = arith.addi %add3A_306, %mul3A_305 : i32
        %broadcast_in_dim3A = arith.constant 0.000000e+00 : f32
        %broadcast_in_dim3A_308 = vector.broadcast %broadcast_in_dim3A : f32 to vector<16xf32>
        %mul3A_309 = arith.constant 16 : i32
        %mul3A_310 = arith.muli %add3A_307, %mul3A_309 : i32
        %swap3A = arith.constant 0 : i32
        %swap3A_311 = arith.index_cast %swap3A : i32 to index
        %swap3A_312 = arith.index_cast %add3A_297 : i32 to index
        %swap3A_313 = arith.index_cast %mul3A_310 : i32 to index
        %swap3A_314 = tpu.vector_load %arg8[%swap3A_311, %swap3A_312, %swap3A_313] {strides = array<i32>} : memref<5x128x64xf32, #tpu.memory_space<vmem>>, vector<1x1x16xf32>,
        %swap3A_315 = vector.shape_cast %swap3A_314 : vector<1x1x16xf32> to vector<16xf32>
        %swap3A_316 = vector.shape_cast %broadcast_in_dim3A_308 : vector<16xf32> to vector<1x1x16xf32>
        tpu.vector_store %arg8[%swap3A_311, %swap3A_312, %swap3A_313], %swap3A_316 {strides = array<i32>} : memref<5x128x64xf32, #tpu.memory_space<vmem>>, vector<1x1x16xf32>,
      }
      %scan3A_302 = arith.constant 4 : i32
    }
    %scan3A_4 = arith.constant 128 : i32
    %scan3A_5 = arith.constant 0 : i32
    %scan3A_6 = arith.constant 5 : i32
    %scan3A_7 = arith.addi %scan3A_5, %scan3A_6 : i32
    %scan3A_8 = arith.constant 1 : i32
    scf.for %scan3A_294 = %scan3A_5 to %scan3A_7 step %scan3A_8  : i32 {
      %mul3A_295 = arith.constant 1 : i32
      %mul3A_296 = arith.muli %scan3A_294, %mul3A_295 : i32
      %add3A = arith.constant 0 : i32
      %add3A_297 = arith.addi %add3A, %mul3A_296 : i32
      %mul3A_298 = arith.constant 128 : i32
      %mul3A_299 = arith.muli %add3A_297, %mul3A_298 : i32
      %add3A_300 = arith.addi %mul3A_0, %mul3A_299 : i32
      %run_scoped3A = arith.constant 0 : i32
      "tpu.region"() ({
        %run_scoped3A_301 = tpu.sem_alloc : memref<!tpu.dma_semaphore, #tpu.memory_space<semaphore_mem>>
        %dma_start3A_302 = arith.constant 0 : i32
        %dma_start3A_303 = arith.constant 0 : i32
        %dma_start3A_304 = tpu.memref_slice %arg8[%run_scoped3A, %dma_start3A_302, %dma_start3A_303] : memref<5x128x64xf32, #tpu.memory_space<vmem>> -> memref<1x128x64xf32, #tpu.memory_space<vmem>>
        %dma_start3A_305 = tpu.memref_squeeze %dma_start3A_304 : memref<1x128x64xf32, #tpu.memory_space<vmem>> -> memref<128x64xf32, #tpu.memory_space<vmem>>
        %dma_start3A_306 = arith.constant 0 : i32
        %dma_start3A_307 = tpu.memref_slice %arg9[%add3A_300, %dma_start3A_306] : memref<10240x64xf32, #tpu.memory_space<vmem_shared>> -> memref<128x64xf32, #tpu.memory_space<vmem_shared>>
        %dma_start3A_308 = arith.constant 0 : i32
        %dma_start3A_309 = tpu.memref_slice %arg9[%add3A_300, %dma_start3A_308] : memref<10240x64xf32, #tpu.memory_space<vmem_shared>> -> memref<128x64xf32, #tpu.memory_space<vmem_shared>>
        %dma_start3A_310 = arith.constant 0 : i32
        %dma_start3A_311 = arith.constant 0 : i32
        %dma_start3A_312 = tpu.memref_slice %arg8[%run_scoped3A, %dma_start3A_310, %dma_start3A_311] : memref<5x128x64xf32, #tpu.memory_space<vmem>> -> memref<1x128x64xf32, #tpu.memory_space<vmem>>
        %dma_start3A_313 = tpu.memref_squeeze %dma_start3A_312 : memref<1x128x64xf32, #tpu.memory_space<vmem>> -> memref<128x64xf32, #tpu.memory_space<vmem>>
        tpu.enqueue_dma source(%dma_start3A_313 : memref<128x64xf32, #tpu.memory_space<vmem>>) target(%dma_start3A_309 : memref<128x64xf32, #tpu.memory_space<vmem_shared>>) target_semaphore(%run_scoped3A_301 : memref<!tpu.dma_semaphore, #tpu.memory_space<semaphore_mem>>)
        %dma_wait3A_314 = arith.constant 0 : i32
        %dma_wait3A_315 = arith.constant 0 : i32
        %dma_wait3A_316 = tpu.memref_slice %arg8[%run_scoped3A, %dma_wait3A_314, %dma_wait3A_315] : memref<5x128x64xf32, #tpu.memory_space<vmem>> -> memref<1x128x64xf32, #tpu.memory_space<vmem>>
        %dma_wait3A_317 = tpu.memref_squeeze %dma_wait3A_316 : memref<1x128x64xf32, #tpu.memory_space<vmem>> -> memref<128x64xf32, #tpu.memory_space<vmem>>
        %dma_wait3A_318 = arith.constant 0 : i32
        %dma_wait3A_319 = tpu.memref_slice %arg9[%add3A_300, %dma_wait3A_318] : memref<10240x64xf32, #tpu.memory_space<vmem_shared>> -> memref<128x64xf32, #tpu.memory_space<vmem_shared>>
        %dma_wait3A_320 = arith.constant 0 : i32
        %dma_wait3A_321 = tpu.memref_slice %arg9[%add3A_300, %dma_wait3A_320] : memref<10240x64xf32, #tpu.memory_space<vmem_shared>> -> memref<128x64xf32, #tpu.memory_space<vmem_shared>>
        %dma_wait3A_322 = arith.constant 0 : i32
        %dma_wait3A_323 = arith.constant 0 : i32
        %dma_wait3A_324 = tpu.memref_slice %arg8[%run_scoped3A, %dma_wait3A_322, %dma_wait3A_323] : memref<5x128x64xf32, #tpu.memory_space<vmem>> -> memref<1x128x64xf32, #tpu.memory_space<vmem>>
        %dma_wait3A_325 = tpu.memref_squeeze %dma_wait3A_324 : memref<1x128x64xf32, #tpu.memory_space<vmem>> -> memref<128x64xf32, #tpu.memory_space<vmem>>
        tpu.wait_dma2 semaphore(%run_scoped3A_301 : memref<!tpu.dma_semaphore, #tpu.memory_space<semaphore_mem>>) src(%dma_wait3A_325 : memref<128x64xf32, #tpu.memory_space<vmem>>) dst(%dma_wait3A_321 : memref<128x64xf32, #tpu.memory_space<vmem_shared>>)
        tpu.yield
      }) : () -> ()
    }
    %scan3A_9 = arith.constant 5 : i32
    "tpu.region"() ({
      %run_scoped3A = tpu.sem_alloc : memref<!tpu.dma_semaphore, #tpu.memory_space<semaphore_mem>>
      %dma_start3A_294 = arith.constant 0 : i32
      %dma_start3A_295 = arith.constant 0 : i32
      %dma_start3A_296 = tpu.memref_slice %arg3[%arg1, %dma_start3A_294, %dma_start3A_295] : memref<16x160x128xi32, #tpu.memory_space<hbm>> -> memref<1x160x128xi32, #tpu.memory_space<hbm>>
      %dma_start3A_297 = tpu.memref_squeeze %dma_start3A_296 : memref<1x160x128xi32, #tpu.memory_space<hbm>> -> memref<160x128xi32, #tpu.memory_space<hbm>>
      %dma_start3A_298 = arith.constant 0 : i32
      %dma_start3A_299 = arith.constant 0 : i32
      %dma_start3A_300 = tpu.memref_slice %arg3[%arg1, %dma_start3A_298, %dma_start3A_299] : memref<16x160x128xi32, #tpu.memory_space<hbm>> -> memref<1x160x128xi32, #tpu.memory_space<hbm>>
      %dma_start3A_301 = tpu.memref_squeeze %dma_start3A_300 : memref<1x160x128xi32, #tpu.memory_space<hbm>> -> memref<160x128xi32, #tpu.memory_space<hbm>>
      tpu.enqueue_dma source(%dma_start3A_301 : memref<160x128xi32, #tpu.memory_space<hbm>>) target(%arg6 : memref<160x128xi32, #tpu.memory_space<vmem>>) target_semaphore(%run_scoped3A : memref<!tpu.dma_semaphore, #tpu.memory_space<semaphore_mem>>)
      %dma_wait3A_302 = arith.constant 0 : i32
      %dma_wait3A_303 = arith.constant 0 : i32
      %dma_wait3A_304 = tpu.memref_slice %arg3[%arg1, %dma_wait3A_302, %dma_wait3A_303] : memref<16x160x128xi32, #tpu.memory_space<hbm>> -> memref<1x160x128xi32, #tpu.memory_space<hbm>>
      %dma_wait3A_305 = tpu.memref_squeeze %dma_wait3A_304 : memref<1x160x128xi32, #tpu.memory_space<hbm>> -> memref<160x128xi32, #tpu.memory_space<hbm>>
      %dma_wait3A_306 = arith.constant 0 : i32
      %dma_wait3A_307 = arith.constant 0 : i32
      %dma_wait3A_308 = tpu.memref_slice %arg3[%arg1, %dma_wait3A_306, %dma_wait3A_307] : memref<16x160x128xi32, #tpu.memory_space<hbm>> -> memref<1x160x128xi32, #tpu.memory_space<hbm>>
      %dma_wait3A_309 = tpu.memref_squeeze %dma_wait3A_308 : memref<1x160x128xi32, #tpu.memory_space<hbm>> -> memref<160x128xi32, #tpu.memory_space<hbm>>
      tpu.wait_dma2 semaphore(%run_scoped3A : memref<!tpu.dma_semaphore, #tpu.memory_space<semaphore_mem>>) src(%dma_wait3A_309 : memref<160x128xi32, #tpu.memory_space<hbm>>) dst(%arg6 : memref<160x128xi32, #tpu.memory_space<vmem>>)
      tpu.yield
    }) : () -> ()
    "tpu.region"() ({
      %run_scoped3A = tpu.sem_alloc : memref<!tpu.dma_semaphore, #tpu.memory_space<semaphore_mem>>
      %dma_start3A_294 = arith.constant 0 : i32
      %dma_start3A_295 = arith.constant 0 : i32
      %dma_start3A_296 = tpu.memref_slice %arg4[%arg1, %dma_start3A_294, %dma_start3A_295] : memref<16x160x128xi32, #tpu.memory_space<hbm>> -> memref<1x160x128xi32, #tpu.memory_space<hbm>>
      %dma_start3A_297 = tpu.memref_squeeze %dma_start3A_296 : memref<1x160x128xi32, #tpu.memory_space<hbm>> -> memref<160x128xi32, #tpu.memory_space<hbm>>
      %dma_start3A_298 = arith.constant 0 : i32
      %dma_start3A_299 = arith.constant 0 : i32
      %dma_start3A_300 = tpu.memref_slice %arg4[%arg1, %dma_start3A_298, %dma_start3A_299] : memref<16x160x128xi32, #tpu.memory_space<hbm>> -> memref<1x160x128xi32, #tpu.memory_space<hbm>>
      %dma_start3A_301 = tpu.memref_squeeze %dma_start3A_300 : memref<1x160x128xi32, #tpu.memory_space<hbm>> -> memref<160x128xi32, #tpu.memory_space<hbm>>
      tpu.enqueue_dma source(%dma_start3A_301 : memref<160x128xi32, #tpu.memory_space<hbm>>) target(%arg7 : memref<160x128xi32, #tpu.memory_space<vmem>>) target_semaphore(%run_scoped3A : memref<!tpu.dma_semaphore, #tpu.memory_space<semaphore_mem>>)
      %dma_wait3A_302 = arith.constant 0 : i32
      %dma_wait3A_303 = arith.constant 0 : i32
      %dma_wait3A_304 = tpu.memref_slice %arg4[%arg1, %dma_wait3A_302, %dma_wait3A_303] : memref<16x160x128xi32, #tpu.memory_space<hbm>> -> memref<1x160x128xi32, #tpu.memory_space<hbm>>
      %dma_wait3A_305 = tpu.memref_squeeze %dma_wait3A_304 : memref<1x160x128xi32, #tpu.memory_space<hbm>> -> memref<160x128xi32, #tpu.memory_space<hbm>>
      %dma_wait3A_306 = arith.constant 0 : i32
      %dma_wait3A_307 = arith.constant 0 : i32
      %dma_wait3A_308 = tpu.memref_slice %arg4[%arg1, %dma_wait3A_306, %dma_wait3A_307] : memref<16x160x128xi32, #tpu.memory_space<hbm>> -> memref<1x160x128xi32, #tpu.memory_space<hbm>>
      %dma_wait3A_309 = tpu.memref_squeeze %dma_wait3A_308 : memref<1x160x128xi32, #tpu.memory_space<hbm>> -> memref<160x128xi32, #tpu.memory_space<hbm>>
      tpu.wait_dma2 semaphore(%run_scoped3A : memref<!tpu.dma_semaphore, #tpu.memory_space<semaphore_mem>>) src(%dma_wait3A_309 : memref<160x128xi32, #tpu.memory_space<hbm>>) dst(%arg7 : memref<160x128xi32, #tpu.memory_space<vmem>>)
      tpu.yield
    }) : () -> ()
    %barrier3A = arith.constant 0 : index
    tpu.barrier barrier_id(%barrier3A)
    %dma_start3A = arith.constant 0 : i32
    %dma_start3A_10 = arith.constant 0 : i32
    %dma_start3A_11 = arith.constant 0 : i32
    %dma_start3A_12 = arith.constant 0 : i32
    %dma_start3A_13 = tpu.memref_slice %arg8[%dma_start3A_10, %dma_start3A_11, %dma_start3A_12] : memref<5x128x64xf32, #tpu.memory_space<vmem>> -> memref<1x128x64xf32, #tpu.memory_space<vmem>>
    %dma_start3A_14 = tpu.memref_squeeze %dma_start3A_13 : memref<1x128x64xf32, #tpu.memory_space<vmem>> -> memref<128x64xf32, #tpu.memory_space<vmem>>
    %dma_start3A_15 = arith.constant 0 : i32
    %dma_start3A_16 = tpu.memref_slice %arg6[%dma_start3A, %dma_start3A_15] : memref<160x128xi32, #tpu.memory_space<vmem>> -> memref<1x128xi32, #tpu.memory_space<vmem>>
    %dma_start3A_17 = tpu.memref_squeeze %dma_start3A_16 : memref<1x128xi32, #tpu.memory_space<vmem>> -> memref<128xi32, #tpu.memory_space<vmem>>
    %dma_start3A_18 = arith.constant 0 : i32
    %dma_start3A_19 = arith.constant 0 : i32
    %dma_start3A_20 = tpu.memref_slice %arg2[%arg0, %dma_start3A_18, %dma_start3A_19] : memref<2x10240x64xf32, #tpu.memory_space<hbm>> -> memref<1x10240x64xf32, #tpu.memory_space<hbm>>
    %dma_start3A_21 = tpu.memref_squeeze %dma_start3A_20 : memref<1x10240x64xf32, #tpu.memory_space<hbm>> -> memref<10240x64xf32, #tpu.memory_space<hbm>>
    %dma_start3A_22 = arith.constant 0 : i32
    %dma_start3A_23 = arith.constant 0 : i32
    %dma_start3A_24 = tpu.memref_slice %dma_start3A_21[%dma_start3A_22, %dma_start3A_23] : memref<10240x64xf32, #tpu.memory_space<hbm>> -> memref<10240x64xf32, #tpu.memory_space<hbm>>
    tpu.enqueue_indirect_dma source(%dma_start3A_24 : memref<10240x64xf32, #tpu.memory_space<hbm>>) target(%dma_start3A_14 : memref<128x64xf32, #tpu.memory_space<vmem>>) offsets(%dma_start3A_17 : memref<128xi32, #tpu.memory_space<vmem>>) semaphore(%arg10 : memref<!tpu.dma_semaphore, #tpu.memory_space<semaphore_mem>>)
    %dma_start3A_25 = arith.constant 1 : i32
    %dma_start3A_26 = arith.constant 1 : i32
    %dma_start3A_27 = arith.constant 0 : i32
    %dma_start3A_28 = arith.constant 0 : i32
    %dma_start3A_29 = tpu.memref_slice %arg8[%dma_start3A_26, %dma_start3A_27, %dma_start3A_28] : memref<5x128x64xf32, #tpu.memory_space<vmem>> -> memref<1x128x64xf32, #tpu.memory_space<vmem>>
    %dma_start3A_30 = tpu.memref_squeeze %dma_start3A_29 : memref<1x128x64xf32, #tpu.memory_space<vmem>> -> memref<128x64xf32, #tpu.memory_space<vmem>>
    %dma_start3A_31 = arith.constant 0 : i32
    %dma_start3A_32 = tpu.memref_slice %arg6[%dma_start3A_25, %dma_start3A_31] : memref<160x128xi32, #tpu.memory_space<vmem>> -> memref<1x128xi32, #tpu.memory_space<vmem>>
    %dma_start3A_33 = tpu.memref_squeeze %dma_start3A_32 : memref<1x128xi32, #tpu.memory_space<vmem>> -> memref<128xi32, #tpu.memory_space<vmem>>
    %dma_start3A_34 = arith.constant 0 : i32
    %dma_start3A_35 = arith.constant 0 : i32
    %dma_start3A_36 = tpu.memref_slice %arg2[%arg0, %dma_start3A_34, %dma_start3A_35] : memref<2x10240x64xf32, #tpu.memory_space<hbm>> -> memref<1x10240x64xf32, #tpu.memory_space<hbm>>
    %dma_start3A_37 = tpu.memref_squeeze %dma_start3A_36 : memref<1x10240x64xf32, #tpu.memory_space<hbm>> -> memref<10240x64xf32, #tpu.memory_space<hbm>>
    %dma_start3A_38 = arith.constant 0 : i32
    %dma_start3A_39 = arith.constant 0 : i32
    %dma_start3A_40 = tpu.memref_slice %dma_start3A_37[%dma_start3A_38, %dma_start3A_39] : memref<10240x64xf32, #tpu.memory_space<hbm>> -> memref<10240x64xf32, #tpu.memory_space<hbm>>
    tpu.enqueue_indirect_dma source(%dma_start3A_40 : memref<10240x64xf32, #tpu.memory_space<hbm>>) target(%dma_start3A_30 : memref<128x64xf32, #tpu.memory_space<vmem>>) offsets(%dma_start3A_33 : memref<128xi32, #tpu.memory_space<vmem>>) semaphore(%arg11 : memref<!tpu.dma_semaphore, #tpu.memory_space<semaphore_mem>>)
    %dma_start3A_41 = arith.constant 2 : i32
    %dma_start3A_42 = arith.constant 2 : i32
    %dma_start3A_43 = arith.constant 0 : i32
    %dma_start3A_44 = arith.constant 0 : i32
    %dma_start3A_45 = tpu.memref_slice %arg8[%dma_start3A_42, %dma_start3A_43, %dma_start3A_44] : memref<5x128x64xf32, #tpu.memory_space<vmem>> -> memref<1x128x64xf32, #tpu.memory_space<vmem>>
    %dma_start3A_46 = tpu.memref_squeeze %dma_start3A_45 : memref<1x128x64xf32, #tpu.memory_space<vmem>> -> memref<128x64xf32, #tpu.memory_space<vmem>>
    %dma_start3A_47 = arith.constant 0 : i32
    %dma_start3A_48 = tpu.memref_slice %arg6[%dma_start3A_41, %dma_start3A_47] : memref<160x128xi32, #tpu.memory_space<vmem>> -> memref<1x128xi32, #tpu.memory_space<vmem>>
    %dma_start3A_49 = tpu.memref_squeeze %dma_start3A_48 : memref<1x128xi32, #tpu.memory_space<vmem>> -> memref<128xi32, #tpu.memory_space<vmem>>
    %dma_start3A_50 = arith.constant 0 : i32
    %dma_start3A_51 = arith.constant 0 : i32
    %dma_start3A_52 = tpu.memref_slice %arg2[%arg0, %dma_start3A_50, %dma_start3A_51] : memref<2x10240x64xf32, #tpu.memory_space<hbm>> -> memref<1x10240x64xf32, #tpu.memory_space<hbm>>
    %dma_start3A_53 = tpu.memref_squeeze %dma_start3A_52 : memref<1x10240x64xf32, #tpu.memory_space<hbm>> -> memref<10240x64xf32, #tpu.memory_space<hbm>>
    %dma_start3A_54 = arith.constant 0 : i32
    %dma_start3A_55 = arith.constant 0 : i32
    %dma_start3A_56 = tpu.memref_slice %dma_start3A_53[%dma_start3A_54, %dma_start3A_55] : memref<10240x64xf32, #tpu.memory_space<hbm>> -> memref<10240x64xf32, #tpu.memory_space<hbm>>
    tpu.enqueue_indirect_dma source(%dma_start3A_56 : memref<10240x64xf32, #tpu.memory_space<hbm>>) target(%dma_start3A_46 : memref<128x64xf32, #tpu.memory_space<vmem>>) offsets(%dma_start3A_49 : memref<128xi32, #tpu.memory_space<vmem>>) semaphore(%arg12 : memref<!tpu.dma_semaphore, #tpu.memory_space<semaphore_mem>>)
    %dma_start3A_57 = arith.constant 3 : i32
    %dma_start3A_58 = arith.constant 3 : i32
    %dma_start3A_59 = arith.constant 0 : i32
    %dma_start3A_60 = arith.constant 0 : i32
    %dma_start3A_61 = tpu.memref_slice %arg8[%dma_start3A_58, %dma_start3A_59, %dma_start3A_60] : memref<5x128x64xf32, #tpu.memory_space<vmem>> -> memref<1x128x64xf32, #tpu.memory_space<vmem>>
    %dma_start3A_62 = tpu.memref_squeeze %dma_start3A_61 : memref<1x128x64xf32, #tpu.memory_space<vmem>> -> memref<128x64xf32, #tpu.memory_space<vmem>>
    %dma_start3A_63 = arith.constant 0 : i32
    %dma_start3A_64 = tpu.memref_slice %arg6[%dma_start3A_57, %dma_start3A_63] : memref<160x128xi32, #tpu.memory_space<vmem>> -> memref<1x128xi32, #tpu.memory_space<vmem>>
    %dma_start3A_65 = tpu.memref_squeeze %dma_start3A_64 : memref<1x128xi32, #tpu.memory_space<vmem>> -> memref<128xi32, #tpu.memory_space<vmem>>
    %dma_start3A_66 = arith.constant 0 : i32
    %dma_start3A_67 = arith.constant 0 : i32
    %dma_start3A_68 = tpu.memref_slice %arg2[%arg0, %dma_start3A_66, %dma_start3A_67] : memref<2x10240x64xf32, #tpu.memory_space<hbm>> -> memref<1x10240x64xf32, #tpu.memory_space<hbm>>
    %dma_start3A_69 = tpu.memref_squeeze %dma_start3A_68 : memref<1x10240x64xf32, #tpu.memory_space<hbm>> -> memref<10240x64xf32, #tpu.memory_space<hbm>>
    %dma_start3A_70 = arith.constant 0 : i32
    %dma_start3A_71 = arith.constant 0 : i32
    %dma_start3A_72 = tpu.memref_slice %dma_start3A_69[%dma_start3A_70, %dma_start3A_71] : memref<10240x64xf32, #tpu.memory_space<hbm>> -> memref<10240x64xf32, #tpu.memory_space<hbm>>
    tpu.enqueue_indirect_dma source(%dma_start3A_72 : memref<10240x64xf32, #tpu.memory_space<hbm>>) target(%dma_start3A_62 : memref<128x64xf32, #tpu.memory_space<vmem>>) offsets(%dma_start3A_65 : memref<128xi32, #tpu.memory_space<vmem>>) semaphore(%arg13 : memref<!tpu.dma_semaphore, #tpu.memory_space<semaphore_mem>>)
    %dma_wait3A = arith.constant 0 : i32
    %dma_wait3A_73 = arith.constant 0 : i32
    %dma_wait3A_74 = arith.constant 0 : i32
    %dma_wait3A_75 = arith.constant 0 : i32
    %dma_wait3A_76 = tpu.memref_slice %arg8[%dma_wait3A_73, %dma_wait3A_74, %dma_wait3A_75] : memref<5x128x64xf32, #tpu.memory_space<vmem>> -> memref<1x128x64xf32, #tpu.memory_space<vmem>>
    %dma_wait3A_77 = tpu.memref_squeeze %dma_wait3A_76 : memref<1x128x64xf32, #tpu.memory_space<vmem>> -> memref<128x64xf32, #tpu.memory_space<vmem>>
    %dma_wait3A_78 = arith.constant 0 : i32
    %dma_wait3A_79 = tpu.memref_slice %arg6[%dma_wait3A, %dma_wait3A_78] : memref<160x128xi32, #tpu.memory_space<vmem>> -> memref<1x128xi32, #tpu.memory_space<vmem>>
    %dma_wait3A_80 = tpu.memref_squeeze %dma_wait3A_79 : memref<1x128xi32, #tpu.memory_space<vmem>> -> memref<128xi32, #tpu.memory_space<vmem>>
    %dma_wait3A_81 = arith.constant 0 : i32
    %dma_wait3A_82 = arith.constant 0 : i32
    %dma_wait3A_83 = tpu.memref_slice %arg2[%arg0, %dma_wait3A_81, %dma_wait3A_82] : memref<2x10240x64xf32, #tpu.memory_space<hbm>> -> memref<1x10240x64xf32, #tpu.memory_space<hbm>>
    %dma_wait3A_84 = tpu.memref_squeeze %dma_wait3A_83 : memref<1x10240x64xf32, #tpu.memory_space<hbm>> -> memref<10240x64xf32, #tpu.memory_space<hbm>>
    %dma_wait3A_85 = arith.constant 0 : i32
    %dma_wait3A_86 = arith.constant 0 : i32
    %dma_wait3A_87 = tpu.memref_slice %dma_wait3A_84[%dma_wait3A_85, %dma_wait3A_86] : memref<10240x64xf32, #tpu.memory_space<hbm>> -> memref<10240x64xf32, #tpu.memory_space<hbm>>
    tpu.wait_indirect_dma semaphore(%arg10 : memref<!tpu.dma_semaphore, #tpu.memory_space<semaphore_mem>>) src(%dma_wait3A_87 : memref<10240x64xf32, #tpu.memory_space<hbm>>) dst(%dma_wait3A_77 : memref<128x64xf32, #tpu.memory_space<vmem>>)
    %dma_start3A_88 = arith.constant 0 : i32
    %dma_start3A_89 = arith.constant 0 : i32
    %dma_start3A_90 = arith.constant 0 : i32
    %dma_start3A_91 = arith.constant 0 : i32
    %dma_start3A_92 = tpu.memref_slice %arg8[%dma_start3A_88, %dma_start3A_90, %dma_start3A_91] : memref<5x128x64xf32, #tpu.memory_space<vmem>> -> memref<1x128x64xf32, #tpu.memory_space<vmem>>
    %dma_start3A_93 = tpu.memref_squeeze %dma_start3A_92 : memref<1x128x64xf32, #tpu.memory_space<vmem>> -> memref<128x64xf32, #tpu.memory_space<vmem>>
    %dma_start3A_94 = arith.constant 0 : i32
    %dma_start3A_95 = tpu.memref_slice %arg7[%dma_start3A_89, %dma_start3A_94] : memref<160x128xi32, #tpu.memory_space<vmem>> -> memref<1x128xi32, #tpu.memory_space<vmem>>
    %dma_start3A_96 = tpu.memref_squeeze %dma_start3A_95 : memref<1x128xi32, #tpu.memory_space<vmem>> -> memref<128xi32, #tpu.memory_space<vmem>>
    %dma_start3A_97 = arith.constant 0 : i32
    %dma_start3A_98 = arith.constant 0 : i32
    %dma_start3A_99 = tpu.memref_slice %arg9[%dma_start3A_97, %dma_start3A_98] : memref<10240x64xf32, #tpu.memory_space<vmem_shared>> -> memref<10240x64xf32, #tpu.memory_space<vmem_shared>>
    tpu.enqueue_indirect_dma source(%dma_start3A_93 : memref<128x64xf32, #tpu.memory_space<vmem>>) target(%dma_start3A_99 : memref<10240x64xf32, #tpu.memory_space<vmem_shared>>) offsets(%dma_start3A_96 : memref<128xi32, #tpu.memory_space<vmem>>) semaphore(%arg15 : memref<!tpu.dma_semaphore, #tpu.memory_space<semaphore_mem>>) {add = true}
    %dma_start3A_100 = arith.constant 4 : i32
    %dma_start3A_101 = arith.constant 4 : i32
    %dma_start3A_102 = arith.constant 0 : i32
    %dma_start3A_103 = arith.constant 0 : i32
    %dma_start3A_104 = tpu.memref_slice %arg8[%dma_start3A_101, %dma_start3A_102, %dma_start3A_103] : memref<5x128x64xf32, #tpu.memory_space<vmem>> -> memref<1x128x64xf32, #tpu.memory_space<vmem>>
    %dma_start3A_105 = tpu.memref_squeeze %dma_start3A_104 : memref<1x128x64xf32, #tpu.memory_space<vmem>> -> memref<128x64xf32, #tpu.memory_space<vmem>>
    %dma_start3A_106 = arith.constant 0 : i32
    %dma_start3A_107 = tpu.memref_slice %arg6[%dma_start3A_100, %dma_start3A_106] : memref<160x128xi32, #tpu.memory_space<vmem>> -> memref<1x128xi32, #tpu.memory_space<vmem>>
    %dma_start3A_108 = tpu.memref_squeeze %dma_start3A_107 : memref<1x128xi32, #tpu.memory_space<vmem>> -> memref<128xi32, #tpu.memory_space<vmem>>
    %dma_start3A_109 = arith.constant 0 : i32
    %dma_start3A_110 = arith.constant 0 : i32
    %dma_start3A_111 = tpu.memref_slice %arg2[%arg0, %dma_start3A_109, %dma_start3A_110] : memref<2x10240x64xf32, #tpu.memory_space<hbm>> -> memref<1x10240x64xf32, #tpu.memory_space<hbm>>
    %dma_start3A_112 = tpu.memref_squeeze %dma_start3A_111 : memref<1x10240x64xf32, #tpu.memory_space<hbm>> -> memref<10240x64xf32, #tpu.memory_space<hbm>>
    %dma_start3A_113 = arith.constant 0 : i32
    %dma_start3A_114 = arith.constant 0 : i32
    %dma_start3A_115 = tpu.memref_slice %dma_start3A_112[%dma_start3A_113, %dma_start3A_114] : memref<10240x64xf32, #tpu.memory_space<hbm>> -> memref<10240x64xf32, #tpu.memory_space<hbm>>
    tpu.enqueue_indirect_dma source(%dma_start3A_115 : memref<10240x64xf32, #tpu.memory_space<hbm>>) target(%dma_start3A_105 : memref<128x64xf32, #tpu.memory_space<vmem>>) offsets(%dma_start3A_108 : memref<128xi32, #tpu.memory_space<vmem>>) semaphore(%arg14 : memref<!tpu.dma_semaphore, #tpu.memory_space<semaphore_mem>>)
    %dma_wait3A_116 = arith.constant 1 : i32
    %dma_wait3A_117 = arith.constant 1 : i32
    %dma_wait3A_118 = arith.constant 0 : i32
    %dma_wait3A_119 = arith.constant 0 : i32
    %dma_wait3A_120 = tpu.memref_slice %arg8[%dma_wait3A_117, %dma_wait3A_118, %dma_wait3A_119] : memref<5x128x64xf32, #tpu.memory_space<vmem>> -> memref<1x128x64xf32, #tpu.memory_space<vmem>>
    %dma_wait3A_121 = tpu.memref_squeeze %dma_wait3A_120 : memref<1x128x64xf32, #tpu.memory_space<vmem>> -> memref<128x64xf32, #tpu.memory_space<vmem>>
    %dma_wait3A_122 = arith.constant 0 : i32
    %dma_wait3A_123 = tpu.memref_slice %arg6[%dma_wait3A_116, %dma_wait3A_122] : memref<160x128xi32, #tpu.memory_space<vmem>> -> memref<1x128xi32, #tpu.memory_space<vmem>>
    %dma_wait3A_124 = tpu.memref_squeeze %dma_wait3A_123 : memref<1x128xi32, #tpu.memory_space<vmem>> -> memref<128xi32, #tpu.memory_space<vmem>>
    %dma_wait3A_125 = arith.constant 0 : i32
    %dma_wait3A_126 = arith.constant 0 : i32
    %dma_wait3A_127 = tpu.memref_slice %arg2[%arg0, %dma_wait3A_125, %dma_wait3A_126] : memref<2x10240x64xf32, #tpu.memory_space<hbm>> -> memref<1x10240x64xf32, #tpu.memory_space<hbm>>
    %dma_wait3A_128 = tpu.memref_squeeze %dma_wait3A_127 : memref<1x10240x64xf32, #tpu.memory_space<hbm>> -> memref<10240x64xf32, #tpu.memory_space<hbm>>
    %dma_wait3A_129 = arith.constant 0 : i32
    %dma_wait3A_130 = arith.constant 0 : i32
    %dma_wait3A_131 = tpu.memref_slice %dma_wait3A_128[%dma_wait3A_129, %dma_wait3A_130] : memref<10240x64xf32, #tpu.memory_space<hbm>> -> memref<10240x64xf32, #tpu.memory_space<hbm>>
    tpu.wait_indirect_dma semaphore(%arg11 : memref<!tpu.dma_semaphore, #tpu.memory_space<semaphore_mem>>) src(%dma_wait3A_131 : memref<10240x64xf32, #tpu.memory_space<hbm>>) dst(%dma_wait3A_121 : memref<128x64xf32, #tpu.memory_space<vmem>>)
    %dma_start3A_132 = arith.constant 1 : i32
    %dma_start3A_133 = arith.constant 1 : i32
    %dma_start3A_134 = arith.constant 0 : i32
    %dma_start3A_135 = arith.constant 0 : i32
    %dma_start3A_136 = tpu.memref_slice %arg8[%dma_start3A_132, %dma_start3A_134, %dma_start3A_135] : memref<5x128x64xf32, #tpu.memory_space<vmem>> -> memref<1x128x64xf32, #tpu.memory_space<vmem>>
    %dma_start3A_137 = tpu.memref_squeeze %dma_start3A_136 : memref<1x128x64xf32, #tpu.memory_space<vmem>> -> memref<128x64xf32, #tpu.memory_space<vmem>>
    %dma_start3A_138 = arith.constant 0 : i32
    %dma_start3A_139 = tpu.memref_slice %arg7[%dma_start3A_133, %dma_start3A_138] : memref<160x128xi32, #tpu.memory_space<vmem>> -> memref<1x128xi32, #tpu.memory_space<vmem>>
    %dma_start3A_140 = tpu.memref_squeeze %dma_start3A_139 : memref<1x128xi32, #tpu.memory_space<vmem>> -> memref<128xi32, #tpu.memory_space<vmem>>
    %dma_start3A_141 = arith.constant 0 : i32
    %dma_start3A_142 = arith.constant 0 : i32
    %dma_start3A_143 = tpu.memref_slice %arg9[%dma_start3A_141, %dma_start3A_142] : memref<10240x64xf32, #tpu.memory_space<vmem_shared>> -> memref<10240x64xf32, #tpu.memory_space<vmem_shared>>
    tpu.enqueue_indirect_dma source(%dma_start3A_137 : memref<128x64xf32, #tpu.memory_space<vmem>>) target(%dma_start3A_143 : memref<10240x64xf32, #tpu.memory_space<vmem_shared>>) offsets(%dma_start3A_140 : memref<128xi32, #tpu.memory_space<vmem>>) semaphore(%arg16 : memref<!tpu.dma_semaphore, #tpu.memory_space<semaphore_mem>>) {add = true}
    %scan3A_144 = arith.constant 0 : i32
    %scan3A_145 = arith.constant 31 : i32
    %scan3A_146 = arith.addi %scan3A_144, %scan3A_145 : i32
    %scan3A_147 = arith.constant 1 : i32
    scf.for %scan3A_294 = %scan3A_144 to %scan3A_146 step %scan3A_147  : i32 {
      %mul3A_295 = arith.constant 1 : i32
      %mul3A_296 = arith.muli %scan3A_294, %mul3A_295 : i32
      %add3A = arith.constant 0 : i32
      %add3A_297 = arith.addi %add3A, %mul3A_296 : i32
      %mul3A_298 = arith.constant 5 : i32
      %mul3A_299 = arith.muli %add3A_297, %mul3A_298 : i32
      %add3A_300 = arith.constant 2 : i32
      %add3A_301 = arith.addi %add3A_300, %mul3A_299 : i32
      %add3A_302 = arith.constant 0 : i32
      %add3A_303 = arith.addi %add3A_301, %add3A_302 : i32
      %sub3A = arith.constant 2 : i32
      %sub3A_304 = arith.subi %add3A_303, %sub3A : i32
      %dma_wait3A_305 = arith.constant 0 : i32
      %dma_wait3A_306 = arith.constant 0 : i32
      %dma_wait3A_307 = arith.constant 0 : i32
      %dma_wait3A_308 = tpu.memref_slice %arg8[%dma_wait3A_305, %dma_wait3A_306, %dma_wait3A_307] : memref<5x128x64xf32, #tpu.memory_space<vmem>> -> memref<1x128x64xf32, #tpu.memory_space<vmem>>
      %dma_wait3A_309 = tpu.memref_squeeze %dma_wait3A_308 : memref<1x128x64xf32, #tpu.memory_space<vmem>> -> memref<128x64xf32, #tpu.memory_space<vmem>>
      %dma_wait3A_310 = arith.constant 0 : i32
      %dma_wait3A_311 = tpu.memref_slice %arg7[%sub3A_304, %dma_wait3A_310] : memref<160x128xi32, #tpu.memory_space<vmem>> -> memref<1x128xi32, #tpu.memory_space<vmem>>
      %dma_wait3A_312 = tpu.memref_squeeze %dma_wait3A_311 : memref<1x128xi32, #tpu.memory_space<vmem>> -> memref<128xi32, #tpu.memory_space<vmem>>
      %dma_wait3A_313 = arith.constant 0 : i32
      %dma_wait3A_314 = arith.constant 0 : i32
      %dma_wait3A_315 = tpu.memref_slice %arg9[%dma_wait3A_313, %dma_wait3A_314] : memref<10240x64xf32, #tpu.memory_space<vmem_shared>> -> memref<10240x64xf32, #tpu.memory_space<vmem_shared>>
      tpu.wait_indirect_dma semaphore(%arg15 : memref<!tpu.dma_semaphore, #tpu.memory_space<semaphore_mem>>) src(%dma_wait3A_309 : memref<128x64xf32, #tpu.memory_space<vmem>>) dst(%dma_wait3A_315 : memref<10240x64xf32, #tpu.memory_space<vmem_shared>>)
      %add3A_316 = arith.constant 3 : i32
      %add3A_317 = arith.addi %add3A_303, %add3A_316 : i32
      %dma_start3A_318 = arith.constant 0 : i32
      %dma_start3A_319 = arith.constant 0 : i32
      %dma_start3A_320 = arith.constant 0 : i32
      %dma_start3A_321 = tpu.memref_slice %arg8[%dma_start3A_318, %dma_start3A_319, %dma_start3A_320] : memref<5x128x64xf32, #tpu.memory_space<vmem>> -> memref<1x128x64xf32, #tpu.memory_space<vmem>>
      %dma_start3A_322 = tpu.memref_squeeze %dma_start3A_321 : memref<1x128x64xf32, #tpu.memory_space<vmem>> -> memref<128x64xf32, #tpu.memory_space<vmem>>
      %dma_start3A_323 = arith.constant 0 : i32
      %dma_start3A_324 = tpu.memref_slice %arg6[%add3A_317, %dma_start3A_323] : memref<160x128xi32, #tpu.memory_space<vmem>> -> memref<1x128xi32, #tpu.memory_space<vmem>>
      %dma_start3A_325 = tpu.memref_squeeze %dma_start3A_324 : memref<1x128xi32, #tpu.memory_space<vmem>> -> memref<128xi32, #tpu.memory_space<vmem>>
      %dma_start3A_326 = arith.constant 0 : i32
      %dma_start3A_327 = arith.constant 0 : i32
      %dma_start3A_328 = tpu.memref_slice %arg2[%arg0, %dma_start3A_326, %dma_start3A_327] : memref<2x10240x64xf32, #tpu.memory_space<hbm>> -> memref<1x10240x64xf32, #tpu.memory_space<hbm>>
      %dma_start3A_329 = tpu.memref_squeeze %dma_start3A_328 : memref<1x10240x64xf32, #tpu.memory_space<hbm>> -> memref<10240x64xf32, #tpu.memory_space<hbm>>
      %dma_start3A_330 = arith.constant 0 : i32
      %dma_start3A_331 = arith.constant 0 : i32
      %dma_start3A_332 = tpu.memref_slice %dma_start3A_329[%dma_start3A_330, %dma_start3A_331] : memref<10240x64xf32, #tpu.memory_space<hbm>> -> memref<10240x64xf32, #tpu.memory_space<hbm>>
      tpu.enqueue_indirect_dma source(%dma_start3A_332 : memref<10240x64xf32, #tpu.memory_space<hbm>>) target(%dma_start3A_322 : memref<128x64xf32, #tpu.memory_space<vmem>>) offsets(%dma_start3A_325 : memref<128xi32, #tpu.memory_space<vmem>>) semaphore(%arg10 : memref<!tpu.dma_semaphore, #tpu.memory_space<semaphore_mem>>)
      %dma_wait3A_333 = arith.constant 2 : i32
      %dma_wait3A_334 = arith.constant 0 : i32
      %dma_wait3A_335 = arith.constant 0 : i32
      %dma_wait3A_336 = tpu.memref_slice %arg8[%dma_wait3A_333, %dma_wait3A_334, %dma_wait3A_335] : memref<5x128x64xf32, #tpu.memory_space<vmem>> -> memref<1x128x64xf32, #tpu.memory_space<vmem>>
      %dma_wait3A_337 = tpu.memref_squeeze %dma_wait3A_336 : memref<1x128x64xf32, #tpu.memory_space<vmem>> -> memref<128x64xf32, #tpu.memory_space<vmem>>
      %dma_wait3A_338 = arith.constant 0 : i32
      %dma_wait3A_339 = tpu.memref_slice %arg6[%add3A_303, %dma_wait3A_338] : memref<160x128xi32, #tpu.memory_space<vmem>> -> memref<1x128xi32, #tpu.memory_space<vmem>>
      %dma_wait3A_340 = tpu.memref_squeeze %dma_wait3A_339 : memref<1x128xi32, #tpu.memory_space<vmem>> -> memref<128xi32, #tpu.memory_space<vmem>>
      %dma_wait3A_341 = arith.constant 0 : i32
      %dma_wait3A_342 = arith.constant 0 : i32
      %dma_wait3A_343 = tpu.memref_slice %arg2[%arg0, %dma_wait3A_341, %dma_wait3A_342] : memref<2x10240x64xf32, #tpu.memory_space<hbm>> -> memref<1x10240x64xf32, #tpu.memory_space<hbm>>
      %dma_wait3A_344 = tpu.memref_squeeze %dma_wait3A_343 : memref<1x10240x64xf32, #tpu.memory_space<hbm>> -> memref<10240x64xf32, #tpu.memory_space<hbm>>
      %dma_wait3A_345 = arith.constant 0 : i32
      %dma_wait3A_346 = arith.constant 0 : i32
      %dma_wait3A_347 = tpu.memref_slice %dma_wait3A_344[%dma_wait3A_345, %dma_wait3A_346] : memref<10240x64xf32, #tpu.memory_space<hbm>> -> memref<10240x64xf32, #tpu.memory_space<hbm>>
      tpu.wait_indirect_dma semaphore(%arg12 : memref<!tpu.dma_semaphore, #tpu.memory_space<semaphore_mem>>) src(%dma_wait3A_347 : memref<10240x64xf32, #tpu.memory_space<hbm>>) dst(%dma_wait3A_337 : memref<128x64xf32, #tpu.memory_space<vmem>>)
      %dma_start3A_348 = arith.constant 2 : i32
      %dma_start3A_349 = arith.constant 0 : i32
      %dma_start3A_350 = arith.constant 0 : i32
      %dma_start3A_351 = tpu.memref_slice %arg8[%dma_start3A_348, %dma_start3A_349, %dma_start3A_350] : memref<5x128x64xf32, #tpu.memory_space<vmem>> -> memref<1x128x64xf32, #tpu.memory_space<vmem>>
      %dma_start3A_352 = tpu.memref_squeeze %dma_start3A_351 : memref<1x128x64xf32, #tpu.memory_space<vmem>> -> memref<128x64xf32, #tpu.memory_space<vmem>>
      %dma_start3A_353 = arith.constant 0 : i32
      %dma_start3A_354 = tpu.memref_slice %arg7[%add3A_303, %dma_start3A_353] : memref<160x128xi32, #tpu.memory_space<vmem>> -> memref<1x128xi32, #tpu.memory_space<vmem>>
      %dma_start3A_355 = tpu.memref_squeeze %dma_start3A_354 : memref<1x128xi32, #tpu.memory_space<vmem>> -> memref<128xi32, #tpu.memory_space<vmem>>
      %dma_start3A_356 = arith.constant 0 : i32
      %dma_start3A_357 = arith.constant 0 : i32
      %dma_start3A_358 = tpu.memref_slice %arg9[%dma_start3A_356, %dma_start3A_357] : memref<10240x64xf32, #tpu.memory_space<vmem_shared>> -> memref<10240x64xf32, #tpu.memory_space<vmem_shared>>
      tpu.enqueue_indirect_dma source(%dma_start3A_352 : memref<128x64xf32, #tpu.memory_space<vmem>>) target(%dma_start3A_358 : memref<10240x64xf32, #tpu.memory_space<vmem_shared>>) offsets(%dma_start3A_355 : memref<128xi32, #tpu.memory_space<vmem>>) semaphore(%arg17 : memref<!tpu.dma_semaphore, #tpu.memory_space<semaphore_mem>>) {add = true}
      %mul3A_359 = arith.constant 5 : i32
      %mul3A_360 = arith.muli %add3A_297, %mul3A_359 : i32
      %add3A_361 = arith.constant 2 : i32
      %add3A_362 = arith.addi %add3A_361, %mul3A_360 : i32
      %add3A_363 = arith.constant 1 : i32
      %add3A_364 = arith.addi %add3A_362, %add3A_363 : i32
      %sub3A_365 = arith.constant 2 : i32
      %sub3A_366 = arith.subi %add3A_364, %sub3A_365 : i32
      %dma_wait3A_367 = arith.constant 1 : i32
      %dma_wait3A_368 = arith.constant 0 : i32
      %dma_wait3A_369 = arith.constant 0 : i32
      %dma_wait3A_370 = tpu.memref_slice %arg8[%dma_wait3A_367, %dma_wait3A_368, %dma_wait3A_369] : memref<5x128x64xf32, #tpu.memory_space<vmem>> -> memref<1x128x64xf32, #tpu.memory_space<vmem>>
      %dma_wait3A_371 = tpu.memref_squeeze %dma_wait3A_370 : memref<1x128x64xf32, #tpu.memory_space<vmem>> -> memref<128x64xf32, #tpu.memory_space<vmem>>
      %dma_wait3A_372 = arith.constant 0 : i32
      %dma_wait3A_373 = tpu.memref_slice %arg7[%sub3A_366, %dma_wait3A_372] : memref<160x128xi32, #tpu.memory_space<vmem>> -> memref<1x128xi32, #tpu.memory_space<vmem>>
      %dma_wait3A_374 = tpu.memref_squeeze %dma_wait3A_373 : memref<1x128xi32, #tpu.memory_space<vmem>> -> memref<128xi32, #tpu.memory_space<vmem>>
      %dma_wait3A_375 = arith.constant 0 : i32
      %dma_wait3A_376 = arith.constant 0 : i32
      %dma_wait3A_377 = tpu.memref_slice %arg9[%dma_wait3A_375, %dma_wait3A_376] : memref<10240x64xf32, #tpu.memory_space<vmem_shared>> -> memref<10240x64xf32, #tpu.memory_space<vmem_shared>>
      tpu.wait_indirect_dma semaphore(%arg16 : memref<!tpu.dma_semaphore, #tpu.memory_space<semaphore_mem>>) src(%dma_wait3A_371 : memref<128x64xf32, #tpu.memory_space<vmem>>) dst(%dma_wait3A_377 : memref<10240x64xf32, #tpu.memory_space<vmem_shared>>)
      %add3A_378 = arith.constant 3 : i32
      %add3A_379 = arith.addi %add3A_364, %add3A_378 : i32
      %dma_start3A_380 = arith.constant 1 : i32
      %dma_start3A_381 = arith.constant 0 : i32
      %dma_start3A_382 = arith.constant 0 : i32
      %dma_start3A_383 = tpu.memref_slice %arg8[%dma_start3A_380, %dma_start3A_381, %dma_start3A_382] : memref<5x128x64xf32, #tpu.memory_space<vmem>> -> memref<1x128x64xf32, #tpu.memory_space<vmem>>
      %dma_start3A_384 = tpu.memref_squeeze %dma_start3A_383 : memref<1x128x64xf32, #tpu.memory_space<vmem>> -> memref<128x64xf32, #tpu.memory_space<vmem>>
      %dma_start3A_385 = arith.constant 0 : i32
      %dma_start3A_386 = tpu.memref_slice %arg6[%add3A_379, %dma_start3A_385] : memref<160x128xi32, #tpu.memory_space<vmem>> -> memref<1x128xi32, #tpu.memory_space<vmem>>
      %dma_start3A_387 = tpu.memref_squeeze %dma_start3A_386 : memref<1x128xi32, #tpu.memory_space<vmem>> -> memref<128xi32, #tpu.memory_space<vmem>>
      %dma_start3A_388 = arith.constant 0 : i32
      %dma_start3A_389 = arith.constant 0 : i32
      %dma_start3A_390 = tpu.memref_slice %arg2[%arg0, %dma_start3A_388, %dma_start3A_389] : memref<2x10240x64xf32, #tpu.memory_space<hbm>> -> memref<1x10240x64xf32, #tpu.memory_space<hbm>>
      %dma_start3A_391 = tpu.memref_squeeze %dma_start3A_390 : memref<1x10240x64xf32, #tpu.memory_space<hbm>> -> memref<10240x64xf32, #tpu.memory_space<hbm>>
      %dma_start3A_392 = arith.constant 0 : i32
      %dma_start3A_393 = arith.constant 0 : i32
      %dma_start3A_394 = tpu.memref_slice %dma_start3A_391[%dma_start3A_392, %dma_start3A_393] : memref<10240x64xf32, #tpu.memory_space<hbm>> -> memref<10240x64xf32, #tpu.memory_space<hbm>>
      tpu.enqueue_indirect_dma source(%dma_start3A_394 : memref<10240x64xf32, #tpu.memory_space<hbm>>) target(%dma_start3A_384 : memref<128x64xf32, #tpu.memory_space<vmem>>) offsets(%dma_start3A_387 : memref<128xi32, #tpu.memory_space<vmem>>) semaphore(%arg11 : memref<!tpu.dma_semaphore, #tpu.memory_space<semaphore_mem>>)
      %dma_wait3A_395 = arith.constant 3 : i32
      %dma_wait3A_396 = arith.constant 0 : i32
      %dma_wait3A_397 = arith.constant 0 : i32
      %dma_wait3A_398 = tpu.memref_slice %arg8[%dma_wait3A_395, %dma_wait3A_396, %dma_wait3A_397] : memref<5x128x64xf32, #tpu.memory_space<vmem>> -> memref<1x128x64xf32, #tpu.memory_space<vmem>>
      %dma_wait3A_399 = tpu.memref_squeeze %dma_wait3A_398 : memref<1x128x64xf32, #tpu.memory_space<vmem>> -> memref<128x64xf32, #tpu.memory_space<vmem>>
      %dma_wait3A_400 = arith.constant 0 : i32
      %dma_wait3A_401 = tpu.memref_slice %arg6[%add3A_364, %dma_wait3A_400] : memref<160x128xi32, #tpu.memory_space<vmem>> -> memref<1x128xi32, #tpu.memory_space<vmem>>
      %dma_wait3A_402 = tpu.memref_squeeze %dma_wait3A_401 : memref<1x128xi32, #tpu.memory_space<vmem>> -> memref<128xi32, #tpu.memory_space<vmem>>
      %dma_wait3A_403 = arith.constant 0 : i32
      %dma_wait3A_404 = arith.constant 0 : i32
      %dma_wait3A_405 = tpu.memref_slice %arg2[%arg0, %dma_wait3A_403, %dma_wait3A_404] : memref<2x10240x64xf32, #tpu.memory_space<hbm>> -> memref<1x10240x64xf32, #tpu.memory_space<hbm>>
      %dma_wait3A_406 = tpu.memref_squeeze %dma_wait3A_405 : memref<1x10240x64xf32, #tpu.memory_space<hbm>> -> memref<10240x64xf32, #tpu.memory_space<hbm>>
      %dma_wait3A_407 = arith.constant 0 : i32
      %dma_wait3A_408 = arith.constant 0 : i32
      %dma_wait3A_409 = tpu.memref_slice %dma_wait3A_406[%dma_wait3A_407, %dma_wait3A_408] : memref<10240x64xf32, #tpu.memory_space<hbm>> -> memref<10240x64xf32, #tpu.memory_space<hbm>>
      tpu.wait_indirect_dma semaphore(%arg13 : memref<!tpu.dma_semaphore, #tpu.memory_space<semaphore_mem>>) src(%dma_wait3A_409 : memref<10240x64xf32, #tpu.memory_space<hbm>>) dst(%dma_wait3A_399 : memref<128x64xf32, #tpu.memory_space<vmem>>)
      %dma_start3A_410 = arith.constant 3 : i32
      %dma_start3A_411 = arith.constant 0 : i32
      %dma_start3A_412 = arith.constant 0 : i32
      %dma_start3A_413 = tpu.memref_slice %arg8[%dma_start3A_410, %dma_start3A_411, %dma_start3A_412] : memref<5x128x64xf32, #tpu.memory_space<vmem>> -> memref<1x128x64xf32, #tpu.memory_space<vmem>>
      %dma_start3A_414 = tpu.memref_squeeze %dma_start3A_413 : memref<1x128x64xf32, #tpu.memory_space<vmem>> -> memref<128x64xf32, #tpu.memory_space<vmem>>
      %dma_start3A_415 = arith.constant 0 : i32
      %dma_start3A_416 = tpu.memref_slice %arg7[%add3A_364, %dma_start3A_415] : memref<160x128xi32, #tpu.memory_space<vmem>> -> memref<1x128xi32, #tpu.memory_space<vmem>>
      %dma_start3A_417 = tpu.memref_squeeze %dma_start3A_416 : memref<1x128xi32, #tpu.memory_space<vmem>> -> memref<128xi32, #tpu.memory_space<vmem>>
      %dma_start3A_418 = arith.constant 0 : i32
      %dma_start3A_419 = arith.constant 0 : i32
      %dma_start3A_420 = tpu.memref_slice %arg9[%dma_start3A_418, %dma_start3A_419] : memref<10240x64xf32, #tpu.memory_space<vmem_shared>> -> memref<10240x64xf32, #tpu.memory_space<vmem_shared>>
      tpu.enqueue_indirect_dma source(%dma_start3A_414 : memref<128x64xf32, #tpu.memory_space<vmem>>) target(%dma_start3A_420 : memref<10240x64xf32, #tpu.memory_space<vmem_shared>>) offsets(%dma_start3A_417 : memref<128xi32, #tpu.memory_space<vmem>>) semaphore(%arg18 : memref<!tpu.dma_semaphore, #tpu.memory_space<semaphore_mem>>) {add = true}
      %mul3A_421 = arith.constant 5 : i32
      %mul3A_422 = arith.muli %add3A_297, %mul3A_421 : i32
      %add3A_423 = arith.constant 2 : i32
      %add3A_424 = arith.addi %add3A_423, %mul3A_422 : i32
      %add3A_425 = arith.constant 2 : i32
      %add3A_426 = arith.addi %add3A_424, %add3A_425 : i32
      %sub3A_427 = arith.constant 2 : i32
      %sub3A_428 = arith.subi %add3A_426, %sub3A_427 : i32
      %dma_wait3A_429 = arith.constant 2 : i32
      %dma_wait3A_430 = arith.constant 0 : i32
      %dma_wait3A_431 = arith.constant 0 : i32
      %dma_wait3A_432 = tpu.memref_slice %arg8[%dma_wait3A_429, %dma_wait3A_430, %dma_wait3A_431] : memref<5x128x64xf32, #tpu.memory_space<vmem>> -> memref<1x128x64xf32, #tpu.memory_space<vmem>>
      %dma_wait3A_433 = tpu.memref_squeeze %dma_wait3A_432 : memref<1x128x64xf32, #tpu.memory_space<vmem>> -> memref<128x64xf32, #tpu.memory_space<vmem>>
      %dma_wait3A_434 = arith.constant 0 : i32
      %dma_wait3A_435 = tpu.memref_slice %arg7[%sub3A_428, %dma_wait3A_434] : memref<160x128xi32, #tpu.memory_space<vmem>> -> memref<1x128xi32, #tpu.memory_space<vmem>>
      %dma_wait3A_436 = tpu.memref_squeeze %dma_wait3A_435 : memref<1x128xi32, #tpu.memory_space<vmem>> -> memref<128xi32, #tpu.memory_space<vmem>>
      %dma_wait3A_437 = arith.constant 0 : i32
      %dma_wait3A_438 = arith.constant 0 : i32
      %dma_wait3A_439 = tpu.memref_slice %arg9[%dma_wait3A_437, %dma_wait3A_438] : memref<10240x64xf32, #tpu.memory_space<vmem_shared>> -> memref<10240x64xf32, #tpu.memory_space<vmem_shared>>
      tpu.wait_indirect_dma semaphore(%arg17 : memref<!tpu.dma_semaphore, #tpu.memory_space<semaphore_mem>>) src(%dma_wait3A_433 : memref<128x64xf32, #tpu.memory_space<vmem>>) dst(%dma_wait3A_439 : memref<10240x64xf32, #tpu.memory_space<vmem_shared>>)
      %add3A_440 = arith.constant 3 : i32
      %add3A_441 = arith.addi %add3A_426, %add3A_440 : i32
      %dma_start3A_442 = arith.constant 2 : i32
      %dma_start3A_443 = arith.constant 0 : i32
      %dma_start3A_444 = arith.constant 0 : i32
      %dma_start3A_445 = tpu.memref_slice %arg8[%dma_start3A_442, %dma_start3A_443, %dma_start3A_444] : memref<5x128x64xf32, #tpu.memory_space<vmem>> -> memref<1x128x64xf32, #tpu.memory_space<vmem>>
      %dma_start3A_446 = tpu.memref_squeeze %dma_start3A_445 : memref<1x128x64xf32, #tpu.memory_space<vmem>> -> memref<128x64xf32, #tpu.memory_space<vmem>>
      %dma_start3A_447 = arith.constant 0 : i32
      %dma_start3A_448 = tpu.memref_slice %arg6[%add3A_441, %dma_start3A_447] : memref<160x128xi32, #tpu.memory_space<vmem>> -> memref<1x128xi32, #tpu.memory_space<vmem>>
      %dma_start3A_449 = tpu.memref_squeeze %dma_start3A_448 : memref<1x128xi32, #tpu.memory_space<vmem>> -> memref<128xi32, #tpu.memory_space<vmem>>
      %dma_start3A_450 = arith.constant 0 : i32
      %dma_start3A_451 = arith.constant 0 : i32
      %dma_start3A_452 = tpu.memref_slice %arg2[%arg0, %dma_start3A_450, %dma_start3A_451] : memref<2x10240x64xf32, #tpu.memory_space<hbm>> -> memref<1x10240x64xf32, #tpu.memory_space<hbm>>
      %dma_start3A_453 = tpu.memref_squeeze %dma_start3A_452 : memref<1x10240x64xf32, #tpu.memory_space<hbm>> -> memref<10240x64xf32, #tpu.memory_space<hbm>>
      %dma_start3A_454 = arith.constant 0 : i32
      %dma_start3A_455 = arith.constant 0 : i32
      %dma_start3A_456 = tpu.memref_slice %dma_start3A_453[%dma_start3A_454, %dma_start3A_455] : memref<10240x64xf32, #tpu.memory_space<hbm>> -> memref<10240x64xf32, #tpu.memory_space<hbm>>
      tpu.enqueue_indirect_dma source(%dma_start3A_456 : memref<10240x64xf32, #tpu.memory_space<hbm>>) target(%dma_start3A_446 : memref<128x64xf32, #tpu.memory_space<vmem>>) offsets(%dma_start3A_449 : memref<128xi32, #tpu.memory_space<vmem>>) semaphore(%arg12 : memref<!tpu.dma_semaphore, #tpu.memory_space<semaphore_mem>>)
      %dma_wait3A_457 = arith.constant 4 : i32
      %dma_wait3A_458 = arith.constant 0 : i32
      %dma_wait3A_459 = arith.constant 0 : i32
      %dma_wait3A_460 = tpu.memref_slice %arg8[%dma_wait3A_457, %dma_wait3A_458, %dma_wait3A_459] : memref<5x128x64xf32, #tpu.memory_space<vmem>> -> memref<1x128x64xf32, #tpu.memory_space<vmem>>
      %dma_wait3A_461 = tpu.memref_squeeze %dma_wait3A_460 : memref<1x128x64xf32, #tpu.memory_space<vmem>> -> memref<128x64xf32, #tpu.memory_space<vmem>>
      %dma_wait3A_462 = arith.constant 0 : i32
      %dma_wait3A_463 = tpu.memref_slice %arg6[%add3A_426, %dma_wait3A_462] : memref<160x128xi32, #tpu.memory_space<vmem>> -> memref<1x128xi32, #tpu.memory_space<vmem>>
      %dma_wait3A_464 = tpu.memref_squeeze %dma_wait3A_463 : memref<1x128xi32, #tpu.memory_space<vmem>> -> memref<128xi32, #tpu.memory_space<vmem>>
      %dma_wait3A_465 = arith.constant 0 : i32
      %dma_wait3A_466 = arith.constant 0 : i32
      %dma_wait3A_467 = tpu.memref_slice %arg2[%arg0, %dma_wait3A_465, %dma_wait3A_466] : memref<2x10240x64xf32, #tpu.memory_space<hbm>> -> memref<1x10240x64xf32, #tpu.memory_space<hbm>>
      %dma_wait3A_468 = tpu.memref_squeeze %dma_wait3A_467 : memref<1x10240x64xf32, #tpu.memory_space<hbm>> -> memref<10240x64xf32, #tpu.memory_space<hbm>>
      %dma_wait3A_469 = arith.constant 0 : i32
      %dma_wait3A_470 = arith.constant 0 : i32
      %dma_wait3A_471 = tpu.memref_slice %dma_wait3A_468[%dma_wait3A_469, %dma_wait3A_470] : memref<10240x64xf32, #tpu.memory_space<hbm>> -> memref<10240x64xf32, #tpu.memory_space<hbm>>
      tpu.wait_indirect_dma semaphore(%arg14 : memref<!tpu.dma_semaphore, #tpu.memory_space<semaphore_mem>>) src(%dma_wait3A_471 : memref<10240x64xf32, #tpu.memory_space<hbm>>) dst(%dma_wait3A_461 : memref<128x64xf32, #tpu.memory_space<vmem>>)
      %dma_start3A_472 = arith.constant 4 : i32
      %dma_start3A_473 = arith.constant 0 : i32
      %dma_start3A_474 = arith.constant 0 : i32
      %dma_start3A_475 = tpu.memref_slice %arg8[%dma_start3A_472, %dma_start3A_473, %dma_start3A_474] : memref<5x128x64xf32, #tpu.memory_space<vmem>> -> memref<1x128x64xf32, #tpu.memory_space<vmem>>
      %dma_start3A_476 = tpu.memref_squeeze %dma_start3A_475 : memref<1x128x64xf32, #tpu.memory_space<vmem>> -> memref<128x64xf32, #tpu.memory_space<vmem>>
      %dma_start3A_477 = arith.constant 0 : i32
      %dma_start3A_478 = tpu.memref_slice %arg7[%add3A_426, %dma_start3A_477] : memref<160x128xi32, #tpu.memory_space<vmem>> -> memref<1x128xi32, #tpu.memory_space<vmem>>
      %dma_start3A_479 = tpu.memref_squeeze %dma_start3A_478 : memref<1x128xi32, #tpu.memory_space<vmem>> -> memref<128xi32, #tpu.memory_space<vmem>>
      %dma_start3A_480 = arith.constant 0 : i32
      %dma_start3A_481 = arith.constant 0 : i32
      %dma_start3A_482 = tpu.memref_slice %arg9[%dma_start3A_480, %dma_start3A_481] : memref<10240x64xf32, #tpu.memory_space<vmem_shared>> -> memref<10240x64xf32, #tpu.memory_space<vmem_shared>>
      tpu.enqueue_indirect_dma source(%dma_start3A_476 : memref<128x64xf32, #tpu.memory_space<vmem>>) target(%dma_start3A_482 : memref<10240x64xf32, #tpu.memory_space<vmem_shared>>) offsets(%dma_start3A_479 : memref<128xi32, #tpu.memory_space<vmem>>) semaphore(%arg19 : memref<!tpu.dma_semaphore, #tpu.memory_space<semaphore_mem>>) {add = true}
      %mul3A_483 = arith.constant 5 : i32
      %mul3A_484 = arith.muli %add3A_297, %mul3A_483 : i32
      %add3A_485 = arith.constant 2 : i32
      %add3A_486 = arith.addi %add3A_485, %mul3A_484 : i32
      %add3A_487 = arith.constant 3 : i32
      %add3A_488 = arith.addi %add3A_486, %add3A_487 : i32
      %sub3A_489 = arith.constant 2 : i32
      %sub3A_490 = arith.subi %add3A_488, %sub3A_489 : i32
      %dma_wait3A_491 = arith.constant 3 : i32
      %dma_wait3A_492 = arith.constant 0 : i32
      %dma_wait3A_493 = arith.constant 0 : i32
      %dma_wait3A_494 = tpu.memref_slice %arg8[%dma_wait3A_491, %dma_wait3A_492, %dma_wait3A_493] : memref<5x128x64xf32, #tpu.memory_space<vmem>> -> memref<1x128x64xf32, #tpu.memory_space<vmem>>
      %dma_wait3A_495 = tpu.memref_squeeze %dma_wait3A_494 : memref<1x128x64xf32, #tpu.memory_space<vmem>> -> memref<128x64xf32, #tpu.memory_space<vmem>>
      %dma_wait3A_496 = arith.constant 0 : i32
      %dma_wait3A_497 = tpu.memref_slice %arg7[%sub3A_490, %dma_wait3A_496] : memref<160x128xi32, #tpu.memory_space<vmem>> -> memref<1x128xi32, #tpu.memory_space<vmem>>
      %dma_wait3A_498 = tpu.memref_squeeze %dma_wait3A_497 : memref<1x128xi32, #tpu.memory_space<vmem>> -> memref<128xi32, #tpu.memory_space<vmem>>
      %dma_wait3A_499 = arith.constant 0 : i32
      %dma_wait3A_500 = arith.constant 0 : i32
      %dma_wait3A_501 = tpu.memref_slice %arg9[%dma_wait3A_499, %dma_wait3A_500] : memref<10240x64xf32, #tpu.memory_space<vmem_shared>> -> memref<10240x64xf32, #tpu.memory_space<vmem_shared>>
      tpu.wait_indirect_dma semaphore(%arg18 : memref<!tpu.dma_semaphore, #tpu.memory_space<semaphore_mem>>) src(%dma_wait3A_495 : memref<128x64xf32, #tpu.memory_space<vmem>>) dst(%dma_wait3A_501 : memref<10240x64xf32, #tpu.memory_space<vmem_shared>>)
      %add3A_502 = arith.constant 3 : i32
      %add3A_503 = arith.addi %add3A_488, %add3A_502 : i32
      %dma_start3A_504 = arith.constant 3 : i32
      %dma_start3A_505 = arith.constant 0 : i32
      %dma_start3A_506 = arith.constant 0 : i32
      %dma_start3A_507 = tpu.memref_slice %arg8[%dma_start3A_504, %dma_start3A_505, %dma_start3A_506] : memref<5x128x64xf32, #tpu.memory_space<vmem>> -> memref<1x128x64xf32, #tpu.memory_space<vmem>>
      %dma_start3A_508 = tpu.memref_squeeze %dma_start3A_507 : memref<1x128x64xf32, #tpu.memory_space<vmem>> -> memref<128x64xf32, #tpu.memory_space<vmem>>
      %dma_start3A_509 = arith.constant 0 : i32
      %dma_start3A_510 = tpu.memref_slice %arg6[%add3A_503, %dma_start3A_509] : memref<160x128xi32, #tpu.memory_space<vmem>> -> memref<1x128xi32, #tpu.memory_space<vmem>>
      %dma_start3A_511 = tpu.memref_squeeze %dma_start3A_510 : memref<1x128xi32, #tpu.memory_space<vmem>> -> memref<128xi32, #tpu.memory_space<vmem>>
      %dma_start3A_512 = arith.constant 0 : i32
      %dma_start3A_513 = arith.constant 0 : i32
      %dma_start3A_514 = tpu.memref_slice %arg2[%arg0, %dma_start3A_512, %dma_start3A_513] : memref<2x10240x64xf32, #tpu.memory_space<hbm>> -> memref<1x10240x64xf32, #tpu.memory_space<hbm>>
      %dma_start3A_515 = tpu.memref_squeeze %dma_start3A_514 : memref<1x10240x64xf32, #tpu.memory_space<hbm>> -> memref<10240x64xf32, #tpu.memory_space<hbm>>
      %dma_start3A_516 = arith.constant 0 : i32
      %dma_start3A_517 = arith.constant 0 : i32
      %dma_start3A_518 = tpu.memref_slice %dma_start3A_515[%dma_start3A_516, %dma_start3A_517] : memref<10240x64xf32, #tpu.memory_space<hbm>> -> memref<10240x64xf32, #tpu.memory_space<hbm>>
      tpu.enqueue_indirect_dma source(%dma_start3A_518 : memref<10240x64xf32, #tpu.memory_space<hbm>>) target(%dma_start3A_508 : memref<128x64xf32, #tpu.memory_space<vmem>>) offsets(%dma_start3A_511 : memref<128xi32, #tpu.memory_space<vmem>>) semaphore(%arg13 : memref<!tpu.dma_semaphore, #tpu.memory_space<semaphore_mem>>)
      %dma_wait3A_519 = arith.constant 0 : i32
      %dma_wait3A_520 = arith.constant 0 : i32
      %dma_wait3A_521 = arith.constant 0 : i32
      %dma_wait3A_522 = tpu.memref_slice %arg8[%dma_wait3A_519, %dma_wait3A_520, %dma_wait3A_521] : memref<5x128x64xf32, #tpu.memory_space<vmem>> -> memref<1x128x64xf32, #tpu.memory_space<vmem>>
      %dma_wait3A_523 = tpu.memref_squeeze %dma_wait3A_522 : memref<1x128x64xf32, #tpu.memory_space<vmem>> -> memref<128x64xf32, #tpu.memory_space<vmem>>
      %dma_wait3A_524 = arith.constant 0 : i32
      %dma_wait3A_525 = tpu.memref_slice %arg6[%add3A_488, %dma_wait3A_524] : memref<160x128xi32, #tpu.memory_space<vmem>> -> memref<1x128xi32, #tpu.memory_space<vmem>>
      %dma_wait3A_526 = tpu.memref_squeeze %dma_wait3A_525 : memref<1x128xi32, #tpu.memory_space<vmem>> -> memref<128xi32, #tpu.memory_space<vmem>>
      %dma_wait3A_527 = arith.constant 0 : i32
      %dma_wait3A_528 = arith.constant 0 : i32
      %dma_wait3A_529 = tpu.memref_slice %arg2[%arg0, %dma_wait3A_527, %dma_wait3A_528] : memref<2x10240x64xf32, #tpu.memory_space<hbm>> -> memref<1x10240x64xf32, #tpu.memory_space<hbm>>
      %dma_wait3A_530 = tpu.memref_squeeze %dma_wait3A_529 : memref<1x10240x64xf32, #tpu.memory_space<hbm>> -> memref<10240x64xf32, #tpu.memory_space<hbm>>
      %dma_wait3A_531 = arith.constant 0 : i32
      %dma_wait3A_532 = arith.constant 0 : i32
      %dma_wait3A_533 = tpu.memref_slice %dma_wait3A_530[%dma_wait3A_531, %dma_wait3A_532] : memref<10240x64xf32, #tpu.memory_space<hbm>> -> memref<10240x64xf32, #tpu.memory_space<hbm>>
      tpu.wait_indirect_dma semaphore(%arg10 : memref<!tpu.dma_semaphore, #tpu.memory_space<semaphore_mem>>) src(%dma_wait3A_533 : memref<10240x64xf32, #tpu.memory_space<hbm>>) dst(%dma_wait3A_523 : memref<128x64xf32, #tpu.memory_space<vmem>>)
      %dma_start3A_534 = arith.constant 0 : i32
      %dma_start3A_535 = arith.constant 0 : i32
      %dma_start3A_536 = arith.constant 0 : i32
      %dma_start3A_537 = tpu.memref_slice %arg8[%dma_start3A_534, %dma_start3A_535, %dma_start3A_536] : memref<5x128x64xf32, #tpu.memory_space<vmem>> -> memref<1x128x64xf32, #tpu.memory_space<vmem>>
      %dma_start3A_538 = tpu.memref_squeeze %dma_start3A_537 : memref<1x128x64xf32, #tpu.memory_space<vmem>> -> memref<128x64xf32, #tpu.memory_space<vmem>>
      %dma_start3A_539 = arith.constant 0 : i32
      %dma_start3A_540 = tpu.memref_slice %arg7[%add3A_488, %dma_start3A_539] : memref<160x128xi32, #tpu.memory_space<vmem>> -> memref<1x128xi32, #tpu.memory_space<vmem>>
      %dma_start3A_541 = tpu.memref_squeeze %dma_start3A_540 : memref<1x128xi32, #tpu.memory_space<vmem>> -> memref<128xi32, #tpu.memory_space<vmem>>
      %dma_start3A_542 = arith.constant 0 : i32
      %dma_start3A_543 = arith.constant 0 : i32
      %dma_start3A_544 = tpu.memref_slice %arg9[%dma_start3A_542, %dma_start3A_543] : memref<10240x64xf32, #tpu.memory_space<vmem_shared>> -> memref<10240x64xf32, #tpu.memory_space<vmem_shared>>
      tpu.enqueue_indirect_dma source(%dma_start3A_538 : memref<128x64xf32, #tpu.memory_space<vmem>>) target(%dma_start3A_544 : memref<10240x64xf32, #tpu.memory_space<vmem_shared>>) offsets(%dma_start3A_541 : memref<128xi32, #tpu.memory_space<vmem>>) semaphore(%arg15 : memref<!tpu.dma_semaphore, #tpu.memory_space<semaphore_mem>>) {add = true}
      %mul3A_545 = arith.constant 5 : i32
      %mul3A_546 = arith.muli %add3A_297, %mul3A_545 : i32
      %add3A_547 = arith.constant 2 : i32
      %add3A_548 = arith.addi %add3A_547, %mul3A_546 : i32
      %add3A_549 = arith.constant 4 : i32
      %add3A_550 = arith.addi %add3A_548, %add3A_549 : i32
      %sub3A_551 = arith.constant 2 : i32
      %sub3A_552 = arith.subi %add3A_550, %sub3A_551 : i32
      %dma_wait3A_553 = arith.constant 4 : i32
      %dma_wait3A_554 = arith.constant 0 : i32
      %dma_wait3A_555 = arith.constant 0 : i32
      %dma_wait3A_556 = tpu.memref_slice %arg8[%dma_wait3A_553, %dma_wait3A_554, %dma_wait3A_555] : memref<5x128x64xf32, #tpu.memory_space<vmem>> -> memref<1x128x64xf32, #tpu.memory_space<vmem>>
      %dma_wait3A_557 = tpu.memref_squeeze %dma_wait3A_556 : memref<1x128x64xf32, #tpu.memory_space<vmem>> -> memref<128x64xf32, #tpu.memory_space<vmem>>
      %dma_wait3A_558 = arith.constant 0 : i32
      %dma_wait3A_559 = tpu.memref_slice %arg7[%sub3A_552, %dma_wait3A_558] : memref<160x128xi32, #tpu.memory_space<vmem>> -> memref<1x128xi32, #tpu.memory_space<vmem>>
      %dma_wait3A_560 = tpu.memref_squeeze %dma_wait3A_559 : memref<1x128xi32, #tpu.memory_space<vmem>> -> memref<128xi32, #tpu.memory_space<vmem>>
      %dma_wait3A_561 = arith.constant 0 : i32
      %dma_wait3A_562 = arith.constant 0 : i32
      %dma_wait3A_563 = tpu.memref_slice %arg9[%dma_wait3A_561, %dma_wait3A_562] : memref<10240x64xf32, #tpu.memory_space<vmem_shared>> -> memref<10240x64xf32, #tpu.memory_space<vmem_shared>>
      tpu.wait_indirect_dma semaphore(%arg19 : memref<!tpu.dma_semaphore, #tpu.memory_space<semaphore_mem>>) src(%dma_wait3A_557 : memref<128x64xf32, #tpu.memory_space<vmem>>) dst(%dma_wait3A_563 : memref<10240x64xf32, #tpu.memory_space<vmem_shared>>)
      %add3A_564 = arith.constant 3 : i32
      %add3A_565 = arith.addi %add3A_550, %add3A_564 : i32
      %dma_start3A_566 = arith.constant 4 : i32
      %dma_start3A_567 = arith.constant 0 : i32
      %dma_start3A_568 = arith.constant 0 : i32
      %dma_start3A_569 = tpu.memref_slice %arg8[%dma_start3A_566, %dma_start3A_567, %dma_start3A_568] : memref<5x128x64xf32, #tpu.memory_space<vmem>> -> memref<1x128x64xf32, #tpu.memory_space<vmem>>
      %dma_start3A_570 = tpu.memref_squeeze %dma_start3A_569 : memref<1x128x64xf32, #tpu.memory_space<vmem>> -> memref<128x64xf32, #tpu.memory_space<vmem>>
      %dma_start3A_571 = arith.constant 0 : i32
      %dma_start3A_572 = tpu.memref_slice %arg6[%add3A_565, %dma_start3A_571] : memref<160x128xi32, #tpu.memory_space<vmem>> -> memref<1x128xi32, #tpu.memory_space<vmem>>
      %dma_start3A_573 = tpu.memref_squeeze %dma_start3A_572 : memref<1x128xi32, #tpu.memory_space<vmem>> -> memref<128xi32, #tpu.memory_space<vmem>>
      %dma_start3A_574 = arith.constant 0 : i32
      %dma_start3A_575 = arith.constant 0 : i32
      %dma_start3A_576 = tpu.memref_slice %arg2[%arg0, %dma_start3A_574, %dma_start3A_575] : memref<2x10240x64xf32, #tpu.memory_space<hbm>> -> memref<1x10240x64xf32, #tpu.memory_space<hbm>>
      %dma_start3A_577 = tpu.memref_squeeze %dma_start3A_576 : memref<1x10240x64xf32, #tpu.memory_space<hbm>> -> memref<10240x64xf32, #tpu.memory_space<hbm>>
      %dma_start3A_578 = arith.constant 0 : i32
      %dma_start3A_579 = arith.constant 0 : i32
      %dma_start3A_580 = tpu.memref_slice %dma_start3A_577[%dma_start3A_578, %dma_start3A_579] : memref<10240x64xf32, #tpu.memory_space<hbm>> -> memref<10240x64xf32, #tpu.memory_space<hbm>>
      tpu.enqueue_indirect_dma source(%dma_start3A_580 : memref<10240x64xf32, #tpu.memory_space<hbm>>) target(%dma_start3A_570 : memref<128x64xf32, #tpu.memory_space<vmem>>) offsets(%dma_start3A_573 : memref<128xi32, #tpu.memory_space<vmem>>) semaphore(%arg14 : memref<!tpu.dma_semaphore, #tpu.memory_space<semaphore_mem>>)
      %dma_wait3A_581 = arith.constant 1 : i32
      %dma_wait3A_582 = arith.constant 0 : i32
      %dma_wait3A_583 = arith.constant 0 : i32
      %dma_wait3A_584 = tpu.memref_slice %arg8[%dma_wait3A_581, %dma_wait3A_582, %dma_wait3A_583] : memref<5x128x64xf32, #tpu.memory_space<vmem>> -> memref<1x128x64xf32, #tpu.memory_space<vmem>>
      %dma_wait3A_585 = tpu.memref_squeeze %dma_wait3A_584 : memref<1x128x64xf32, #tpu.memory_space<vmem>> -> memref<128x64xf32, #tpu.memory_space<vmem>>
      %dma_wait3A_586 = arith.constant 0 : i32
      %dma_wait3A_587 = tpu.memref_slice %arg6[%add3A_550, %dma_wait3A_586] : memref<160x128xi32, #tpu.memory_space<vmem>> -> memref<1x128xi32, #tpu.memory_space<vmem>>
      %dma_wait3A_588 = tpu.memref_squeeze %dma_wait3A_587 : memref<1x128xi32, #tpu.memory_space<vmem>> -> memref<128xi32, #tpu.memory_space<vmem>>
      %dma_wait3A_589 = arith.constant 0 : i32
      %dma_wait3A_590 = arith.constant 0 : i32
      %dma_wait3A_591 = tpu.memref_slice %arg2[%arg0, %dma_wait3A_589, %dma_wait3A_590] : memref<2x10240x64xf32, #tpu.memory_space<hbm>> -> memref<1x10240x64xf32, #tpu.memory_space<hbm>>
      %dma_wait3A_592 = tpu.memref_squeeze %dma_wait3A_591 : memref<1x10240x64xf32, #tpu.memory_space<hbm>> -> memref<10240x64xf32, #tpu.memory_space<hbm>>
      %dma_wait3A_593 = arith.constant 0 : i32
      %dma_wait3A_594 = arith.constant 0 : i32
      %dma_wait3A_595 = tpu.memref_slice %dma_wait3A_592[%dma_wait3A_593, %dma_wait3A_594] : memref<10240x64xf32, #tpu.memory_space<hbm>> -> memref<10240x64xf32, #tpu.memory_space<hbm>>
      tpu.wait_indirect_dma semaphore(%arg11 : memref<!tpu.dma_semaphore, #tpu.memory_space<semaphore_mem>>) src(%dma_wait3A_595 : memref<10240x64xf32, #tpu.memory_space<hbm>>) dst(%dma_wait3A_585 : memref<128x64xf32, #tpu.memory_space<vmem>>)
      %dma_start3A_596 = arith.constant 1 : i32
      %dma_start3A_597 = arith.constant 0 : i32
      %dma_start3A_598 = arith.constant 0 : i32
      %dma_start3A_599 = tpu.memref_slice %arg8[%dma_start3A_596, %dma_start3A_597, %dma_start3A_598] : memref<5x128x64xf32, #tpu.memory_space<vmem>> -> memref<1x128x64xf32, #tpu.memory_space<vmem>>
      %dma_start3A_600 = tpu.memref_squeeze %dma_start3A_599 : memref<1x128x64xf32, #tpu.memory_space<vmem>> -> memref<128x64xf32, #tpu.memory_space<vmem>>
      %dma_start3A_601 = arith.constant 0 : i32
      %dma_start3A_602 = tpu.memref_slice %arg7[%add3A_550, %dma_start3A_601] : memref<160x128xi32, #tpu.memory_space<vmem>> -> memref<1x128xi32, #tpu.memory_space<vmem>>
      %dma_start3A_603 = tpu.memref_squeeze %dma_start3A_602 : memref<1x128xi32, #tpu.memory_space<vmem>> -> memref<128xi32, #tpu.memory_space<vmem>>
      %dma_start3A_604 = arith.constant 0 : i32
      %dma_start3A_605 = arith.constant 0 : i32
      %dma_start3A_606 = tpu.memref_slice %arg9[%dma_start3A_604, %dma_start3A_605] : memref<10240x64xf32, #tpu.memory_space<vmem_shared>> -> memref<10240x64xf32, #tpu.memory_space<vmem_shared>>
      tpu.enqueue_indirect_dma source(%dma_start3A_600 : memref<128x64xf32, #tpu.memory_space<vmem>>) target(%dma_start3A_606 : memref<10240x64xf32, #tpu.memory_space<vmem_shared>>) offsets(%dma_start3A_603 : memref<128xi32, #tpu.memory_space<vmem>>) semaphore(%arg16 : memref<!tpu.dma_semaphore, #tpu.memory_space<semaphore_mem>>) {add = true}
    }
    %scan3A_148 = arith.constant 31 : i32
    %dma_wait3A_149 = arith.constant 157 : i32
    %dma_wait3A_150 = arith.constant 2 : i32
    %dma_wait3A_151 = arith.constant 0 : i32
    %dma_wait3A_152 = arith.constant 0 : i32
    %dma_wait3A_153 = tpu.memref_slice %arg8[%dma_wait3A_150, %dma_wait3A_151, %dma_wait3A_152] : memref<5x128x64xf32, #tpu.memory_space<vmem>> -> memref<1x128x64xf32, #tpu.memory_space<vmem>>
    %dma_wait3A_154 = tpu.memref_squeeze %dma_wait3A_153 : memref<1x128x64xf32, #tpu.memory_space<vmem>> -> memref<128x64xf32, #tpu.memory_space<vmem>>
    %dma_wait3A_155 = arith.constant 0 : i32
    %dma_wait3A_156 = tpu.memref_slice %arg6[%dma_wait3A_149, %dma_wait3A_155] : memref<160x128xi32, #tpu.memory_space<vmem>> -> memref<1x128xi32, #tpu.memory_space<vmem>>
    %dma_wait3A_157 = tpu.memref_squeeze %dma_wait3A_156 : memref<1x128xi32, #tpu.memory_space<vmem>> -> memref<128xi32, #tpu.memory_space<vmem>>
    %dma_wait3A_158 = arith.constant 0 : i32
    %dma_wait3A_159 = arith.constant 0 : i32
    %dma_wait3A_160 = tpu.memref_slice %arg2[%arg0, %dma_wait3A_158, %dma_wait3A_159] : memref<2x10240x64xf32, #tpu.memory_space<hbm>> -> memref<1x10240x64xf32, #tpu.memory_space<hbm>>
    %dma_wait3A_161 = tpu.memref_squeeze %dma_wait3A_160 : memref<1x10240x64xf32, #tpu.memory_space<hbm>> -> memref<10240x64xf32, #tpu.memory_space<hbm>>
    %dma_wait3A_162 = arith.constant 0 : i32
    %dma_wait3A_163 = arith.constant 0 : i32
    %dma_wait3A_164 = tpu.memref_slice %dma_wait3A_161[%dma_wait3A_162, %dma_wait3A_163] : memref<10240x64xf32, #tpu.memory_space<hbm>> -> memref<10240x64xf32, #tpu.memory_space<hbm>>
    tpu.wait_indirect_dma semaphore(%arg12 : memref<!tpu.dma_semaphore, #tpu.memory_space<semaphore_mem>>) src(%dma_wait3A_164 : memref<10240x64xf32, #tpu.memory_space<hbm>>) dst(%dma_wait3A_154 : memref<128x64xf32, #tpu.memory_space<vmem>>)
    %dma_start3A_165 = arith.constant 2 : i32
    %dma_start3A_166 = arith.constant 157 : i32
    %dma_start3A_167 = arith.constant 0 : i32
    %dma_start3A_168 = arith.constant 0 : i32
    %dma_start3A_169 = tpu.memref_slice %arg8[%dma_start3A_165, %dma_start3A_167, %dma_start3A_168] : memref<5x128x64xf32, #tpu.memory_space<vmem>> -> memref<1x128x64xf32, #tpu.memory_space<vmem>>
    %dma_start3A_170 = tpu.memref_squeeze %dma_start3A_169 : memref<1x128x64xf32, #tpu.memory_space<vmem>> -> memref<128x64xf32, #tpu.memory_space<vmem>>
    %dma_start3A_171 = arith.constant 0 : i32
    %dma_start3A_172 = tpu.memref_slice %arg7[%dma_start3A_166, %dma_start3A_171] : memref<160x128xi32, #tpu.memory_space<vmem>> -> memref<1x128xi32, #tpu.memory_space<vmem>>
    %dma_start3A_173 = tpu.memref_squeeze %dma_start3A_172 : memref<1x128xi32, #tpu.memory_space<vmem>> -> memref<128xi32, #tpu.memory_space<vmem>>
    %dma_start3A_174 = arith.constant 0 : i32
    %dma_start3A_175 = arith.constant 0 : i32
    %dma_start3A_176 = tpu.memref_slice %arg9[%dma_start3A_174, %dma_start3A_175] : memref<10240x64xf32, #tpu.memory_space<vmem_shared>> -> memref<10240x64xf32, #tpu.memory_space<vmem_shared>>
    tpu.enqueue_indirect_dma source(%dma_start3A_170 : memref<128x64xf32, #tpu.memory_space<vmem>>) target(%dma_start3A_176 : memref<10240x64xf32, #tpu.memory_space<vmem_shared>>) offsets(%dma_start3A_173 : memref<128xi32, #tpu.memory_space<vmem>>) semaphore(%arg17 : memref<!tpu.dma_semaphore, #tpu.memory_space<semaphore_mem>>) {add = true}
    %dma_wait3A_177 = arith.constant 158 : i32
    %dma_wait3A_178 = arith.constant 3 : i32
    %dma_wait3A_179 = arith.constant 0 : i32
    %dma_wait3A_180 = arith.constant 0 : i32
    %dma_wait3A_181 = tpu.memref_slice %arg8[%dma_wait3A_178, %dma_wait3A_179, %dma_wait3A_180] : memref<5x128x64xf32, #tpu.memory_space<vmem>> -> memref<1x128x64xf32, #tpu.memory_space<vmem>>
    %dma_wait3A_182 = tpu.memref_squeeze %dma_wait3A_181 : memref<1x128x64xf32, #tpu.memory_space<vmem>> -> memref<128x64xf32, #tpu.memory_space<vmem>>
    %dma_wait3A_183 = arith.constant 0 : i32
    %dma_wait3A_184 = tpu.memref_slice %arg6[%dma_wait3A_177, %dma_wait3A_183] : memref<160x128xi32, #tpu.memory_space<vmem>> -> memref<1x128xi32, #tpu.memory_space<vmem>>
    %dma_wait3A_185 = tpu.memref_squeeze %dma_wait3A_184 : memref<1x128xi32, #tpu.memory_space<vmem>> -> memref<128xi32, #tpu.memory_space<vmem>>
    %dma_wait3A_186 = arith.constant 0 : i32
    %dma_wait3A_187 = arith.constant 0 : i32
    %dma_wait3A_188 = tpu.memref_slice %arg2[%arg0, %dma_wait3A_186, %dma_wait3A_187] : memref<2x10240x64xf32, #tpu.memory_space<hbm>> -> memref<1x10240x64xf32, #tpu.memory_space<hbm>>
    %dma_wait3A_189 = tpu.memref_squeeze %dma_wait3A_188 : memref<1x10240x64xf32, #tpu.memory_space<hbm>> -> memref<10240x64xf32, #tpu.memory_space<hbm>>
    %dma_wait3A_190 = arith.constant 0 : i32
    %dma_wait3A_191 = arith.constant 0 : i32
    %dma_wait3A_192 = tpu.memref_slice %dma_wait3A_189[%dma_wait3A_190, %dma_wait3A_191] : memref<10240x64xf32, #tpu.memory_space<hbm>> -> memref<10240x64xf32, #tpu.memory_space<hbm>>
    tpu.wait_indirect_dma semaphore(%arg13 : memref<!tpu.dma_semaphore, #tpu.memory_space<semaphore_mem>>) src(%dma_wait3A_192 : memref<10240x64xf32, #tpu.memory_space<hbm>>) dst(%dma_wait3A_182 : memref<128x64xf32, #tpu.memory_space<vmem>>)
    %dma_start3A_193 = arith.constant 3 : i32
    %dma_start3A_194 = arith.constant 158 : i32
    %dma_start3A_195 = arith.constant 0 : i32
    %dma_start3A_196 = arith.constant 0 : i32
    %dma_start3A_197 = tpu.memref_slice %arg8[%dma_start3A_193, %dma_start3A_195, %dma_start3A_196] : memref<5x128x64xf32, #tpu.memory_space<vmem>> -> memref<1x128x64xf32, #tpu.memory_space<vmem>>
    %dma_start3A_198 = tpu.memref_squeeze %dma_start3A_197 : memref<1x128x64xf32, #tpu.memory_space<vmem>> -> memref<128x64xf32, #tpu.memory_space<vmem>>
    %dma_start3A_199 = arith.constant 0 : i32
    %dma_start3A_200 = tpu.memref_slice %arg7[%dma_start3A_194, %dma_start3A_199] : memref<160x128xi32, #tpu.memory_space<vmem>> -> memref<1x128xi32, #tpu.memory_space<vmem>>
    %dma_start3A_201 = tpu.memref_squeeze %dma_start3A_200 : memref<1x128xi32, #tpu.memory_space<vmem>> -> memref<128xi32, #tpu.memory_space<vmem>>
    %dma_start3A_202 = arith.constant 0 : i32
    %dma_start3A_203 = arith.constant 0 : i32
    %dma_start3A_204 = tpu.memref_slice %arg9[%dma_start3A_202, %dma_start3A_203] : memref<10240x64xf32, #tpu.memory_space<vmem_shared>> -> memref<10240x64xf32, #tpu.memory_space<vmem_shared>>
    tpu.enqueue_indirect_dma source(%dma_start3A_198 : memref<128x64xf32, #tpu.memory_space<vmem>>) target(%dma_start3A_204 : memref<10240x64xf32, #tpu.memory_space<vmem_shared>>) offsets(%dma_start3A_201 : memref<128xi32, #tpu.memory_space<vmem>>) semaphore(%arg18 : memref<!tpu.dma_semaphore, #tpu.memory_space<semaphore_mem>>) {add = true}
    %dma_wait3A_205 = arith.constant 159 : i32
    %dma_wait3A_206 = arith.constant 4 : i32
    %dma_wait3A_207 = arith.constant 0 : i32
    %dma_wait3A_208 = arith.constant 0 : i32
    %dma_wait3A_209 = tpu.memref_slice %arg8[%dma_wait3A_206, %dma_wait3A_207, %dma_wait3A_208] : memref<5x128x64xf32, #tpu.memory_space<vmem>> -> memref<1x128x64xf32, #tpu.memory_space<vmem>>
    %dma_wait3A_210 = tpu.memref_squeeze %dma_wait3A_209 : memref<1x128x64xf32, #tpu.memory_space<vmem>> -> memref<128x64xf32, #tpu.memory_space<vmem>>
    %dma_wait3A_211 = arith.constant 0 : i32
    %dma_wait3A_212 = tpu.memref_slice %arg6[%dma_wait3A_205, %dma_wait3A_211] : memref<160x128xi32, #tpu.memory_space<vmem>> -> memref<1x128xi32, #tpu.memory_space<vmem>>
    %dma_wait3A_213 = tpu.memref_squeeze %dma_wait3A_212 : memref<1x128xi32, #tpu.memory_space<vmem>> -> memref<128xi32, #tpu.memory_space<vmem>>
    %dma_wait3A_214 = arith.constant 0 : i32
    %dma_wait3A_215 = arith.constant 0 : i32
    %dma_wait3A_216 = tpu.memref_slice %arg2[%arg0, %dma_wait3A_214, %dma_wait3A_215] : memref<2x10240x64xf32, #tpu.memory_space<hbm>> -> memref<1x10240x64xf32, #tpu.memory_space<hbm>>
    %dma_wait3A_217 = tpu.memref_squeeze %dma_wait3A_216 : memref<1x10240x64xf32, #tpu.memory_space<hbm>> -> memref<10240x64xf32, #tpu.memory_space<hbm>>
    %dma_wait3A_218 = arith.constant 0 : i32
    %dma_wait3A_219 = arith.constant 0 : i32
    %dma_wait3A_220 = tpu.memref_slice %dma_wait3A_217[%dma_wait3A_218, %dma_wait3A_219] : memref<10240x64xf32, #tpu.memory_space<hbm>> -> memref<10240x64xf32, #tpu.memory_space<hbm>>
    tpu.wait_indirect_dma semaphore(%arg14 : memref<!tpu.dma_semaphore, #tpu.memory_space<semaphore_mem>>) src(%dma_wait3A_220 : memref<10240x64xf32, #tpu.memory_space<hbm>>) dst(%dma_wait3A_210 : memref<128x64xf32, #tpu.memory_space<vmem>>)
    %dma_start3A_221 = arith.constant 4 : i32
    %dma_start3A_222 = arith.constant 159 : i32
    %dma_start3A_223 = arith.constant 0 : i32
    %dma_start3A_224 = arith.constant 0 : i32
    %dma_start3A_225 = tpu.memref_slice %arg8[%dma_start3A_221, %dma_start3A_223, %dma_start3A_224] : memref<5x128x64xf32, #tpu.memory_space<vmem>> -> memref<1x128x64xf32, #tpu.memory_space<vmem>>
    %dma_start3A_226 = tpu.memref_squeeze %dma_start3A_225 : memref<1x128x64xf32, #tpu.memory_space<vmem>> -> memref<128x64xf32, #tpu.memory_space<vmem>>
    %dma_start3A_227 = arith.constant 0 : i32
    %dma_start3A_228 = tpu.memref_slice %arg7[%dma_start3A_222, %dma_start3A_227] : memref<160x128xi32, #tpu.memory_space<vmem>> -> memref<1x128xi32, #tpu.memory_space<vmem>>
    %dma_start3A_229 = tpu.memref_squeeze %dma_start3A_228 : memref<1x128xi32, #tpu.memory_space<vmem>> -> memref<128xi32, #tpu.memory_space<vmem>>
    %dma_start3A_230 = arith.constant 0 : i32
    %dma_start3A_231 = arith.constant 0 : i32
    %dma_start3A_232 = tpu.memref_slice %arg9[%dma_start3A_230, %dma_start3A_231] : memref<10240x64xf32, #tpu.memory_space<vmem_shared>> -> memref<10240x64xf32, #tpu.memory_space<vmem_shared>>
    tpu.enqueue_indirect_dma source(%dma_start3A_226 : memref<128x64xf32, #tpu.memory_space<vmem>>) target(%dma_start3A_232 : memref<10240x64xf32, #tpu.memory_space<vmem_shared>>) offsets(%dma_start3A_229 : memref<128xi32, #tpu.memory_space<vmem>>) semaphore(%arg19 : memref<!tpu.dma_semaphore, #tpu.memory_space<semaphore_mem>>) {add = true}
    %dma_wait3A_233 = arith.constant 0 : i32
    %dma_wait3A_234 = arith.constant 155 : i32
    %dma_wait3A_235 = arith.constant 0 : i32
    %dma_wait3A_236 = arith.constant 0 : i32
    %dma_wait3A_237 = tpu.memref_slice %arg8[%dma_wait3A_233, %dma_wait3A_235, %dma_wait3A_236] : memref<5x128x64xf32, #tpu.memory_space<vmem>> -> memref<1x128x64xf32, #tpu.memory_space<vmem>>
    %dma_wait3A_238 = tpu.memref_squeeze %dma_wait3A_237 : memref<1x128x64xf32, #tpu.memory_space<vmem>> -> memref<128x64xf32, #tpu.memory_space<vmem>>
    %dma_wait3A_239 = arith.constant 0 : i32
    %dma_wait3A_240 = tpu.memref_slice %arg7[%dma_wait3A_234, %dma_wait3A_239] : memref<160x128xi32, #tpu.memory_space<vmem>> -> memref<1x128xi32, #tpu.memory_space<vmem>>
    %dma_wait3A_241 = tpu.memref_squeeze %dma_wait3A_240 : memref<1x128xi32, #tpu.memory_space<vmem>> -> memref<128xi32, #tpu.memory_space<vmem>>
    %dma_wait3A_242 = arith.constant 0 : i32
    %dma_wait3A_243 = arith.constant 0 : i32
    %dma_wait3A_244 = tpu.memref_slice %arg9[%dma_wait3A_242, %dma_wait3A_243] : memref<10240x64xf32, #tpu.memory_space<vmem_shared>> -> memref<10240x64xf32, #tpu.memory_space<vmem_shared>>
    tpu.wait_indirect_dma semaphore(%arg15 : memref<!tpu.dma_semaphore, #tpu.memory_space<semaphore_mem>>) src(%dma_wait3A_238 : memref<128x64xf32, #tpu.memory_space<vmem>>) dst(%dma_wait3A_244 : memref<10240x64xf32, #tpu.memory_space<vmem_shared>>)
    %dma_wait3A_245 = arith.constant 1 : i32
    %dma_wait3A_246 = arith.constant 156 : i32
    %dma_wait3A_247 = arith.constant 0 : i32
    %dma_wait3A_248 = arith.constant 0 : i32
    %dma_wait3A_249 = tpu.memref_slice %arg8[%dma_wait3A_245, %dma_wait3A_247, %dma_wait3A_248] : memref<5x128x64xf32, #tpu.memory_space<vmem>> -> memref<1x128x64xf32, #tpu.memory_space<vmem>>
    %dma_wait3A_250 = tpu.memref_squeeze %dma_wait3A_249 : memref<1x128x64xf32, #tpu.memory_space<vmem>> -> memref<128x64xf32, #tpu.memory_space<vmem>>
    %dma_wait3A_251 = arith.constant 0 : i32
    %dma_wait3A_252 = tpu.memref_slice %arg7[%dma_wait3A_246, %dma_wait3A_251] : memref<160x128xi32, #tpu.memory_space<vmem>> -> memref<1x128xi32, #tpu.memory_space<vmem>>
    %dma_wait3A_253 = tpu.memref_squeeze %dma_wait3A_252 : memref<1x128xi32, #tpu.memory_space<vmem>> -> memref<128xi32, #tpu.memory_space<vmem>>
    %dma_wait3A_254 = arith.constant 0 : i32
    %dma_wait3A_255 = arith.constant 0 : i32
    %dma_wait3A_256 = tpu.memref_slice %arg9[%dma_wait3A_254, %dma_wait3A_255] : memref<10240x64xf32, #tpu.memory_space<vmem_shared>> -> memref<10240x64xf32, #tpu.memory_space<vmem_shared>>
    tpu.wait_indirect_dma semaphore(%arg16 : memref<!tpu.dma_semaphore, #tpu.memory_space<semaphore_mem>>) src(%dma_wait3A_250 : memref<128x64xf32, #tpu.memory_space<vmem>>) dst(%dma_wait3A_256 : memref<10240x64xf32, #tpu.memory_space<vmem_shared>>)
    %dma_wait3A_257 = arith.constant 2 : i32
    %dma_wait3A_258 = arith.constant 157 : i32
    %dma_wait3A_259 = arith.constant 0 : i32
    %dma_wait3A_260 = arith.constant 0 : i32
    %dma_wait3A_261 = tpu.memref_slice %arg8[%dma_wait3A_257, %dma_wait3A_259, %dma_wait3A_260] : memref<5x128x64xf32, #tpu.memory_space<vmem>> -> memref<1x128x64xf32, #tpu.memory_space<vmem>>
    %dma_wait3A_262 = tpu.memref_squeeze %dma_wait3A_261 : memref<1x128x64xf32, #tpu.memory_space<vmem>> -> memref<128x64xf32, #tpu.memory_space<vmem>>
    %dma_wait3A_263 = arith.constant 0 : i32
    %dma_wait3A_264 = tpu.memref_slice %arg7[%dma_wait3A_258, %dma_wait3A_263] : memref<160x128xi32, #tpu.memory_space<vmem>> -> memref<1x128xi32, #tpu.memory_space<vmem>>
    %dma_wait3A_265 = tpu.memref_squeeze %dma_wait3A_264 : memref<1x128xi32, #tpu.memory_space<vmem>> -> memref<128xi32, #tpu.memory_space<vmem>>
    %dma_wait3A_266 = arith.constant 0 : i32
    %dma_wait3A_267 = arith.constant 0 : i32
    %dma_wait3A_268 = tpu.memref_slice %arg9[%dma_wait3A_266, %dma_wait3A_267] : memref<10240x64xf32, #tpu.memory_space<vmem_shared>> -> memref<10240x64xf32, #tpu.memory_space<vmem_shared>>
    tpu.wait_indirect_dma semaphore(%arg17 : memref<!tpu.dma_semaphore, #tpu.memory_space<semaphore_mem>>) src(%dma_wait3A_262 : memref<128x64xf32, #tpu.memory_space<vmem>>) dst(%dma_wait3A_268 : memref<10240x64xf32, #tpu.memory_space<vmem_shared>>)
    %dma_wait3A_269 = arith.constant 3 : i32
    %dma_wait3A_270 = arith.constant 158 : i32
    %dma_wait3A_271 = arith.constant 0 : i32
    %dma_wait3A_272 = arith.constant 0 : i32
    %dma_wait3A_273 = tpu.memref_slice %arg8[%dma_wait3A_269, %dma_wait3A_271, %dma_wait3A_272] : memref<5x128x64xf32, #tpu.memory_space<vmem>> -> memref<1x128x64xf32, #tpu.memory_space<vmem>>
    %dma_wait3A_274 = tpu.memref_squeeze %dma_wait3A_273 : memref<1x128x64xf32, #tpu.memory_space<vmem>> -> memref<128x64xf32, #tpu.memory_space<vmem>>
    %dma_wait3A_275 = arith.constant 0 : i32
    %dma_wait3A_276 = tpu.memref_slice %arg7[%dma_wait3A_270, %dma_wait3A_275] : memref<160x128xi32, #tpu.memory_space<vmem>> -> memref<1x128xi32, #tpu.memory_space<vmem>>
    %dma_wait3A_277 = tpu.memref_squeeze %dma_wait3A_276 : memref<1x128xi32, #tpu.memory_space<vmem>> -> memref<128xi32, #tpu.memory_space<vmem>>
    %dma_wait3A_278 = arith.constant 0 : i32
    %dma_wait3A_279 = arith.constant 0 : i32
    %dma_wait3A_280 = tpu.memref_slice %arg9[%dma_wait3A_278, %dma_wait3A_279] : memref<10240x64xf32, #tpu.memory_space<vmem_shared>> -> memref<10240x64xf32, #tpu.memory_space<vmem_shared>>
    tpu.wait_indirect_dma semaphore(%arg18 : memref<!tpu.dma_semaphore, #tpu.memory_space<semaphore_mem>>) src(%dma_wait3A_274 : memref<128x64xf32, #tpu.memory_space<vmem>>) dst(%dma_wait3A_280 : memref<10240x64xf32, #tpu.memory_space<vmem_shared>>)
    %dma_wait3A_281 = arith.constant 4 : i32
    %dma_wait3A_282 = arith.constant 159 : i32
    %dma_wait3A_283 = arith.constant 0 : i32
    %dma_wait3A_284 = arith.constant 0 : i32
    %dma_wait3A_285 = tpu.memref_slice %arg8[%dma_wait3A_281, %dma_wait3A_283, %dma_wait3A_284] : memref<5x128x64xf32, #tpu.memory_space<vmem>> -> memref<1x128x64xf32, #tpu.memory_space<vmem>>
    %dma_wait3A_286 = tpu.memref_squeeze %dma_wait3A_285 : memref<1x128x64xf32, #tpu.memory_space<vmem>> -> memref<128x64xf32, #tpu.memory_space<vmem>>
    %dma_wait3A_287 = arith.constant 0 : i32
    %dma_wait3A_288 = tpu.memref_slice %arg7[%dma_wait3A_282, %dma_wait3A_287] : memref<160x128xi32, #tpu.memory_space<vmem>> -> memref<1x128xi32, #tpu.memory_space<vmem>>
    %dma_wait3A_289 = tpu.memref_squeeze %dma_wait3A_288 : memref<1x128xi32, #tpu.memory_space<vmem>> -> memref<128xi32, #tpu.memory_space<vmem>>
    %dma_wait3A_290 = arith.constant 0 : i32
    %dma_wait3A_291 = arith.constant 0 : i32
    %dma_wait3A_292 = tpu.memref_slice %arg9[%dma_wait3A_290, %dma_wait3A_291] : memref<10240x64xf32, #tpu.memory_space<vmem_shared>> -> memref<10240x64xf32, #tpu.memory_space<vmem_shared>>
    tpu.wait_indirect_dma semaphore(%arg19 : memref<!tpu.dma_semaphore, #tpu.memory_space<semaphore_mem>>) src(%dma_wait3A_286 : memref<128x64xf32, #tpu.memory_space<vmem>>) dst(%dma_wait3A_292 : memref<10240x64xf32, #tpu.memory_space<vmem_shared>>)
    %barrier3A_293 = arith.constant 0 : index
    tpu.barrier barrier_id(%barrier3A_293)
    "tpu.region"() ({
      %run_scoped3A = tpu.sem_alloc : memref<!tpu.dma_semaphore, #tpu.memory_space<semaphore_mem>>
      %dma_start3A_294 = arith.constant 0 : i32
      %dma_start3A_295 = tpu.memref_slice %arg5[%arg0, %mul3A_0, %dma_start3A_294] : memref<2x10240x64xf32, #tpu.memory_space<hbm>> -> memref<1x640x64xf32, #tpu.memory_space<hbm>>
      %dma_start3A_296 = tpu.memref_squeeze %dma_start3A_295 : memref<1x640x64xf32, #tpu.memory_space<hbm>> -> memref<640x64xf32, #tpu.memory_space<hbm>>
      %dma_start3A_297 = arith.constant 0 : i32
      %dma_start3A_298 = tpu.memref_slice %arg9[%mul3A_0, %dma_start3A_297] : memref<10240x64xf32, #tpu.memory_space<vmem_shared>> -> memref<640x64xf32, #tpu.memory_space<vmem_shared>>
      tpu.enqueue_dma source(%dma_start3A_298 : memref<640x64xf32, #tpu.memory_space<vmem_shared>>) target(%dma_start3A_296 : memref<640x64xf32, #tpu.memory_space<hbm>>) target_semaphore(%run_scoped3A : memref<!tpu.dma_semaphore, #tpu.memory_space<semaphore_mem>>)
      %dma_wait3A_299 = arith.constant 0 : i32
      %dma_wait3A_300 = tpu.memref_slice %arg5[%arg0, %mul3A_0, %dma_wait3A_299] : memref<2x10240x64xf32, #tpu.memory_space<hbm>> -> memref<1x640x64xf32, #tpu.memory_space<hbm>>
      %dma_wait3A_301 = tpu.memref_squeeze %dma_wait3A_300 : memref<1x640x64xf32, #tpu.memory_space<hbm>> -> memref<640x64xf32, #tpu.memory_space<hbm>>
      %dma_wait3A_302 = arith.constant 0 : i32
      %dma_wait3A_303 = tpu.memref_slice %arg9[%mul3A_0, %dma_wait3A_302] : memref<10240x64xf32, #tpu.memory_space<vmem_shared>> -> memref<640x64xf32, #tpu.memory_space<vmem_shared>>
      tpu.wait_dma2 semaphore(%run_scoped3A : memref<!tpu.dma_semaphore, #tpu.memory_space<semaphore_mem>>) src(%dma_wait3A_303 : memref<640x64xf32, #tpu.memory_space<vmem_shared>>) dst(%dma_wait3A_301 : memref<640x64xf32, #tpu.memory_space<hbm>>)
      tpu.yield
    }) : () -> ()
    return
  }
}

#map = affine_map<(d0, d1) -> (0, 0, 0)>
module attributes {stable_mosaic.version = 14 : i64} {
  func.func @_prop_sc(%arg0: i32, %arg1: i32, %arg2: memref<2x10240x64xf32, #tpu.memory_space<hbm>>, %arg3: memref<16x160x128xi32, #tpu.memory_space<hbm>>, %arg4: memref<16x160x128xi32, #tpu.memory_space<hbm>>, %arg5: memref<2x10240x64xf32, #tpu.memory_space<hbm>>, %arg6: memref<160x128xi32, #tpu.memory_space<vmem>>, %arg7: memref<160x128xi32, #tpu.memory_space<vmem>>, %arg8: memref<5x128x64xf32, #tpu.memory_space<vmem>>, %arg9: memref<10240x64xf32, #tpu.memory_space<vmem_shared>>, %arg10: memref<!tpu.dma_semaphore, #tpu.memory_space<semaphore_mem>>, %arg11: memref<!tpu.dma_semaphore, #tpu.memory_space<semaphore_mem>>, %arg12: memref<!tpu.dma_semaphore, #tpu.memory_space<semaphore_mem>>, %arg13: memref<!tpu.dma_semaphore, #tpu.memory_space<semaphore_mem>>, %arg14: memref<!tpu.dma_semaphore, #tpu.memory_space<semaphore_mem>>, %arg15: memref<!tpu.dma_semaphore, #tpu.memory_space<semaphore_mem>>, %arg16: memref<!tpu.dma_semaphore, #tpu.memory_space<semaphore_mem>>, %arg17: memref<!tpu.dma_semaphore, #tpu.memory_space<semaphore_mem>>, %arg18: memref<!tpu.dma_semaphore, #tpu.memory_space<semaphore_mem>>, %arg19: memref<!tpu.dma_semaphore, #tpu.memory_space<semaphore_mem>>) attributes {dimension_semantics = [#tpu.dimension_semantics<core_parallel>, #tpu.dimension_semantics<subcore_parallel>], iteration_bounds = array<i64: 2, 16>, scalar_prefetch = 0 : i64, scratch_operands = 14 : i64, tpu.core_type = #tpu.core_type<sc_vector_subcore>, window_params = [{transform_indices = #map}, {transform_indices = #map}, {transform_indices = #map}, {transform_indices = #map}]} {
    %mul3A = arith.constant 640 : i32
    %mul3A_0 = arith.muli %arg1, %mul3A : i32
    %scan3A = arith.constant 0 : i32
    %scan3A_1 = arith.constant 128 : i32
    %scan3A_2 = arith.addi %scan3A, %scan3A_1 : i32
    %scan3A_3 = arith.constant 1 : i32
    scf.for %scan3A_294 = %scan3A to %scan3A_2 step %scan3A_3  : i32 {
      %mul3A_295 = arith.constant 1 : i32
      %mul3A_296 = arith.muli %scan3A_294, %mul3A_295 : i32
      %add3A = arith.constant 0 : i32
      %add3A_297 = arith.addi %add3A, %mul3A_296 : i32
      %scan3A_298 = arith.constant 0 : i32
      %scan3A_299 = arith.constant 4 : i32
      %scan3A_300 = arith.addi %scan3A_298, %scan3A_299 : i32
      %scan3A_301 = arith.constant 1 : i32
      scf.for %scan3A_303 = %scan3A_298 to %scan3A_300 step %scan3A_301  : i32 {
        %mul3A_304 = arith.constant 1 : i32
        %mul3A_305 = arith.muli %scan3A_303, %mul3A_304 : i32
        %add3A_306 = arith.constant 0 : i32
        %add3A_307 = arith.addi %add3A_306, %mul3A_305 : i32
        %broadcast_in_dim3A = arith.constant 0.000000e+00 : f32
        %broadcast_in_dim3A_308 = vector.broadcast %broadcast_in_dim3A : f32 to vector<16xf32>
        %mul3A_309 = arith.constant 16 : i32
        %mul3A_310 = arith.muli %add3A_307, %mul3A_309 : i32
        %swap3A = arith.constant 0 : i32
        %swap3A_311 = arith.index_cast %swap3A : i32 to index
        %swap3A_312 = arith.index_cast %add3A_297 : i32 to index
        %swap3A_313 = arith.index_cast %mul3A_310 : i32 to index
        %swap3A_314 = tpu.vector_load %arg8[%swap3A_311, %swap3A_312, %swap3A_313] {strides = array<i32>} : memref<5x128x64xf32, #tpu.memory_space<vmem>>, vector<1x1x16xf32>,
        %swap3A_315 = vector.shape_cast %swap3A_314 : vector<1x1x16xf32> to vector<16xf32>
        %swap3A_316 = vector.shape_cast %broadcast_in_dim3A_308 : vector<16xf32> to vector<1x1x16xf32>
        tpu.vector_store %arg8[%swap3A_311, %swap3A_312, %swap3A_313], %swap3A_316 {strides = array<i32>} : memref<5x128x64xf32, #tpu.memory_space<vmem>>, vector<1x1x16xf32>,
      }
      %scan3A_302 = arith.constant 4 : i32
    }
    %scan3A_4 = arith.constant 128 : i32
    %scan3A_5 = arith.constant 0 : i32
    %scan3A_6 = arith.constant 5 : i32
    %scan3A_7 = arith.addi %scan3A_5, %scan3A_6 : i32
    %scan3A_8 = arith.constant 1 : i32
    scf.for %scan3A_294 = %scan3A_5 to %scan3A_7 step %scan3A_8  : i32 {
      %mul3A_295 = arith.constant 1 : i32
      %mul3A_296 = arith.muli %scan3A_294, %mul3A_295 : i32
      %add3A = arith.constant 0 : i32
      %add3A_297 = arith.addi %add3A, %mul3A_296 : i32
      %mul3A_298 = arith.constant 128 : i32
      %mul3A_299 = arith.muli %add3A_297, %mul3A_298 : i32
      %add3A_300 = arith.addi %mul3A_0, %mul3A_299 : i32
      %run_scoped3A = arith.constant 0 : i32
      "tpu.region"() ({
        %run_scoped3A_301 = tpu.sem_alloc : memref<!tpu.dma_semaphore, #tpu.memory_space<semaphore_mem>>
        %dma_start3A_302 = arith.constant 0 : i32
        %dma_start3A_303 = arith.constant 0 : i32
        %dma_start3A_304 = tpu.memref_slice %arg8[%run_scoped3A, %dma_start3A_302, %dma_start3A_303] : memref<5x128x64xf32, #tpu.memory_space<vmem>> -> memref<1x128x64xf32, #tpu.memory_space<vmem>>
        %dma_start3A_305 = tpu.memref_squeeze %dma_start3A_304 : memref<1x128x64xf32, #tpu.memory_space<vmem>> -> memref<128x64xf32, #tpu.memory_space<vmem>>
        %dma_start3A_306 = arith.constant 0 : i32
        %dma_start3A_307 = tpu.memref_slice %arg9[%add3A_300, %dma_start3A_306] : memref<10240x64xf32, #tpu.memory_space<vmem_shared>> -> memref<128x64xf32, #tpu.memory_space<vmem_shared>>
        %dma_start3A_308 = arith.constant 0 : i32
        %dma_start3A_309 = tpu.memref_slice %arg9[%add3A_300, %dma_start3A_308] : memref<10240x64xf32, #tpu.memory_space<vmem_shared>> -> memref<128x64xf32, #tpu.memory_space<vmem_shared>>
        %dma_start3A_310 = arith.constant 0 : i32
        %dma_start3A_311 = arith.constant 0 : i32
        %dma_start3A_312 = tpu.memref_slice %arg8[%run_scoped3A, %dma_start3A_310, %dma_start3A_311] : memref<5x128x64xf32, #tpu.memory_space<vmem>> -> memref<1x128x64xf32, #tpu.memory_space<vmem>>
        %dma_start3A_313 = tpu.memref_squeeze %dma_start3A_312 : memref<1x128x64xf32, #tpu.memory_space<vmem>> -> memref<128x64xf32, #tpu.memory_space<vmem>>
        tpu.enqueue_dma source(%dma_start3A_313 : memref<128x64xf32, #tpu.memory_space<vmem>>) target(%dma_start3A_309 : memref<128x64xf32, #tpu.memory_space<vmem_shared>>) target_semaphore(%run_scoped3A_301 : memref<!tpu.dma_semaphore, #tpu.memory_space<semaphore_mem>>)
        %dma_wait3A_314 = arith.constant 0 : i32
        %dma_wait3A_315 = arith.constant 0 : i32
        %dma_wait3A_316 = tpu.memref_slice %arg8[%run_scoped3A, %dma_wait3A_314, %dma_wait3A_315] : memref<5x128x64xf32, #tpu.memory_space<vmem>> -> memref<1x128x64xf32, #tpu.memory_space<vmem>>
        %dma_wait3A_317 = tpu.memref_squeeze %dma_wait3A_316 : memref<1x128x64xf32, #tpu.memory_space<vmem>> -> memref<128x64xf32, #tpu.memory_space<vmem>>
        %dma_wait3A_318 = arith.constant 0 : i32
        %dma_wait3A_319 = tpu.memref_slice %arg9[%add3A_300, %dma_wait3A_318] : memref<10240x64xf32, #tpu.memory_space<vmem_shared>> -> memref<128x64xf32, #tpu.memory_space<vmem_shared>>
        %dma_wait3A_320 = arith.constant 0 : i32
        %dma_wait3A_321 = tpu.memref_slice %arg9[%add3A_300, %dma_wait3A_320] : memref<10240x64xf32, #tpu.memory_space<vmem_shared>> -> memref<128x64xf32, #tpu.memory_space<vmem_shared>>
        %dma_wait3A_322 = arith.constant 0 : i32
        %dma_wait3A_323 = arith.constant 0 : i32
        %dma_wait3A_324 = tpu.memref_slice %arg8[%run_scoped3A, %dma_wait3A_322, %dma_wait3A_323] : memref<5x128x64xf32, #tpu.memory_space<vmem>> -> memref<1x128x64xf32, #tpu.memory_space<vmem>>
        %dma_wait3A_325 = tpu.memref_squeeze %dma_wait3A_324 : memref<1x128x64xf32, #tpu.memory_space<vmem>> -> memref<128x64xf32, #tpu.memory_space<vmem>>
        tpu.wait_dma2 semaphore(%run_scoped3A_301 : memref<!tpu.dma_semaphore, #tpu.memory_space<semaphore_mem>>) src(%dma_wait3A_325 : memref<128x64xf32, #tpu.memory_space<vmem>>) dst(%dma_wait3A_321 : memref<128x64xf32, #tpu.memory_space<vmem_shared>>)
        tpu.yield
      }) : () -> ()
    }
    %scan3A_9 = arith.constant 5 : i32
    "tpu.region"() ({
      %run_scoped3A = tpu.sem_alloc : memref<!tpu.dma_semaphore, #tpu.memory_space<semaphore_mem>>
      %dma_start3A_294 = arith.constant 0 : i32
      %dma_start3A_295 = arith.constant 0 : i32
      %dma_start3A_296 = tpu.memref_slice %arg3[%arg1, %dma_start3A_294, %dma_start3A_295] : memref<16x160x128xi32, #tpu.memory_space<hbm>> -> memref<1x160x128xi32, #tpu.memory_space<hbm>>
      %dma_start3A_297 = tpu.memref_squeeze %dma_start3A_296 : memref<1x160x128xi32, #tpu.memory_space<hbm>> -> memref<160x128xi32, #tpu.memory_space<hbm>>
      %dma_start3A_298 = arith.constant 0 : i32
      %dma_start3A_299 = arith.constant 0 : i32
      %dma_start3A_300 = tpu.memref_slice %arg3[%arg1, %dma_start3A_298, %dma_start3A_299] : memref<16x160x128xi32, #tpu.memory_space<hbm>> -> memref<1x160x128xi32, #tpu.memory_space<hbm>>
      %dma_start3A_301 = tpu.memref_squeeze %dma_start3A_300 : memref<1x160x128xi32, #tpu.memory_space<hbm>> -> memref<160x128xi32, #tpu.memory_space<hbm>>
      tpu.enqueue_dma source(%dma_start3A_301 : memref<160x128xi32, #tpu.memory_space<hbm>>) target(%arg6 : memref<160x128xi32, #tpu.memory_space<vmem>>) target_semaphore(%run_scoped3A : memref<!tpu.dma_semaphore, #tpu.memory_space<semaphore_mem>>)
      %dma_wait3A_302 = arith.constant 0 : i32
      %dma_wait3A_303 = arith.constant 0 : i32
      %dma_wait3A_304 = tpu.memref_slice %arg3[%arg1, %dma_wait3A_302, %dma_wait3A_303] : memref<16x160x128xi32, #tpu.memory_space<hbm>> -> memref<1x160x128xi32, #tpu.memory_space<hbm>>
      %dma_wait3A_305 = tpu.memref_squeeze %dma_wait3A_304 : memref<1x160x128xi32, #tpu.memory_space<hbm>> -> memref<160x128xi32, #tpu.memory_space<hbm>>
      %dma_wait3A_306 = arith.constant 0 : i32
      %dma_wait3A_307 = arith.constant 0 : i32
      %dma_wait3A_308 = tpu.memref_slice %arg3[%arg1, %dma_wait3A_306, %dma_wait3A_307] : memref<16x160x128xi32, #tpu.memory_space<hbm>> -> memref<1x160x128xi32, #tpu.memory_space<hbm>>
      %dma_wait3A_309 = tpu.memref_squeeze %dma_wait3A_308 : memref<1x160x128xi32, #tpu.memory_space<hbm>> -> memref<160x128xi32, #tpu.memory_space<hbm>>
      tpu.wait_dma2 semaphore(%run_scoped3A : memref<!tpu.dma_semaphore, #tpu.memory_space<semaphore_mem>>) src(%dma_wait3A_309 : memref<160x128xi32, #tpu.memory_space<hbm>>) dst(%arg6 : memref<160x128xi32, #tpu.memory_space<vmem>>)
      tpu.yield
    }) : () -> ()
    "tpu.region"() ({
      %run_scoped3A = tpu.sem_alloc : memref<!tpu.dma_semaphore, #tpu.memory_space<semaphore_mem>>
      %dma_start3A_294 = arith.constant 0 : i32
      %dma_start3A_295 = arith.constant 0 : i32
      %dma_start3A_296 = tpu.memref_slice %arg4[%arg1, %dma_start3A_294, %dma_start3A_295] : memref<16x160x128xi32, #tpu.memory_space<hbm>> -> memref<1x160x128xi32, #tpu.memory_space<hbm>>
      %dma_start3A_297 = tpu.memref_squeeze %dma_start3A_296 : memref<1x160x128xi32, #tpu.memory_space<hbm>> -> memref<160x128xi32, #tpu.memory_space<hbm>>
      %dma_start3A_298 = arith.constant 0 : i32
      %dma_start3A_299 = arith.constant 0 : i32
      %dma_start3A_300 = tpu.memref_slice %arg4[%arg1, %dma_start3A_298, %dma_start3A_299] : memref<16x160x128xi32, #tpu.memory_space<hbm>> -> memref<1x160x128xi32, #tpu.memory_space<hbm>>
      %dma_start3A_301 = tpu.memref_squeeze %dma_start3A_300 : memref<1x160x128xi32, #tpu.memory_space<hbm>> -> memref<160x128xi32, #tpu.memory_space<hbm>>
      tpu.enqueue_dma source(%dma_start3A_301 : memref<160x128xi32, #tpu.memory_space<hbm>>) target(%arg7 : memref<160x128xi32, #tpu.memory_space<vmem>>) target_semaphore(%run_scoped3A : memref<!tpu.dma_semaphore, #tpu.memory_space<semaphore_mem>>)
      %dma_wait3A_302 = arith.constant 0 : i32
      %dma_wait3A_303 = arith.constant 0 : i32
      %dma_wait3A_304 = tpu.memref_slice %arg4[%arg1, %dma_wait3A_302, %dma_wait3A_303] : memref<16x160x128xi32, #tpu.memory_space<hbm>> -> memref<1x160x128xi32, #tpu.memory_space<hbm>>
      %dma_wait3A_305 = tpu.memref_squeeze %dma_wait3A_304 : memref<1x160x128xi32, #tpu.memory_space<hbm>> -> memref<160x128xi32, #tpu.memory_space<hbm>>
      %dma_wait3A_306 = arith.constant 0 : i32
      %dma_wait3A_307 = arith.constant 0 : i32
      %dma_wait3A_308 = tpu.memref_slice %arg4[%arg1, %dma_wait3A_306, %dma_wait3A_307] : memref<16x160x128xi32, #tpu.memory_space<hbm>> -> memref<1x160x128xi32, #tpu.memory_space<hbm>>
      %dma_wait3A_309 = tpu.memref_squeeze %dma_wait3A_308 : memref<1x160x128xi32, #tpu.memory_space<hbm>> -> memref<160x128xi32, #tpu.memory_space<hbm>>
      tpu.wait_dma2 semaphore(%run_scoped3A : memref<!tpu.dma_semaphore, #tpu.memory_space<semaphore_mem>>) src(%dma_wait3A_309 : memref<160x128xi32, #tpu.memory_space<hbm>>) dst(%arg7 : memref<160x128xi32, #tpu.memory_space<vmem>>)
      tpu.yield
    }) : () -> ()
    %barrier3A = arith.constant 0 : index
    tpu.barrier barrier_id(%barrier3A)
    %dma_start3A = arith.constant 0 : i32
    %dma_start3A_10 = arith.constant 0 : i32
    %dma_start3A_11 = arith.constant 0 : i32
    %dma_start3A_12 = arith.constant 0 : i32
    %dma_start3A_13 = tpu.memref_slice %arg8[%dma_start3A_10, %dma_start3A_11, %dma_start3A_12] : memref<5x128x64xf32, #tpu.memory_space<vmem>> -> memref<1x128x64xf32, #tpu.memory_space<vmem>>
    %dma_start3A_14 = tpu.memref_squeeze %dma_start3A_13 : memref<1x128x64xf32, #tpu.memory_space<vmem>> -> memref<128x64xf32, #tpu.memory_space<vmem>>
    %dma_start3A_15 = arith.constant 0 : i32
    %dma_start3A_16 = tpu.memref_slice %arg6[%dma_start3A, %dma_start3A_15] : memref<160x128xi32, #tpu.memory_space<vmem>> -> memref<1x128xi32, #tpu.memory_space<vmem>>
    %dma_start3A_17 = tpu.memref_squeeze %dma_start3A_16 : memref<1x128xi32, #tpu.memory_space<vmem>> -> memref<128xi32, #tpu.memory_space<vmem>>
    %dma_start3A_18 = arith.constant 0 : i32
    %dma_start3A_19 = arith.constant 0 : i32
    %dma_start3A_20 = tpu.memref_slice %arg2[%arg0, %dma_start3A_18, %dma_start3A_19] : memref<2x10240x64xf32, #tpu.memory_space<hbm>> -> memref<1x10240x64xf32, #tpu.memory_space<hbm>>
    %dma_start3A_21 = tpu.memref_squeeze %dma_start3A_20 : memref<1x10240x64xf32, #tpu.memory_space<hbm>> -> memref<10240x64xf32, #tpu.memory_space<hbm>>
    %dma_start3A_22 = arith.constant 0 : i32
    %dma_start3A_23 = arith.constant 0 : i32
    %dma_start3A_24 = tpu.memref_slice %dma_start3A_21[%dma_start3A_22, %dma_start3A_23] : memref<10240x64xf32, #tpu.memory_space<hbm>> -> memref<10240x64xf32, #tpu.memory_space<hbm>>
    tpu.enqueue_indirect_dma source(%dma_start3A_24 : memref<10240x64xf32, #tpu.memory_space<hbm>>) target(%dma_start3A_14 : memref<128x64xf32, #tpu.memory_space<vmem>>) offsets(%dma_start3A_17 : memref<128xi32, #tpu.memory_space<vmem>>) semaphore(%arg10 : memref<!tpu.dma_semaphore, #tpu.memory_space<semaphore_mem>>)
    %dma_start3A_25 = arith.constant 1 : i32
    %dma_start3A_26 = arith.constant 1 : i32
    %dma_start3A_27 = arith.constant 0 : i32
    %dma_start3A_28 = arith.constant 0 : i32
    %dma_start3A_29 = tpu.memref_slice %arg8[%dma_start3A_26, %dma_start3A_27, %dma_start3A_28] : memref<5x128x64xf32, #tpu.memory_space<vmem>> -> memref<1x128x64xf32, #tpu.memory_space<vmem>>
    %dma_start3A_30 = tpu.memref_squeeze %dma_start3A_29 : memref<1x128x64xf32, #tpu.memory_space<vmem>> -> memref<128x64xf32, #tpu.memory_space<vmem>>
    %dma_start3A_31 = arith.constant 0 : i32
    %dma_start3A_32 = tpu.memref_slice %arg6[%dma_start3A_25, %dma_start3A_31] : memref<160x128xi32, #tpu.memory_space<vmem>> -> memref<1x128xi32, #tpu.memory_space<vmem>>
    %dma_start3A_33 = tpu.memref_squeeze %dma_start3A_32 : memref<1x128xi32, #tpu.memory_space<vmem>> -> memref<128xi32, #tpu.memory_space<vmem>>
    %dma_start3A_34 = arith.constant 0 : i32
    %dma_start3A_35 = arith.constant 0 : i32
    %dma_start3A_36 = tpu.memref_slice %arg2[%arg0, %dma_start3A_34, %dma_start3A_35] : memref<2x10240x64xf32, #tpu.memory_space<hbm>> -> memref<1x10240x64xf32, #tpu.memory_space<hbm>>
    %dma_start3A_37 = tpu.memref_squeeze %dma_start3A_36 : memref<1x10240x64xf32, #tpu.memory_space<hbm>> -> memref<10240x64xf32, #tpu.memory_space<hbm>>
    %dma_start3A_38 = arith.constant 0 : i32
    %dma_start3A_39 = arith.constant 0 : i32
    %dma_start3A_40 = tpu.memref_slice %dma_start3A_37[%dma_start3A_38, %dma_start3A_39] : memref<10240x64xf32, #tpu.memory_space<hbm>> -> memref<10240x64xf32, #tpu.memory_space<hbm>>
    tpu.enqueue_indirect_dma source(%dma_start3A_40 : memref<10240x64xf32, #tpu.memory_space<hbm>>) target(%dma_start3A_30 : memref<128x64xf32, #tpu.memory_space<vmem>>) offsets(%dma_start3A_33 : memref<128xi32, #tpu.memory_space<vmem>>) semaphore(%arg11 : memref<!tpu.dma_semaphore, #tpu.memory_space<semaphore_mem>>)
    %dma_start3A_41 = arith.constant 2 : i32
    %dma_start3A_42 = arith.constant 2 : i32
    %dma_start3A_43 = arith.constant 0 : i32
    %dma_start3A_44 = arith.constant 0 : i32
    %dma_start3A_45 = tpu.memref_slice %arg8[%dma_start3A_42, %dma_start3A_43, %dma_start3A_44] : memref<5x128x64xf32, #tpu.memory_space<vmem>> -> memref<1x128x64xf32, #tpu.memory_space<vmem>>
    %dma_start3A_46 = tpu.memref_squeeze %dma_start3A_45 : memref<1x128x64xf32, #tpu.memory_space<vmem>> -> memref<128x64xf32, #tpu.memory_space<vmem>>
    %dma_start3A_47 = arith.constant 0 : i32
    %dma_start3A_48 = tpu.memref_slice %arg6[%dma_start3A_41, %dma_start3A_47] : memref<160x128xi32, #tpu.memory_space<vmem>> -> memref<1x128xi32, #tpu.memory_space<vmem>>
    %dma_start3A_49 = tpu.memref_squeeze %dma_start3A_48 : memref<1x128xi32, #tpu.memory_space<vmem>> -> memref<128xi32, #tpu.memory_space<vmem>>
    %dma_start3A_50 = arith.constant 0 : i32
    %dma_start3A_51 = arith.constant 0 : i32
    %dma_start3A_52 = tpu.memref_slice %arg2[%arg0, %dma_start3A_50, %dma_start3A_51] : memref<2x10240x64xf32, #tpu.memory_space<hbm>> -> memref<1x10240x64xf32, #tpu.memory_space<hbm>>
    %dma_start3A_53 = tpu.memref_squeeze %dma_start3A_52 : memref<1x10240x64xf32, #tpu.memory_space<hbm>> -> memref<10240x64xf32, #tpu.memory_space<hbm>>
    %dma_start3A_54 = arith.constant 0 : i32
    %dma_start3A_55 = arith.constant 0 : i32
    %dma_start3A_56 = tpu.memref_slice %dma_start3A_53[%dma_start3A_54, %dma_start3A_55] : memref<10240x64xf32, #tpu.memory_space<hbm>> -> memref<10240x64xf32, #tpu.memory_space<hbm>>
    tpu.enqueue_indirect_dma source(%dma_start3A_56 : memref<10240x64xf32, #tpu.memory_space<hbm>>) target(%dma_start3A_46 : memref<128x64xf32, #tpu.memory_space<vmem>>) offsets(%dma_start3A_49 : memref<128xi32, #tpu.memory_space<vmem>>) semaphore(%arg12 : memref<!tpu.dma_semaphore, #tpu.memory_space<semaphore_mem>>)
    %dma_start3A_57 = arith.constant 3 : i32
    %dma_start3A_58 = arith.constant 3 : i32
    %dma_start3A_59 = arith.constant 0 : i32
    %dma_start3A_60 = arith.constant 0 : i32
    %dma_start3A_61 = tpu.memref_slice %arg8[%dma_start3A_58, %dma_start3A_59, %dma_start3A_60] : memref<5x128x64xf32, #tpu.memory_space<vmem>> -> memref<1x128x64xf32, #tpu.memory_space<vmem>>
    %dma_start3A_62 = tpu.memref_squeeze %dma_start3A_61 : memref<1x128x64xf32, #tpu.memory_space<vmem>> -> memref<128x64xf32, #tpu.memory_space<vmem>>
    %dma_start3A_63 = arith.constant 0 : i32
    %dma_start3A_64 = tpu.memref_slice %arg6[%dma_start3A_57, %dma_start3A_63] : memref<160x128xi32, #tpu.memory_space<vmem>> -> memref<1x128xi32, #tpu.memory_space<vmem>>
    %dma_start3A_65 = tpu.memref_squeeze %dma_start3A_64 : memref<1x128xi32, #tpu.memory_space<vmem>> -> memref<128xi32, #tpu.memory_space<vmem>>
    %dma_start3A_66 = arith.constant 0 : i32
    %dma_start3A_67 = arith.constant 0 : i32
    %dma_start3A_68 = tpu.memref_slice %arg2[%arg0, %dma_start3A_66, %dma_start3A_67] : memref<2x10240x64xf32, #tpu.memory_space<hbm>> -> memref<1x10240x64xf32, #tpu.memory_space<hbm>>
    %dma_start3A_69 = tpu.memref_squeeze %dma_start3A_68 : memref<1x10240x64xf32, #tpu.memory_space<hbm>> -> memref<10240x64xf32, #tpu.memory_space<hbm>>
    %dma_start3A_70 = arith.constant 0 : i32
    %dma_start3A_71 = arith.constant 0 : i32
    %dma_start3A_72 = tpu.memref_slice %dma_start3A_69[%dma_start3A_70, %dma_start3A_71] : memref<10240x64xf32, #tpu.memory_space<hbm>> -> memref<10240x64xf32, #tpu.memory_space<hbm>>
    tpu.enqueue_indirect_dma source(%dma_start3A_72 : memref<10240x64xf32, #tpu.memory_space<hbm>>) target(%dma_start3A_62 : memref<128x64xf32, #tpu.memory_space<vmem>>) offsets(%dma_start3A_65 : memref<128xi32, #tpu.memory_space<vmem>>) semaphore(%arg13 : memref<!tpu.dma_semaphore, #tpu.memory_space<semaphore_mem>>)
    %dma_wait3A = arith.constant 0 : i32
    %dma_wait3A_73 = arith.constant 0 : i32
    %dma_wait3A_74 = arith.constant 0 : i32
    %dma_wait3A_75 = arith.constant 0 : i32
    %dma_wait3A_76 = tpu.memref_slice %arg8[%dma_wait3A_73, %dma_wait3A_74, %dma_wait3A_75] : memref<5x128x64xf32, #tpu.memory_space<vmem>> -> memref<1x128x64xf32, #tpu.memory_space<vmem>>
    %dma_wait3A_77 = tpu.memref_squeeze %dma_wait3A_76 : memref<1x128x64xf32, #tpu.memory_space<vmem>> -> memref<128x64xf32, #tpu.memory_space<vmem>>
    %dma_wait3A_78 = arith.constant 0 : i32
    %dma_wait3A_79 = tpu.memref_slice %arg6[%dma_wait3A, %dma_wait3A_78] : memref<160x128xi32, #tpu.memory_space<vmem>> -> memref<1x128xi32, #tpu.memory_space<vmem>>
    %dma_wait3A_80 = tpu.memref_squeeze %dma_wait3A_79 : memref<1x128xi32, #tpu.memory_space<vmem>> -> memref<128xi32, #tpu.memory_space<vmem>>
    %dma_wait3A_81 = arith.constant 0 : i32
    %dma_wait3A_82 = arith.constant 0 : i32
    %dma_wait3A_83 = tpu.memref_slice %arg2[%arg0, %dma_wait3A_81, %dma_wait3A_82] : memref<2x10240x64xf32, #tpu.memory_space<hbm>> -> memref<1x10240x64xf32, #tpu.memory_space<hbm>>
    %dma_wait3A_84 = tpu.memref_squeeze %dma_wait3A_83 : memref<1x10240x64xf32, #tpu.memory_space<hbm>> -> memref<10240x64xf32, #tpu.memory_space<hbm>>
    %dma_wait3A_85 = arith.constant 0 : i32
    %dma_wait3A_86 = arith.constant 0 : i32
    %dma_wait3A_87 = tpu.memref_slice %dma_wait3A_84[%dma_wait3A_85, %dma_wait3A_86] : memref<10240x64xf32, #tpu.memory_space<hbm>> -> memref<10240x64xf32, #tpu.memory_space<hbm>>
    tpu.wait_indirect_dma semaphore(%arg10 : memref<!tpu.dma_semaphore, #tpu.memory_space<semaphore_mem>>) src(%dma_wait3A_87 : memref<10240x64xf32, #tpu.memory_space<hbm>>) dst(%dma_wait3A_77 : memref<128x64xf32, #tpu.memory_space<vmem>>)
    %dma_start3A_88 = arith.constant 0 : i32
    %dma_start3A_89 = arith.constant 0 : i32
    %dma_start3A_90 = arith.constant 0 : i32
    %dma_start3A_91 = arith.constant 0 : i32
    %dma_start3A_92 = tpu.memref_slice %arg8[%dma_start3A_88, %dma_start3A_90, %dma_start3A_91] : memref<5x128x64xf32, #tpu.memory_space<vmem>> -> memref<1x128x64xf32, #tpu.memory_space<vmem>>
    %dma_start3A_93 = tpu.memref_squeeze %dma_start3A_92 : memref<1x128x64xf32, #tpu.memory_space<vmem>> -> memref<128x64xf32, #tpu.memory_space<vmem>>
    %dma_start3A_94 = arith.constant 0 : i32
    %dma_start3A_95 = tpu.memref_slice %arg7[%dma_start3A_89, %dma_start3A_94] : memref<160x128xi32, #tpu.memory_space<vmem>> -> memref<1x128xi32, #tpu.memory_space<vmem>>
    %dma_start3A_96 = tpu.memref_squeeze %dma_start3A_95 : memref<1x128xi32, #tpu.memory_space<vmem>> -> memref<128xi32, #tpu.memory_space<vmem>>
    %dma_start3A_97 = arith.constant 0 : i32
    %dma_start3A_98 = arith.constant 0 : i32
    %dma_start3A_99 = tpu.memref_slice %arg9[%dma_start3A_97, %dma_start3A_98] : memref<10240x64xf32, #tpu.memory_space<vmem_shared>> -> memref<10240x64xf32, #tpu.memory_space<vmem_shared>>
    tpu.enqueue_indirect_dma source(%dma_start3A_93 : memref<128x64xf32, #tpu.memory_space<vmem>>) target(%dma_start3A_99 : memref<10240x64xf32, #tpu.memory_space<vmem_shared>>) offsets(%dma_start3A_96 : memref<128xi32, #tpu.memory_space<vmem>>) semaphore(%arg15 : memref<!tpu.dma_semaphore, #tpu.memory_space<semaphore_mem>>) {add = true}
    %dma_start3A_100 = arith.constant 4 : i32
    %dma_start3A_101 = arith.constant 4 : i32
    %dma_start3A_102 = arith.constant 0 : i32
    %dma_start3A_103 = arith.constant 0 : i32
    %dma_start3A_104 = tpu.memref_slice %arg8[%dma_start3A_101, %dma_start3A_102, %dma_start3A_103] : memref<5x128x64xf32, #tpu.memory_space<vmem>> -> memref<1x128x64xf32, #tpu.memory_space<vmem>>
    %dma_start3A_105 = tpu.memref_squeeze %dma_start3A_104 : memref<1x128x64xf32, #tpu.memory_space<vmem>> -> memref<128x64xf32, #tpu.memory_space<vmem>>
    %dma_start3A_106 = arith.constant 0 : i32
    %dma_start3A_107 = tpu.memref_slice %arg6[%dma_start3A_100, %dma_start3A_106] : memref<160x128xi32, #tpu.memory_space<vmem>> -> memref<1x128xi32, #tpu.memory_space<vmem>>
    %dma_start3A_108 = tpu.memref_squeeze %dma_start3A_107 : memref<1x128xi32, #tpu.memory_space<vmem>> -> memref<128xi32, #tpu.memory_space<vmem>>
    %dma_start3A_109 = arith.constant 0 : i32
    %dma_start3A_110 = arith.constant 0 : i32
    %dma_start3A_111 = tpu.memref_slice %arg2[%arg0, %dma_start3A_109, %dma_start3A_110] : memref<2x10240x64xf32, #tpu.memory_space<hbm>> -> memref<1x10240x64xf32, #tpu.memory_space<hbm>>
    %dma_start3A_112 = tpu.memref_squeeze %dma_start3A_111 : memref<1x10240x64xf32, #tpu.memory_space<hbm>> -> memref<10240x64xf32, #tpu.memory_space<hbm>>
    %dma_start3A_113 = arith.constant 0 : i32
    %dma_start3A_114 = arith.constant 0 : i32
    %dma_start3A_115 = tpu.memref_slice %dma_start3A_112[%dma_start3A_113, %dma_start3A_114] : memref<10240x64xf32, #tpu.memory_space<hbm>> -> memref<10240x64xf32, #tpu.memory_space<hbm>>
    tpu.enqueue_indirect_dma source(%dma_start3A_115 : memref<10240x64xf32, #tpu.memory_space<hbm>>) target(%dma_start3A_105 : memref<128x64xf32, #tpu.memory_space<vmem>>) offsets(%dma_start3A_108 : memref<128xi32, #tpu.memory_space<vmem>>) semaphore(%arg14 : memref<!tpu.dma_semaphore, #tpu.memory_space<semaphore_mem>>)
    %dma_wait3A_116 = arith.constant 1 : i32
    %dma_wait3A_117 = arith.constant 1 : i32
    %dma_wait3A_118 = arith.constant 0 : i32
    %dma_wait3A_119 = arith.constant 0 : i32
    %dma_wait3A_120 = tpu.memref_slice %arg8[%dma_wait3A_117, %dma_wait3A_118, %dma_wait3A_119] : memref<5x128x64xf32, #tpu.memory_space<vmem>> -> memref<1x128x64xf32, #tpu.memory_space<vmem>>
    %dma_wait3A_121 = tpu.memref_squeeze %dma_wait3A_120 : memref<1x128x64xf32, #tpu.memory_space<vmem>> -> memref<128x64xf32, #tpu.memory_space<vmem>>
    %dma_wait3A_122 = arith.constant 0 : i32
    %dma_wait3A_123 = tpu.memref_slice %arg6[%dma_wait3A_116, %dma_wait3A_122] : memref<160x128xi32, #tpu.memory_space<vmem>> -> memref<1x128xi32, #tpu.memory_space<vmem>>
    %dma_wait3A_124 = tpu.memref_squeeze %dma_wait3A_123 : memref<1x128xi32, #tpu.memory_space<vmem>> -> memref<128xi32, #tpu.memory_space<vmem>>
    %dma_wait3A_125 = arith.constant 0 : i32
    %dma_wait3A_126 = arith.constant 0 : i32
    %dma_wait3A_127 = tpu.memref_slice %arg2[%arg0, %dma_wait3A_125, %dma_wait3A_126] : memref<2x10240x64xf32, #tpu.memory_space<hbm>> -> memref<1x10240x64xf32, #tpu.memory_space<hbm>>
    %dma_wait3A_128 = tpu.memref_squeeze %dma_wait3A_127 : memref<1x10240x64xf32, #tpu.memory_space<hbm>> -> memref<10240x64xf32, #tpu.memory_space<hbm>>
    %dma_wait3A_129 = arith.constant 0 : i32
    %dma_wait3A_130 = arith.constant 0 : i32
    %dma_wait3A_131 = tpu.memref_slice %dma_wait3A_128[%dma_wait3A_129, %dma_wait3A_130] : memref<10240x64xf32, #tpu.memory_space<hbm>> -> memref<10240x64xf32, #tpu.memory_space<hbm>>
    tpu.wait_indirect_dma semaphore(%arg11 : memref<!tpu.dma_semaphore, #tpu.memory_space<semaphore_mem>>) src(%dma_wait3A_131 : memref<10240x64xf32, #tpu.memory_space<hbm>>) dst(%dma_wait3A_121 : memref<128x64xf32, #tpu.memory_space<vmem>>)
    %dma_start3A_132 = arith.constant 1 : i32
    %dma_start3A_133 = arith.constant 1 : i32
    %dma_start3A_134 = arith.constant 0 : i32
    %dma_start3A_135 = arith.constant 0 : i32
    %dma_start3A_136 = tpu.memref_slice %arg8[%dma_start3A_132, %dma_start3A_134, %dma_start3A_135] : memref<5x128x64xf32, #tpu.memory_space<vmem>> -> memref<1x128x64xf32, #tpu.memory_space<vmem>>
    %dma_start3A_137 = tpu.memref_squeeze %dma_start3A_136 : memref<1x128x64xf32, #tpu.memory_space<vmem>> -> memref<128x64xf32, #tpu.memory_space<vmem>>
    %dma_start3A_138 = arith.constant 0 : i32
    %dma_start3A_139 = tpu.memref_slice %arg7[%dma_start3A_133, %dma_start3A_138] : memref<160x128xi32, #tpu.memory_space<vmem>> -> memref<1x128xi32, #tpu.memory_space<vmem>>
    %dma_start3A_140 = tpu.memref_squeeze %dma_start3A_139 : memref<1x128xi32, #tpu.memory_space<vmem>> -> memref<128xi32, #tpu.memory_space<vmem>>
    %dma_start3A_141 = arith.constant 0 : i32
    %dma_start3A_142 = arith.constant 0 : i32
    %dma_start3A_143 = tpu.memref_slice %arg9[%dma_start3A_141, %dma_start3A_142] : memref<10240x64xf32, #tpu.memory_space<vmem_shared>> -> memref<10240x64xf32, #tpu.memory_space<vmem_shared>>
    tpu.enqueue_indirect_dma source(%dma_start3A_137 : memref<128x64xf32, #tpu.memory_space<vmem>>) target(%dma_start3A_143 : memref<10240x64xf32, #tpu.memory_space<vmem_shared>>) offsets(%dma_start3A_140 : memref<128xi32, #tpu.memory_space<vmem>>) semaphore(%arg16 : memref<!tpu.dma_semaphore, #tpu.memory_space<semaphore_mem>>) {add = true}
    %scan3A_144 = arith.constant 0 : i32
    %scan3A_145 = arith.constant 31 : i32
    %scan3A_146 = arith.addi %scan3A_144, %scan3A_145 : i32
    %scan3A_147 = arith.constant 1 : i32
    scf.for %scan3A_294 = %scan3A_144 to %scan3A_146 step %scan3A_147  : i32 {
      %mul3A_295 = arith.constant 1 : i32
      %mul3A_296 = arith.muli %scan3A_294, %mul3A_295 : i32
      %add3A = arith.constant 0 : i32
      %add3A_297 = arith.addi %add3A, %mul3A_296 : i32
      %mul3A_298 = arith.constant 5 : i32
      %mul3A_299 = arith.muli %add3A_297, %mul3A_298 : i32
      %add3A_300 = arith.constant 2 : i32
      %add3A_301 = arith.addi %add3A_300, %mul3A_299 : i32
      %add3A_302 = arith.constant 0 : i32
      %add3A_303 = arith.addi %add3A_301, %add3A_302 : i32
      %sub3A = arith.constant 2 : i32
      %sub3A_304 = arith.subi %add3A_303, %sub3A : i32
      %dma_wait3A_305 = arith.constant 0 : i32
      %dma_wait3A_306 = arith.constant 0 : i32
      %dma_wait3A_307 = arith.constant 0 : i32
      %dma_wait3A_308 = tpu.memref_slice %arg8[%dma_wait3A_305, %dma_wait3A_306, %dma_wait3A_307] : memref<5x128x64xf32, #tpu.memory_space<vmem>> -> memref<1x128x64xf32, #tpu.memory_space<vmem>>
      %dma_wait3A_309 = tpu.memref_squeeze %dma_wait3A_308 : memref<1x128x64xf32, #tpu.memory_space<vmem>> -> memref<128x64xf32, #tpu.memory_space<vmem>>
      %dma_wait3A_310 = arith.constant 0 : i32
      %dma_wait3A_311 = tpu.memref_slice %arg7[%sub3A_304, %dma_wait3A_310] : memref<160x128xi32, #tpu.memory_space<vmem>> -> memref<1x128xi32, #tpu.memory_space<vmem>>
      %dma_wait3A_312 = tpu.memref_squeeze %dma_wait3A_311 : memref<1x128xi32, #tpu.memory_space<vmem>> -> memref<128xi32, #tpu.memory_space<vmem>>
      %dma_wait3A_313 = arith.constant 0 : i32
      %dma_wait3A_314 = arith.constant 0 : i32
      %dma_wait3A_315 = tpu.memref_slice %arg9[%dma_wait3A_313, %dma_wait3A_314] : memref<10240x64xf32, #tpu.memory_space<vmem_shared>> -> memref<10240x64xf32, #tpu.memory_space<vmem_shared>>
      tpu.wait_indirect_dma semaphore(%arg15 : memref<!tpu.dma_semaphore, #tpu.memory_space<semaphore_mem>>) src(%dma_wait3A_309 : memref<128x64xf32, #tpu.memory_space<vmem>>) dst(%dma_wait3A_315 : memref<10240x64xf32, #tpu.memory_space<vmem_shared>>)
      %add3A_316 = arith.constant 3 : i32
      %add3A_317 = arith.addi %add3A_303, %add3A_316 : i32
      %dma_start3A_318 = arith.constant 0 : i32
      %dma_start3A_319 = arith.constant 0 : i32
      %dma_start3A_320 = arith.constant 0 : i32
      %dma_start3A_321 = tpu.memref_slice %arg8[%dma_start3A_318, %dma_start3A_319, %dma_start3A_320] : memref<5x128x64xf32, #tpu.memory_space<vmem>> -> memref<1x128x64xf32, #tpu.memory_space<vmem>>
      %dma_start3A_322 = tpu.memref_squeeze %dma_start3A_321 : memref<1x128x64xf32, #tpu.memory_space<vmem>> -> memref<128x64xf32, #tpu.memory_space<vmem>>
      %dma_start3A_323 = arith.constant 0 : i32
      %dma_start3A_324 = tpu.memref_slice %arg6[%add3A_317, %dma_start3A_323] : memref<160x128xi32, #tpu.memory_space<vmem>> -> memref<1x128xi32, #tpu.memory_space<vmem>>
      %dma_start3A_325 = tpu.memref_squeeze %dma_start3A_324 : memref<1x128xi32, #tpu.memory_space<vmem>> -> memref<128xi32, #tpu.memory_space<vmem>>
      %dma_start3A_326 = arith.constant 0 : i32
      %dma_start3A_327 = arith.constant 0 : i32
      %dma_start3A_328 = tpu.memref_slice %arg2[%arg0, %dma_start3A_326, %dma_start3A_327] : memref<2x10240x64xf32, #tpu.memory_space<hbm>> -> memref<1x10240x64xf32, #tpu.memory_space<hbm>>
      %dma_start3A_329 = tpu.memref_squeeze %dma_start3A_328 : memref<1x10240x64xf32, #tpu.memory_space<hbm>> -> memref<10240x64xf32, #tpu.memory_space<hbm>>
      %dma_start3A_330 = arith.constant 0 : i32
      %dma_start3A_331 = arith.constant 0 : i32
      %dma_start3A_332 = tpu.memref_slice %dma_start3A_329[%dma_start3A_330, %dma_start3A_331] : memref<10240x64xf32, #tpu.memory_space<hbm>> -> memref<10240x64xf32, #tpu.memory_space<hbm>>
      tpu.enqueue_indirect_dma source(%dma_start3A_332 : memref<10240x64xf32, #tpu.memory_space<hbm>>) target(%dma_start3A_322 : memref<128x64xf32, #tpu.memory_space<vmem>>) offsets(%dma_start3A_325 : memref<128xi32, #tpu.memory_space<vmem>>) semaphore(%arg10 : memref<!tpu.dma_semaphore, #tpu.memory_space<semaphore_mem>>)
      %dma_wait3A_333 = arith.constant 2 : i32
      %dma_wait3A_334 = arith.constant 0 : i32
      %dma_wait3A_335 = arith.constant 0 : i32
      %dma_wait3A_336 = tpu.memref_slice %arg8[%dma_wait3A_333, %dma_wait3A_334, %dma_wait3A_335] : memref<5x128x64xf32, #tpu.memory_space<vmem>> -> memref<1x128x64xf32, #tpu.memory_space<vmem>>
      %dma_wait3A_337 = tpu.memref_squeeze %dma_wait3A_336 : memref<1x128x64xf32, #tpu.memory_space<vmem>> -> memref<128x64xf32, #tpu.memory_space<vmem>>
      %dma_wait3A_338 = arith.constant 0 : i32
      %dma_wait3A_339 = tpu.memref_slice %arg6[%add3A_303, %dma_wait3A_338] : memref<160x128xi32, #tpu.memory_space<vmem>> -> memref<1x128xi32, #tpu.memory_space<vmem>>
      %dma_wait3A_340 = tpu.memref_squeeze %dma_wait3A_339 : memref<1x128xi32, #tpu.memory_space<vmem>> -> memref<128xi32, #tpu.memory_space<vmem>>
      %dma_wait3A_341 = arith.constant 0 : i32
      %dma_wait3A_342 = arith.constant 0 : i32
      %dma_wait3A_343 = tpu.memref_slice %arg2[%arg0, %dma_wait3A_341, %dma_wait3A_342] : memref<2x10240x64xf32, #tpu.memory_space<hbm>> -> memref<1x10240x64xf32, #tpu.memory_space<hbm>>
      %dma_wait3A_344 = tpu.memref_squeeze %dma_wait3A_343 : memref<1x10240x64xf32, #tpu.memory_space<hbm>> -> memref<10240x64xf32, #tpu.memory_space<hbm>>
      %dma_wait3A_345 = arith.constant 0 : i32
      %dma_wait3A_346 = arith.constant 0 : i32
      %dma_wait3A_347 = tpu.memref_slice %dma_wait3A_344[%dma_wait3A_345, %dma_wait3A_346] : memref<10240x64xf32, #tpu.memory_space<hbm>> -> memref<10240x64xf32, #tpu.memory_space<hbm>>
      tpu.wait_indirect_dma semaphore(%arg12 : memref<!tpu.dma_semaphore, #tpu.memory_space<semaphore_mem>>) src(%dma_wait3A_347 : memref<10240x64xf32, #tpu.memory_space<hbm>>) dst(%dma_wait3A_337 : memref<128x64xf32, #tpu.memory_space<vmem>>)
      %dma_start3A_348 = arith.constant 2 : i32
      %dma_start3A_349 = arith.constant 0 : i32
      %dma_start3A_350 = arith.constant 0 : i32
      %dma_start3A_351 = tpu.memref_slice %arg8[%dma_start3A_348, %dma_start3A_349, %dma_start3A_350] : memref<5x128x64xf32, #tpu.memory_space<vmem>> -> memref<1x128x64xf32, #tpu.memory_space<vmem>>
      %dma_start3A_352 = tpu.memref_squeeze %dma_start3A_351 : memref<1x128x64xf32, #tpu.memory_space<vmem>> -> memref<128x64xf32, #tpu.memory_space<vmem>>
      %dma_start3A_353 = arith.constant 0 : i32
      %dma_start3A_354 = tpu.memref_slice %arg7[%add3A_303, %dma_start3A_353] : memref<160x128xi32, #tpu.memory_space<vmem>> -> memref<1x128xi32, #tpu.memory_space<vmem>>
      %dma_start3A_355 = tpu.memref_squeeze %dma_start3A_354 : memref<1x128xi32, #tpu.memory_space<vmem>> -> memref<128xi32, #tpu.memory_space<vmem>>
      %dma_start3A_356 = arith.constant 0 : i32
      %dma_start3A_357 = arith.constant 0 : i32
      %dma_start3A_358 = tpu.memref_slice %arg9[%dma_start3A_356, %dma_start3A_357] : memref<10240x64xf32, #tpu.memory_space<vmem_shared>> -> memref<10240x64xf32, #tpu.memory_space<vmem_shared>>
      tpu.enqueue_indirect_dma source(%dma_start3A_352 : memref<128x64xf32, #tpu.memory_space<vmem>>) target(%dma_start3A_358 : memref<10240x64xf32, #tpu.memory_space<vmem_shared>>) offsets(%dma_start3A_355 : memref<128xi32, #tpu.memory_space<vmem>>) semaphore(%arg17 : memref<!tpu.dma_semaphore, #tpu.memory_space<semaphore_mem>>) {add = true}
      %mul3A_359 = arith.constant 5 : i32
      %mul3A_360 = arith.muli %add3A_297, %mul3A_359 : i32
      %add3A_361 = arith.constant 2 : i32
      %add3A_362 = arith.addi %add3A_361, %mul3A_360 : i32
      %add3A_363 = arith.constant 1 : i32
      %add3A_364 = arith.addi %add3A_362, %add3A_363 : i32
      %sub3A_365 = arith.constant 2 : i32
      %sub3A_366 = arith.subi %add3A_364, %sub3A_365 : i32
      %dma_wait3A_367 = arith.constant 1 : i32
      %dma_wait3A_368 = arith.constant 0 : i32
      %dma_wait3A_369 = arith.constant 0 : i32
      %dma_wait3A_370 = tpu.memref_slice %arg8[%dma_wait3A_367, %dma_wait3A_368, %dma_wait3A_369] : memref<5x128x64xf32, #tpu.memory_space<vmem>> -> memref<1x128x64xf32, #tpu.memory_space<vmem>>
      %dma_wait3A_371 = tpu.memref_squeeze %dma_wait3A_370 : memref<1x128x64xf32, #tpu.memory_space<vmem>> -> memref<128x64xf32, #tpu.memory_space<vmem>>
      %dma_wait3A_372 = arith.constant 0 : i32
      %dma_wait3A_373 = tpu.memref_slice %arg7[%sub3A_366, %dma_wait3A_372] : memref<160x128xi32, #tpu.memory_space<vmem>> -> memref<1x128xi32, #tpu.memory_space<vmem>>
      %dma_wait3A_374 = tpu.memref_squeeze %dma_wait3A_373 : memref<1x128xi32, #tpu.memory_space<vmem>> -> memref<128xi32, #tpu.memory_space<vmem>>
      %dma_wait3A_375 = arith.constant 0 : i32
      %dma_wait3A_376 = arith.constant 0 : i32
      %dma_wait3A_377 = tpu.memref_slice %arg9[%dma_wait3A_375, %dma_wait3A_376] : memref<10240x64xf32, #tpu.memory_space<vmem_shared>> -> memref<10240x64xf32, #tpu.memory_space<vmem_shared>>
      tpu.wait_indirect_dma semaphore(%arg16 : memref<!tpu.dma_semaphore, #tpu.memory_space<semaphore_mem>>) src(%dma_wait3A_371 : memref<128x64xf32, #tpu.memory_space<vmem>>) dst(%dma_wait3A_377 : memref<10240x64xf32, #tpu.memory_space<vmem_shared>>)
      %add3A_378 = arith.constant 3 : i32
      %add3A_379 = arith.addi %add3A_364, %add3A_378 : i32
      %dma_start3A_380 = arith.constant 1 : i32
      %dma_start3A_381 = arith.constant 0 : i32
      %dma_start3A_382 = arith.constant 0 : i32
      %dma_start3A_383 = tpu.memref_slice %arg8[%dma_start3A_380, %dma_start3A_381, %dma_start3A_382] : memref<5x128x64xf32, #tpu.memory_space<vmem>> -> memref<1x128x64xf32, #tpu.memory_space<vmem>>
      %dma_start3A_384 = tpu.memref_squeeze %dma_start3A_383 : memref<1x128x64xf32, #tpu.memory_space<vmem>> -> memref<128x64xf32, #tpu.memory_space<vmem>>
      %dma_start3A_385 = arith.constant 0 : i32
      %dma_start3A_386 = tpu.memref_slice %arg6[%add3A_379, %dma_start3A_385] : memref<160x128xi32, #tpu.memory_space<vmem>> -> memref<1x128xi32, #tpu.memory_space<vmem>>
      %dma_start3A_387 = tpu.memref_squeeze %dma_start3A_386 : memref<1x128xi32, #tpu.memory_space<vmem>> -> memref<128xi32, #tpu.memory_space<vmem>>
      %dma_start3A_388 = arith.constant 0 : i32
      %dma_start3A_389 = arith.constant 0 : i32
      %dma_start3A_390 = tpu.memref_slice %arg2[%arg0, %dma_start3A_388, %dma_start3A_389] : memref<2x10240x64xf32, #tpu.memory_space<hbm>> -> memref<1x10240x64xf32, #tpu.memory_space<hbm>>
      %dma_start3A_391 = tpu.memref_squeeze %dma_start3A_390 : memref<1x10240x64xf32, #tpu.memory_space<hbm>> -> memref<10240x64xf32, #tpu.memory_space<hbm>>
      %dma_start3A_392 = arith.constant 0 : i32
      %dma_start3A_393 = arith.constant 0 : i32
      %dma_start3A_394 = tpu.memref_slice %dma_start3A_391[%dma_start3A_392, %dma_start3A_393] : memref<10240x64xf32, #tpu.memory_space<hbm>> -> memref<10240x64xf32, #tpu.memory_space<hbm>>
      tpu.enqueue_indirect_dma source(%dma_start3A_394 : memref<10240x64xf32, #tpu.memory_space<hbm>>) target(%dma_start3A_384 : memref<128x64xf32, #tpu.memory_space<vmem>>) offsets(%dma_start3A_387 : memref<128xi32, #tpu.memory_space<vmem>>) semaphore(%arg11 : memref<!tpu.dma_semaphore, #tpu.memory_space<semaphore_mem>>)
      %dma_wait3A_395 = arith.constant 3 : i32
      %dma_wait3A_396 = arith.constant 0 : i32
      %dma_wait3A_397 = arith.constant 0 : i32
      %dma_wait3A_398 = tpu.memref_slice %arg8[%dma_wait3A_395, %dma_wait3A_396, %dma_wait3A_397] : memref<5x128x64xf32, #tpu.memory_space<vmem>> -> memref<1x128x64xf32, #tpu.memory_space<vmem>>
      %dma_wait3A_399 = tpu.memref_squeeze %dma_wait3A_398 : memref<1x128x64xf32, #tpu.memory_space<vmem>> -> memref<128x64xf32, #tpu.memory_space<vmem>>
      %dma_wait3A_400 = arith.constant 0 : i32
      %dma_wait3A_401 = tpu.memref_slice %arg6[%add3A_364, %dma_wait3A_400] : memref<160x128xi32, #tpu.memory_space<vmem>> -> memref<1x128xi32, #tpu.memory_space<vmem>>
      %dma_wait3A_402 = tpu.memref_squeeze %dma_wait3A_401 : memref<1x128xi32, #tpu.memory_space<vmem>> -> memref<128xi32, #tpu.memory_space<vmem>>
      %dma_wait3A_403 = arith.constant 0 : i32
      %dma_wait3A_404 = arith.constant 0 : i32
      %dma_wait3A_405 = tpu.memref_slice %arg2[%arg0, %dma_wait3A_403, %dma_wait3A_404] : memref<2x10240x64xf32, #tpu.memory_space<hbm>> -> memref<1x10240x64xf32, #tpu.memory_space<hbm>>
      %dma_wait3A_406 = tpu.memref_squeeze %dma_wait3A_405 : memref<1x10240x64xf32, #tpu.memory_space<hbm>> -> memref<10240x64xf32, #tpu.memory_space<hbm>>
      %dma_wait3A_407 = arith.constant 0 : i32
      %dma_wait3A_408 = arith.constant 0 : i32
      %dma_wait3A_409 = tpu.memref_slice %dma_wait3A_406[%dma_wait3A_407, %dma_wait3A_408] : memref<10240x64xf32, #tpu.memory_space<hbm>> -> memref<10240x64xf32, #tpu.memory_space<hbm>>
      tpu.wait_indirect_dma semaphore(%arg13 : memref<!tpu.dma_semaphore, #tpu.memory_space<semaphore_mem>>) src(%dma_wait3A_409 : memref<10240x64xf32, #tpu.memory_space<hbm>>) dst(%dma_wait3A_399 : memref<128x64xf32, #tpu.memory_space<vmem>>)
      %dma_start3A_410 = arith.constant 3 : i32
      %dma_start3A_411 = arith.constant 0 : i32
      %dma_start3A_412 = arith.constant 0 : i32
      %dma_start3A_413 = tpu.memref_slice %arg8[%dma_start3A_410, %dma_start3A_411, %dma_start3A_412] : memref<5x128x64xf32, #tpu.memory_space<vmem>> -> memref<1x128x64xf32, #tpu.memory_space<vmem>>
      %dma_start3A_414 = tpu.memref_squeeze %dma_start3A_413 : memref<1x128x64xf32, #tpu.memory_space<vmem>> -> memref<128x64xf32, #tpu.memory_space<vmem>>
      %dma_start3A_415 = arith.constant 0 : i32
      %dma_start3A_416 = tpu.memref_slice %arg7[%add3A_364, %dma_start3A_415] : memref<160x128xi32, #tpu.memory_space<vmem>> -> memref<1x128xi32, #tpu.memory_space<vmem>>
      %dma_start3A_417 = tpu.memref_squeeze %dma_start3A_416 : memref<1x128xi32, #tpu.memory_space<vmem>> -> memref<128xi32, #tpu.memory_space<vmem>>
      %dma_start3A_418 = arith.constant 0 : i32
      %dma_start3A_419 = arith.constant 0 : i32
      %dma_start3A_420 = tpu.memref_slice %arg9[%dma_start3A_418, %dma_start3A_419] : memref<10240x64xf32, #tpu.memory_space<vmem_shared>> -> memref<10240x64xf32, #tpu.memory_space<vmem_shared>>
      tpu.enqueue_indirect_dma source(%dma_start3A_414 : memref<128x64xf32, #tpu.memory_space<vmem>>) target(%dma_start3A_420 : memref<10240x64xf32, #tpu.memory_space<vmem_shared>>) offsets(%dma_start3A_417 : memref<128xi32, #tpu.memory_space<vmem>>) semaphore(%arg18 : memref<!tpu.dma_semaphore, #tpu.memory_space<semaphore_mem>>) {add = true}
      %mul3A_421 = arith.constant 5 : i32
      %mul3A_422 = arith.muli %add3A_297, %mul3A_421 : i32
      %add3A_423 = arith.constant 2 : i32
      %add3A_424 = arith.addi %add3A_423, %mul3A_422 : i32
      %add3A_425 = arith.constant 2 : i32
      %add3A_426 = arith.addi %add3A_424, %add3A_425 : i32
      %sub3A_427 = arith.constant 2 : i32
      %sub3A_428 = arith.subi %add3A_426, %sub3A_427 : i32
      %dma_wait3A_429 = arith.constant 2 : i32
      %dma_wait3A_430 = arith.constant 0 : i32
      %dma_wait3A_431 = arith.constant 0 : i32
      %dma_wait3A_432 = tpu.memref_slice %arg8[%dma_wait3A_429, %dma_wait3A_430, %dma_wait3A_431] : memref<5x128x64xf32, #tpu.memory_space<vmem>> -> memref<1x128x64xf32, #tpu.memory_space<vmem>>
      %dma_wait3A_433 = tpu.memref_squeeze %dma_wait3A_432 : memref<1x128x64xf32, #tpu.memory_space<vmem>> -> memref<128x64xf32, #tpu.memory_space<vmem>>
      %dma_wait3A_434 = arith.constant 0 : i32
      %dma_wait3A_435 = tpu.memref_slice %arg7[%sub3A_428, %dma_wait3A_434] : memref<160x128xi32, #tpu.memory_space<vmem>> -> memref<1x128xi32, #tpu.memory_space<vmem>>
      %dma_wait3A_436 = tpu.memref_squeeze %dma_wait3A_435 : memref<1x128xi32, #tpu.memory_space<vmem>> -> memref<128xi32, #tpu.memory_space<vmem>>
      %dma_wait3A_437 = arith.constant 0 : i32
      %dma_wait3A_438 = arith.constant 0 : i32
      %dma_wait3A_439 = tpu.memref_slice %arg9[%dma_wait3A_437, %dma_wait3A_438] : memref<10240x64xf32, #tpu.memory_space<vmem_shared>> -> memref<10240x64xf32, #tpu.memory_space<vmem_shared>>
      tpu.wait_indirect_dma semaphore(%arg17 : memref<!tpu.dma_semaphore, #tpu.memory_space<semaphore_mem>>) src(%dma_wait3A_433 : memref<128x64xf32, #tpu.memory_space<vmem>>) dst(%dma_wait3A_439 : memref<10240x64xf32, #tpu.memory_space<vmem_shared>>)
      %add3A_440 = arith.constant 3 : i32
      %add3A_441 = arith.addi %add3A_426, %add3A_440 : i32
      %dma_start3A_442 = arith.constant 2 : i32
      %dma_start3A_443 = arith.constant 0 : i32
      %dma_start3A_444 = arith.constant 0 : i32
      %dma_start3A_445 = tpu.memref_slice %arg8[%dma_start3A_442, %dma_start3A_443, %dma_start3A_444] : memref<5x128x64xf32, #tpu.memory_space<vmem>> -> memref<1x128x64xf32, #tpu.memory_space<vmem>>
      %dma_start3A_446 = tpu.memref_squeeze %dma_start3A_445 : memref<1x128x64xf32, #tpu.memory_space<vmem>> -> memref<128x64xf32, #tpu.memory_space<vmem>>
      %dma_start3A_447 = arith.constant 0 : i32
      %dma_start3A_448 = tpu.memref_slice %arg6[%add3A_441, %dma_start3A_447] : memref<160x128xi32, #tpu.memory_space<vmem>> -> memref<1x128xi32, #tpu.memory_space<vmem>>
      %dma_start3A_449 = tpu.memref_squeeze %dma_start3A_448 : memref<1x128xi32, #tpu.memory_space<vmem>> -> memref<128xi32, #tpu.memory_space<vmem>>
      %dma_start3A_450 = arith.constant 0 : i32
      %dma_start3A_451 = arith.constant 0 : i32
      %dma_start3A_452 = tpu.memref_slice %arg2[%arg0, %dma_start3A_450, %dma_start3A_451] : memref<2x10240x64xf32, #tpu.memory_space<hbm>> -> memref<1x10240x64xf32, #tpu.memory_space<hbm>>
      %dma_start3A_453 = tpu.memref_squeeze %dma_start3A_452 : memref<1x10240x64xf32, #tpu.memory_space<hbm>> -> memref<10240x64xf32, #tpu.memory_space<hbm>>
      %dma_start3A_454 = arith.constant 0 : i32
      %dma_start3A_455 = arith.constant 0 : i32
      %dma_start3A_456 = tpu.memref_slice %dma_start3A_453[%dma_start3A_454, %dma_start3A_455] : memref<10240x64xf32, #tpu.memory_space<hbm>> -> memref<10240x64xf32, #tpu.memory_space<hbm>>
      tpu.enqueue_indirect_dma source(%dma_start3A_456 : memref<10240x64xf32, #tpu.memory_space<hbm>>) target(%dma_start3A_446 : memref<128x64xf32, #tpu.memory_space<vmem>>) offsets(%dma_start3A_449 : memref<128xi32, #tpu.memory_space<vmem>>) semaphore(%arg12 : memref<!tpu.dma_semaphore, #tpu.memory_space<semaphore_mem>>)
      %dma_wait3A_457 = arith.constant 4 : i32
      %dma_wait3A_458 = arith.constant 0 : i32
      %dma_wait3A_459 = arith.constant 0 : i32
      %dma_wait3A_460 = tpu.memref_slice %arg8[%dma_wait3A_457, %dma_wait3A_458, %dma_wait3A_459] : memref<5x128x64xf32, #tpu.memory_space<vmem>> -> memref<1x128x64xf32, #tpu.memory_space<vmem>>
      %dma_wait3A_461 = tpu.memref_squeeze %dma_wait3A_460 : memref<1x128x64xf32, #tpu.memory_space<vmem>> -> memref<128x64xf32, #tpu.memory_space<vmem>>
      %dma_wait3A_462 = arith.constant 0 : i32
      %dma_wait3A_463 = tpu.memref_slice %arg6[%add3A_426, %dma_wait3A_462] : memref<160x128xi32, #tpu.memory_space<vmem>> -> memref<1x128xi32, #tpu.memory_space<vmem>>
      %dma_wait3A_464 = tpu.memref_squeeze %dma_wait3A_463 : memref<1x128xi32, #tpu.memory_space<vmem>> -> memref<128xi32, #tpu.memory_space<vmem>>
      %dma_wait3A_465 = arith.constant 0 : i32
      %dma_wait3A_466 = arith.constant 0 : i32
      %dma_wait3A_467 = tpu.memref_slice %arg2[%arg0, %dma_wait3A_465, %dma_wait3A_466] : memref<2x10240x64xf32, #tpu.memory_space<hbm>> -> memref<1x10240x64xf32, #tpu.memory_space<hbm>>
      %dma_wait3A_468 = tpu.memref_squeeze %dma_wait3A_467 : memref<1x10240x64xf32, #tpu.memory_space<hbm>> -> memref<10240x64xf32, #tpu.memory_space<hbm>>
      %dma_wait3A_469 = arith.constant 0 : i32
      %dma_wait3A_470 = arith.constant 0 : i32
      %dma_wait3A_471 = tpu.memref_slice %dma_wait3A_468[%dma_wait3A_469, %dma_wait3A_470] : memref<10240x64xf32, #tpu.memory_space<hbm>> -> memref<10240x64xf32, #tpu.memory_space<hbm>>
      tpu.wait_indirect_dma semaphore(%arg14 : memref<!tpu.dma_semaphore, #tpu.memory_space<semaphore_mem>>) src(%dma_wait3A_471 : memref<10240x64xf32, #tpu.memory_space<hbm>>) dst(%dma_wait3A_461 : memref<128x64xf32, #tpu.memory_space<vmem>>)
      %dma_start3A_472 = arith.constant 4 : i32
      %dma_start3A_473 = arith.constant 0 : i32
      %dma_start3A_474 = arith.constant 0 : i32
      %dma_start3A_475 = tpu.memref_slice %arg8[%dma_start3A_472, %dma_start3A_473, %dma_start3A_474] : memref<5x128x64xf32, #tpu.memory_space<vmem>> -> memref<1x128x64xf32, #tpu.memory_space<vmem>>
      %dma_start3A_476 = tpu.memref_squeeze %dma_start3A_475 : memref<1x128x64xf32, #tpu.memory_space<vmem>> -> memref<128x64xf32, #tpu.memory_space<vmem>>
      %dma_start3A_477 = arith.constant 0 : i32
      %dma_start3A_478 = tpu.memref_slice %arg7[%add3A_426, %dma_start3A_477] : memref<160x128xi32, #tpu.memory_space<vmem>> -> memref<1x128xi32, #tpu.memory_space<vmem>>
      %dma_start3A_479 = tpu.memref_squeeze %dma_start3A_478 : memref<1x128xi32, #tpu.memory_space<vmem>> -> memref<128xi32, #tpu.memory_space<vmem>>
      %dma_start3A_480 = arith.constant 0 : i32
      %dma_start3A_481 = arith.constant 0 : i32
      %dma_start3A_482 = tpu.memref_slice %arg9[%dma_start3A_480, %dma_start3A_481] : memref<10240x64xf32, #tpu.memory_space<vmem_shared>> -> memref<10240x64xf32, #tpu.memory_space<vmem_shared>>
      tpu.enqueue_indirect_dma source(%dma_start3A_476 : memref<128x64xf32, #tpu.memory_space<vmem>>) target(%dma_start3A_482 : memref<10240x64xf32, #tpu.memory_space<vmem_shared>>) offsets(%dma_start3A_479 : memref<128xi32, #tpu.memory_space<vmem>>) semaphore(%arg19 : memref<!tpu.dma_semaphore, #tpu.memory_space<semaphore_mem>>) {add = true}
      %mul3A_483 = arith.constant 5 : i32
      %mul3A_484 = arith.muli %add3A_297, %mul3A_483 : i32
      %add3A_485 = arith.constant 2 : i32
      %add3A_486 = arith.addi %add3A_485, %mul3A_484 : i32
      %add3A_487 = arith.constant 3 : i32
      %add3A_488 = arith.addi %add3A_486, %add3A_487 : i32
      %sub3A_489 = arith.constant 2 : i32
      %sub3A_490 = arith.subi %add3A_488, %sub3A_489 : i32
      %dma_wait3A_491 = arith.constant 3 : i32
      %dma_wait3A_492 = arith.constant 0 : i32
      %dma_wait3A_493 = arith.constant 0 : i32
      %dma_wait3A_494 = tpu.memref_slice %arg8[%dma_wait3A_491, %dma_wait3A_492, %dma_wait3A_493] : memref<5x128x64xf32, #tpu.memory_space<vmem>> -> memref<1x128x64xf32, #tpu.memory_space<vmem>>
      %dma_wait3A_495 = tpu.memref_squeeze %dma_wait3A_494 : memref<1x128x64xf32, #tpu.memory_space<vmem>> -> memref<128x64xf32, #tpu.memory_space<vmem>>
      %dma_wait3A_496 = arith.constant 0 : i32
      %dma_wait3A_497 = tpu.memref_slice %arg7[%sub3A_490, %dma_wait3A_496] : memref<160x128xi32, #tpu.memory_space<vmem>> -> memref<1x128xi32, #tpu.memory_space<vmem>>
      %dma_wait3A_498 = tpu.memref_squeeze %dma_wait3A_497 : memref<1x128xi32, #tpu.memory_space<vmem>> -> memref<128xi32, #tpu.memory_space<vmem>>
      %dma_wait3A_499 = arith.constant 0 : i32
      %dma_wait3A_500 = arith.constant 0 : i32
      %dma_wait3A_501 = tpu.memref_slice %arg9[%dma_wait3A_499, %dma_wait3A_500] : memref<10240x64xf32, #tpu.memory_space<vmem_shared>> -> memref<10240x64xf32, #tpu.memory_space<vmem_shared>>
      tpu.wait_indirect_dma semaphore(%arg18 : memref<!tpu.dma_semaphore, #tpu.memory_space<semaphore_mem>>) src(%dma_wait3A_495 : memref<128x64xf32, #tpu.memory_space<vmem>>) dst(%dma_wait3A_501 : memref<10240x64xf32, #tpu.memory_space<vmem_shared>>)
      %add3A_502 = arith.constant 3 : i32
      %add3A_503 = arith.addi %add3A_488, %add3A_502 : i32
      %dma_start3A_504 = arith.constant 3 : i32
      %dma_start3A_505 = arith.constant 0 : i32
      %dma_start3A_506 = arith.constant 0 : i32
      %dma_start3A_507 = tpu.memref_slice %arg8[%dma_start3A_504, %dma_start3A_505, %dma_start3A_506] : memref<5x128x64xf32, #tpu.memory_space<vmem>> -> memref<1x128x64xf32, #tpu.memory_space<vmem>>
      %dma_start3A_508 = tpu.memref_squeeze %dma_start3A_507 : memref<1x128x64xf32, #tpu.memory_space<vmem>> -> memref<128x64xf32, #tpu.memory_space<vmem>>
      %dma_start3A_509 = arith.constant 0 : i32
      %dma_start3A_510 = tpu.memref_slice %arg6[%add3A_503, %dma_start3A_509] : memref<160x128xi32, #tpu.memory_space<vmem>> -> memref<1x128xi32, #tpu.memory_space<vmem>>
      %dma_start3A_511 = tpu.memref_squeeze %dma_start3A_510 : memref<1x128xi32, #tpu.memory_space<vmem>> -> memref<128xi32, #tpu.memory_space<vmem>>
      %dma_start3A_512 = arith.constant 0 : i32
      %dma_start3A_513 = arith.constant 0 : i32
      %dma_start3A_514 = tpu.memref_slice %arg2[%arg0, %dma_start3A_512, %dma_start3A_513] : memref<2x10240x64xf32, #tpu.memory_space<hbm>> -> memref<1x10240x64xf32, #tpu.memory_space<hbm>>
      %dma_start3A_515 = tpu.memref_squeeze %dma_start3A_514 : memref<1x10240x64xf32, #tpu.memory_space<hbm>> -> memref<10240x64xf32, #tpu.memory_space<hbm>>
      %dma_start3A_516 = arith.constant 0 : i32
      %dma_start3A_517 = arith.constant 0 : i32
      %dma_start3A_518 = tpu.memref_slice %dma_start3A_515[%dma_start3A_516, %dma_start3A_517] : memref<10240x64xf32, #tpu.memory_space<hbm>> -> memref<10240x64xf32, #tpu.memory_space<hbm>>
      tpu.enqueue_indirect_dma source(%dma_start3A_518 : memref<10240x64xf32, #tpu.memory_space<hbm>>) target(%dma_start3A_508 : memref<128x64xf32, #tpu.memory_space<vmem>>) offsets(%dma_start3A_511 : memref<128xi32, #tpu.memory_space<vmem>>) semaphore(%arg13 : memref<!tpu.dma_semaphore, #tpu.memory_space<semaphore_mem>>)
      %dma_wait3A_519 = arith.constant 0 : i32
      %dma_wait3A_520 = arith.constant 0 : i32
      %dma_wait3A_521 = arith.constant 0 : i32
      %dma_wait3A_522 = tpu.memref_slice %arg8[%dma_wait3A_519, %dma_wait3A_520, %dma_wait3A_521] : memref<5x128x64xf32, #tpu.memory_space<vmem>> -> memref<1x128x64xf32, #tpu.memory_space<vmem>>
      %dma_wait3A_523 = tpu.memref_squeeze %dma_wait3A_522 : memref<1x128x64xf32, #tpu.memory_space<vmem>> -> memref<128x64xf32, #tpu.memory_space<vmem>>
      %dma_wait3A_524 = arith.constant 0 : i32
      %dma_wait3A_525 = tpu.memref_slice %arg6[%add3A_488, %dma_wait3A_524] : memref<160x128xi32, #tpu.memory_space<vmem>> -> memref<1x128xi32, #tpu.memory_space<vmem>>
      %dma_wait3A_526 = tpu.memref_squeeze %dma_wait3A_525 : memref<1x128xi32, #tpu.memory_space<vmem>> -> memref<128xi32, #tpu.memory_space<vmem>>
      %dma_wait3A_527 = arith.constant 0 : i32
      %dma_wait3A_528 = arith.constant 0 : i32
      %dma_wait3A_529 = tpu.memref_slice %arg2[%arg0, %dma_wait3A_527, %dma_wait3A_528] : memref<2x10240x64xf32, #tpu.memory_space<hbm>> -> memref<1x10240x64xf32, #tpu.memory_space<hbm>>
      %dma_wait3A_530 = tpu.memref_squeeze %dma_wait3A_529 : memref<1x10240x64xf32, #tpu.memory_space<hbm>> -> memref<10240x64xf32, #tpu.memory_space<hbm>>
      %dma_wait3A_531 = arith.constant 0 : i32
      %dma_wait3A_532 = arith.constant 0 : i32
      %dma_wait3A_533 = tpu.memref_slice %dma_wait3A_530[%dma_wait3A_531, %dma_wait3A_532] : memref<10240x64xf32, #tpu.memory_space<hbm>> -> memref<10240x64xf32, #tpu.memory_space<hbm>>
      tpu.wait_indirect_dma semaphore(%arg10 : memref<!tpu.dma_semaphore, #tpu.memory_space<semaphore_mem>>) src(%dma_wait3A_533 : memref<10240x64xf32, #tpu.memory_space<hbm>>) dst(%dma_wait3A_523 : memref<128x64xf32, #tpu.memory_space<vmem>>)
      %dma_start3A_534 = arith.constant 0 : i32
      %dma_start3A_535 = arith.constant 0 : i32
      %dma_start3A_536 = arith.constant 0 : i32
      %dma_start3A_537 = tpu.memref_slice %arg8[%dma_start3A_534, %dma_start3A_535, %dma_start3A_536] : memref<5x128x64xf32, #tpu.memory_space<vmem>> -> memref<1x128x64xf32, #tpu.memory_space<vmem>>
      %dma_start3A_538 = tpu.memref_squeeze %dma_start3A_537 : memref<1x128x64xf32, #tpu.memory_space<vmem>> -> memref<128x64xf32, #tpu.memory_space<vmem>>
      %dma_start3A_539 = arith.constant 0 : i32
      %dma_start3A_540 = tpu.memref_slice %arg7[%add3A_488, %dma_start3A_539] : memref<160x128xi32, #tpu.memory_space<vmem>> -> memref<1x128xi32, #tpu.memory_space<vmem>>
      %dma_start3A_541 = tpu.memref_squeeze %dma_start3A_540 : memref<1x128xi32, #tpu.memory_space<vmem>> -> memref<128xi32, #tpu.memory_space<vmem>>
      %dma_start3A_542 = arith.constant 0 : i32
      %dma_start3A_543 = arith.constant 0 : i32
      %dma_start3A_544 = tpu.memref_slice %arg9[%dma_start3A_542, %dma_start3A_543] : memref<10240x64xf32, #tpu.memory_space<vmem_shared>> -> memref<10240x64xf32, #tpu.memory_space<vmem_shared>>
      tpu.enqueue_indirect_dma source(%dma_start3A_538 : memref<128x64xf32, #tpu.memory_space<vmem>>) target(%dma_start3A_544 : memref<10240x64xf32, #tpu.memory_space<vmem_shared>>) offsets(%dma_start3A_541 : memref<128xi32, #tpu.memory_space<vmem>>) semaphore(%arg15 : memref<!tpu.dma_semaphore, #tpu.memory_space<semaphore_mem>>) {add = true}
      %mul3A_545 = arith.constant 5 : i32
      %mul3A_546 = arith.muli %add3A_297, %mul3A_545 : i32
      %add3A_547 = arith.constant 2 : i32
      %add3A_548 = arith.addi %add3A_547, %mul3A_546 : i32
      %add3A_549 = arith.constant 4 : i32
      %add3A_550 = arith.addi %add3A_548, %add3A_549 : i32
      %sub3A_551 = arith.constant 2 : i32
      %sub3A_552 = arith.subi %add3A_550, %sub3A_551 : i32
      %dma_wait3A_553 = arith.constant 4 : i32
      %dma_wait3A_554 = arith.constant 0 : i32
      %dma_wait3A_555 = arith.constant 0 : i32
      %dma_wait3A_556 = tpu.memref_slice %arg8[%dma_wait3A_553, %dma_wait3A_554, %dma_wait3A_555] : memref<5x128x64xf32, #tpu.memory_space<vmem>> -> memref<1x128x64xf32, #tpu.memory_space<vmem>>
      %dma_wait3A_557 = tpu.memref_squeeze %dma_wait3A_556 : memref<1x128x64xf32, #tpu.memory_space<vmem>> -> memref<128x64xf32, #tpu.memory_space<vmem>>
      %dma_wait3A_558 = arith.constant 0 : i32
      %dma_wait3A_559 = tpu.memref_slice %arg7[%sub3A_552, %dma_wait3A_558] : memref<160x128xi32, #tpu.memory_space<vmem>> -> memref<1x128xi32, #tpu.memory_space<vmem>>
      %dma_wait3A_560 = tpu.memref_squeeze %dma_wait3A_559 : memref<1x128xi32, #tpu.memory_space<vmem>> -> memref<128xi32, #tpu.memory_space<vmem>>
      %dma_wait3A_561 = arith.constant 0 : i32
      %dma_wait3A_562 = arith.constant 0 : i32
      %dma_wait3A_563 = tpu.memref_slice %arg9[%dma_wait3A_561, %dma_wait3A_562] : memref<10240x64xf32, #tpu.memory_space<vmem_shared>> -> memref<10240x64xf32, #tpu.memory_space<vmem_shared>>
      tpu.wait_indirect_dma semaphore(%arg19 : memref<!tpu.dma_semaphore, #tpu.memory_space<semaphore_mem>>) src(%dma_wait3A_557 : memref<128x64xf32, #tpu.memory_space<vmem>>) dst(%dma_wait3A_563 : memref<10240x64xf32, #tpu.memory_space<vmem_shared>>)
      %add3A_564 = arith.constant 3 : i32
      %add3A_565 = arith.addi %add3A_550, %add3A_564 : i32
      %dma_start3A_566 = arith.constant 4 : i32
      %dma_start3A_567 = arith.constant 0 : i32
      %dma_start3A_568 = arith.constant 0 : i32
      %dma_start3A_569 = tpu.memref_slice %arg8[%dma_start3A_566, %dma_start3A_567, %dma_start3A_568] : memref<5x128x64xf32, #tpu.memory_space<vmem>> -> memref<1x128x64xf32, #tpu.memory_space<vmem>>
      %dma_start3A_570 = tpu.memref_squeeze %dma_start3A_569 : memref<1x128x64xf32, #tpu.memory_space<vmem>> -> memref<128x64xf32, #tpu.memory_space<vmem>>
      %dma_start3A_571 = arith.constant 0 : i32
      %dma_start3A_572 = tpu.memref_slice %arg6[%add3A_565, %dma_start3A_571] : memref<160x128xi32, #tpu.memory_space<vmem>> -> memref<1x128xi32, #tpu.memory_space<vmem>>
      %dma_start3A_573 = tpu.memref_squeeze %dma_start3A_572 : memref<1x128xi32, #tpu.memory_space<vmem>> -> memref<128xi32, #tpu.memory_space<vmem>>
      %dma_start3A_574 = arith.constant 0 : i32
      %dma_start3A_575 = arith.constant 0 : i32
      %dma_start3A_576 = tpu.memref_slice %arg2[%arg0, %dma_start3A_574, %dma_start3A_575] : memref<2x10240x64xf32, #tpu.memory_space<hbm>> -> memref<1x10240x64xf32, #tpu.memory_space<hbm>>
      %dma_start3A_577 = tpu.memref_squeeze %dma_start3A_576 : memref<1x10240x64xf32, #tpu.memory_space<hbm>> -> memref<10240x64xf32, #tpu.memory_space<hbm>>
      %dma_start3A_578 = arith.constant 0 : i32
      %dma_start3A_579 = arith.constant 0 : i32
      %dma_start3A_580 = tpu.memref_slice %dma_start3A_577[%dma_start3A_578, %dma_start3A_579] : memref<10240x64xf32, #tpu.memory_space<hbm>> -> memref<10240x64xf32, #tpu.memory_space<hbm>>
      tpu.enqueue_indirect_dma source(%dma_start3A_580 : memref<10240x64xf32, #tpu.memory_space<hbm>>) target(%dma_start3A_570 : memref<128x64xf32, #tpu.memory_space<vmem>>) offsets(%dma_start3A_573 : memref<128xi32, #tpu.memory_space<vmem>>) semaphore(%arg14 : memref<!tpu.dma_semaphore, #tpu.memory_space<semaphore_mem>>)
      %dma_wait3A_581 = arith.constant 1 : i32
      %dma_wait3A_582 = arith.constant 0 : i32
      %dma_wait3A_583 = arith.constant 0 : i32
      %dma_wait3A_584 = tpu.memref_slice %arg8[%dma_wait3A_581, %dma_wait3A_582, %dma_wait3A_583] : memref<5x128x64xf32, #tpu.memory_space<vmem>> -> memref<1x128x64xf32, #tpu.memory_space<vmem>>
      %dma_wait3A_585 = tpu.memref_squeeze %dma_wait3A_584 : memref<1x128x64xf32, #tpu.memory_space<vmem>> -> memref<128x64xf32, #tpu.memory_space<vmem>>
      %dma_wait3A_586 = arith.constant 0 : i32
      %dma_wait3A_587 = tpu.memref_slice %arg6[%add3A_550, %dma_wait3A_586] : memref<160x128xi32, #tpu.memory_space<vmem>> -> memref<1x128xi32, #tpu.memory_space<vmem>>
      %dma_wait3A_588 = tpu.memref_squeeze %dma_wait3A_587 : memref<1x128xi32, #tpu.memory_space<vmem>> -> memref<128xi32, #tpu.memory_space<vmem>>
      %dma_wait3A_589 = arith.constant 0 : i32
      %dma_wait3A_590 = arith.constant 0 : i32
      %dma_wait3A_591 = tpu.memref_slice %arg2[%arg0, %dma_wait3A_589, %dma_wait3A_590] : memref<2x10240x64xf32, #tpu.memory_space<hbm>> -> memref<1x10240x64xf32, #tpu.memory_space<hbm>>
      %dma_wait3A_592 = tpu.memref_squeeze %dma_wait3A_591 : memref<1x10240x64xf32, #tpu.memory_space<hbm>> -> memref<10240x64xf32, #tpu.memory_space<hbm>>
      %dma_wait3A_593 = arith.constant 0 : i32
      %dma_wait3A_594 = arith.constant 0 : i32
      %dma_wait3A_595 = tpu.memref_slice %dma_wait3A_592[%dma_wait3A_593, %dma_wait3A_594] : memref<10240x64xf32, #tpu.memory_space<hbm>> -> memref<10240x64xf32, #tpu.memory_space<hbm>>
      tpu.wait_indirect_dma semaphore(%arg11 : memref<!tpu.dma_semaphore, #tpu.memory_space<semaphore_mem>>) src(%dma_wait3A_595 : memref<10240x64xf32, #tpu.memory_space<hbm>>) dst(%dma_wait3A_585 : memref<128x64xf32, #tpu.memory_space<vmem>>)
      %dma_start3A_596 = arith.constant 1 : i32
      %dma_start3A_597 = arith.constant 0 : i32
      %dma_start3A_598 = arith.constant 0 : i32
      %dma_start3A_599 = tpu.memref_slice %arg8[%dma_start3A_596, %dma_start3A_597, %dma_start3A_598] : memref<5x128x64xf32, #tpu.memory_space<vmem>> -> memref<1x128x64xf32, #tpu.memory_space<vmem>>
      %dma_start3A_600 = tpu.memref_squeeze %dma_start3A_599 : memref<1x128x64xf32, #tpu.memory_space<vmem>> -> memref<128x64xf32, #tpu.memory_space<vmem>>
      %dma_start3A_601 = arith.constant 0 : i32
      %dma_start3A_602 = tpu.memref_slice %arg7[%add3A_550, %dma_start3A_601] : memref<160x128xi32, #tpu.memory_space<vmem>> -> memref<1x128xi32, #tpu.memory_space<vmem>>
      %dma_start3A_603 = tpu.memref_squeeze %dma_start3A_602 : memref<1x128xi32, #tpu.memory_space<vmem>> -> memref<128xi32, #tpu.memory_space<vmem>>
      %dma_start3A_604 = arith.constant 0 : i32
      %dma_start3A_605 = arith.constant 0 : i32
      %dma_start3A_606 = tpu.memref_slice %arg9[%dma_start3A_604, %dma_start3A_605] : memref<10240x64xf32, #tpu.memory_space<vmem_shared>> -> memref<10240x64xf32, #tpu.memory_space<vmem_shared>>
      tpu.enqueue_indirect_dma source(%dma_start3A_600 : memref<128x64xf32, #tpu.memory_space<vmem>>) target(%dma_start3A_606 : memref<10240x64xf32, #tpu.memory_space<vmem_shared>>) offsets(%dma_start3A_603 : memref<128xi32, #tpu.memory_space<vmem>>) semaphore(%arg16 : memref<!tpu.dma_semaphore, #tpu.memory_space<semaphore_mem>>) {add = true}
    }
    %scan3A_148 = arith.constant 31 : i32
    %dma_wait3A_149 = arith.constant 157 : i32
    %dma_wait3A_150 = arith.constant 2 : i32
    %dma_wait3A_151 = arith.constant 0 : i32
    %dma_wait3A_152 = arith.constant 0 : i32
    %dma_wait3A_153 = tpu.memref_slice %arg8[%dma_wait3A_150, %dma_wait3A_151, %dma_wait3A_152] : memref<5x128x64xf32, #tpu.memory_space<vmem>> -> memref<1x128x64xf32, #tpu.memory_space<vmem>>
    %dma_wait3A_154 = tpu.memref_squeeze %dma_wait3A_153 : memref<1x128x64xf32, #tpu.memory_space<vmem>> -> memref<128x64xf32, #tpu.memory_space<vmem>>
    %dma_wait3A_155 = arith.constant 0 : i32
    %dma_wait3A_156 = tpu.memref_slice %arg6[%dma_wait3A_149, %dma_wait3A_155] : memref<160x128xi32, #tpu.memory_space<vmem>> -> memref<1x128xi32, #tpu.memory_space<vmem>>
    %dma_wait3A_157 = tpu.memref_squeeze %dma_wait3A_156 : memref<1x128xi32, #tpu.memory_space<vmem>> -> memref<128xi32, #tpu.memory_space<vmem>>
    %dma_wait3A_158 = arith.constant 0 : i32
    %dma_wait3A_159 = arith.constant 0 : i32
    %dma_wait3A_160 = tpu.memref_slice %arg2[%arg0, %dma_wait3A_158, %dma_wait3A_159] : memref<2x10240x64xf32, #tpu.memory_space<hbm>> -> memref<1x10240x64xf32, #tpu.memory_space<hbm>>
    %dma_wait3A_161 = tpu.memref_squeeze %dma_wait3A_160 : memref<1x10240x64xf32, #tpu.memory_space<hbm>> -> memref<10240x64xf32, #tpu.memory_space<hbm>>
    %dma_wait3A_162 = arith.constant 0 : i32
    %dma_wait3A_163 = arith.constant 0 : i32
    %dma_wait3A_164 = tpu.memref_slice %dma_wait3A_161[%dma_wait3A_162, %dma_wait3A_163] : memref<10240x64xf32, #tpu.memory_space<hbm>> -> memref<10240x64xf32, #tpu.memory_space<hbm>>
    tpu.wait_indirect_dma semaphore(%arg12 : memref<!tpu.dma_semaphore, #tpu.memory_space<semaphore_mem>>) src(%dma_wait3A_164 : memref<10240x64xf32, #tpu.memory_space<hbm>>) dst(%dma_wait3A_154 : memref<128x64xf32, #tpu.memory_space<vmem>>)
    %dma_start3A_165 = arith.constant 2 : i32
    %dma_start3A_166 = arith.constant 157 : i32
    %dma_start3A_167 = arith.constant 0 : i32
    %dma_start3A_168 = arith.constant 0 : i32
    %dma_start3A_169 = tpu.memref_slice %arg8[%dma_start3A_165, %dma_start3A_167, %dma_start3A_168] : memref<5x128x64xf32, #tpu.memory_space<vmem>> -> memref<1x128x64xf32, #tpu.memory_space<vmem>>
    %dma_start3A_170 = tpu.memref_squeeze %dma_start3A_169 : memref<1x128x64xf32, #tpu.memory_space<vmem>> -> memref<128x64xf32, #tpu.memory_space<vmem>>
    %dma_start3A_171 = arith.constant 0 : i32
    %dma_start3A_172 = tpu.memref_slice %arg7[%dma_start3A_166, %dma_start3A_171] : memref<160x128xi32, #tpu.memory_space<vmem>> -> memref<1x128xi32, #tpu.memory_space<vmem>>
    %dma_start3A_173 = tpu.memref_squeeze %dma_start3A_172 : memref<1x128xi32, #tpu.memory_space<vmem>> -> memref<128xi32, #tpu.memory_space<vmem>>
    %dma_start3A_174 = arith.constant 0 : i32
    %dma_start3A_175 = arith.constant 0 : i32
    %dma_start3A_176 = tpu.memref_slice %arg9[%dma_start3A_174, %dma_start3A_175] : memref<10240x64xf32, #tpu.memory_space<vmem_shared>> -> memref<10240x64xf32, #tpu.memory_space<vmem_shared>>
    tpu.enqueue_indirect_dma source(%dma_start3A_170 : memref<128x64xf32, #tpu.memory_space<vmem>>) target(%dma_start3A_176 : memref<10240x64xf32, #tpu.memory_space<vmem_shared>>) offsets(%dma_start3A_173 : memref<128xi32, #tpu.memory_space<vmem>>) semaphore(%arg17 : memref<!tpu.dma_semaphore, #tpu.memory_space<semaphore_mem>>) {add = true}
    %dma_wait3A_177 = arith.constant 158 : i32
    %dma_wait3A_178 = arith.constant 3 : i32
    %dma_wait3A_179 = arith.constant 0 : i32
    %dma_wait3A_180 = arith.constant 0 : i32
    %dma_wait3A_181 = tpu.memref_slice %arg8[%dma_wait3A_178, %dma_wait3A_179, %dma_wait3A_180] : memref<5x128x64xf32, #tpu.memory_space<vmem>> -> memref<1x128x64xf32, #tpu.memory_space<vmem>>
    %dma_wait3A_182 = tpu.memref_squeeze %dma_wait3A_181 : memref<1x128x64xf32, #tpu.memory_space<vmem>> -> memref<128x64xf32, #tpu.memory_space<vmem>>
    %dma_wait3A_183 = arith.constant 0 : i32
    %dma_wait3A_184 = tpu.memref_slice %arg6[%dma_wait3A_177, %dma_wait3A_183] : memref<160x128xi32, #tpu.memory_space<vmem>> -> memref<1x128xi32, #tpu.memory_space<vmem>>
    %dma_wait3A_185 = tpu.memref_squeeze %dma_wait3A_184 : memref<1x128xi32, #tpu.memory_space<vmem>> -> memref<128xi32, #tpu.memory_space<vmem>>
    %dma_wait3A_186 = arith.constant 0 : i32
    %dma_wait3A_187 = arith.constant 0 : i32
    %dma_wait3A_188 = tpu.memref_slice %arg2[%arg0, %dma_wait3A_186, %dma_wait3A_187] : memref<2x10240x64xf32, #tpu.memory_space<hbm>> -> memref<1x10240x64xf32, #tpu.memory_space<hbm>>
    %dma_wait3A_189 = tpu.memref_squeeze %dma_wait3A_188 : memref<1x10240x64xf32, #tpu.memory_space<hbm>> -> memref<10240x64xf32, #tpu.memory_space<hbm>>
    %dma_wait3A_190 = arith.constant 0 : i32
    %dma_wait3A_191 = arith.constant 0 : i32
    %dma_wait3A_192 = tpu.memref_slice %dma_wait3A_189[%dma_wait3A_190, %dma_wait3A_191] : memref<10240x64xf32, #tpu.memory_space<hbm>> -> memref<10240x64xf32, #tpu.memory_space<hbm>>
    tpu.wait_indirect_dma semaphore(%arg13 : memref<!tpu.dma_semaphore, #tpu.memory_space<semaphore_mem>>) src(%dma_wait3A_192 : memref<10240x64xf32, #tpu.memory_space<hbm>>) dst(%dma_wait3A_182 : memref<128x64xf32, #tpu.memory_space<vmem>>)
    %dma_start3A_193 = arith.constant 3 : i32
    %dma_start3A_194 = arith.constant 158 : i32
    %dma_start3A_195 = arith.constant 0 : i32
    %dma_start3A_196 = arith.constant 0 : i32
    %dma_start3A_197 = tpu.memref_slice %arg8[%dma_start3A_193, %dma_start3A_195, %dma_start3A_196] : memref<5x128x64xf32, #tpu.memory_space<vmem>> -> memref<1x128x64xf32, #tpu.memory_space<vmem>>
    %dma_start3A_198 = tpu.memref_squeeze %dma_start3A_197 : memref<1x128x64xf32, #tpu.memory_space<vmem>> -> memref<128x64xf32, #tpu.memory_space<vmem>>
    %dma_start3A_199 = arith.constant 0 : i32
    %dma_start3A_200 = tpu.memref_slice %arg7[%dma_start3A_194, %dma_start3A_199] : memref<160x128xi32, #tpu.memory_space<vmem>> -> memref<1x128xi32, #tpu.memory_space<vmem>>
    %dma_start3A_201 = tpu.memref_squeeze %dma_start3A_200 : memref<1x128xi32, #tpu.memory_space<vmem>> -> memref<128xi32, #tpu.memory_space<vmem>>
    %dma_start3A_202 = arith.constant 0 : i32
    %dma_start3A_203 = arith.constant 0 : i32
    %dma_start3A_204 = tpu.memref_slice %arg9[%dma_start3A_202, %dma_start3A_203] : memref<10240x64xf32, #tpu.memory_space<vmem_shared>> -> memref<10240x64xf32, #tpu.memory_space<vmem_shared>>
    tpu.enqueue_indirect_dma source(%dma_start3A_198 : memref<128x64xf32, #tpu.memory_space<vmem>>) target(%dma_start3A_204 : memref<10240x64xf32, #tpu.memory_space<vmem_shared>>) offsets(%dma_start3A_201 : memref<128xi32, #tpu.memory_space<vmem>>) semaphore(%arg18 : memref<!tpu.dma_semaphore, #tpu.memory_space<semaphore_mem>>) {add = true}
    %dma_wait3A_205 = arith.constant 159 : i32
    %dma_wait3A_206 = arith.constant 4 : i32
    %dma_wait3A_207 = arith.constant 0 : i32
    %dma_wait3A_208 = arith.constant 0 : i32
    %dma_wait3A_209 = tpu.memref_slice %arg8[%dma_wait3A_206, %dma_wait3A_207, %dma_wait3A_208] : memref<5x128x64xf32, #tpu.memory_space<vmem>> -> memref<1x128x64xf32, #tpu.memory_space<vmem>>
    %dma_wait3A_210 = tpu.memref_squeeze %dma_wait3A_209 : memref<1x128x64xf32, #tpu.memory_space<vmem>> -> memref<128x64xf32, #tpu.memory_space<vmem>>
    %dma_wait3A_211 = arith.constant 0 : i32
    %dma_wait3A_212 = tpu.memref_slice %arg6[%dma_wait3A_205, %dma_wait3A_211] : memref<160x128xi32, #tpu.memory_space<vmem>> -> memref<1x128xi32, #tpu.memory_space<vmem>>
    %dma_wait3A_213 = tpu.memref_squeeze %dma_wait3A_212 : memref<1x128xi32, #tpu.memory_space<vmem>> -> memref<128xi32, #tpu.memory_space<vmem>>
    %dma_wait3A_214 = arith.constant 0 : i32
    %dma_wait3A_215 = arith.constant 0 : i32
    %dma_wait3A_216 = tpu.memref_slice %arg2[%arg0, %dma_wait3A_214, %dma_wait3A_215] : memref<2x10240x64xf32, #tpu.memory_space<hbm>> -> memref<1x10240x64xf32, #tpu.memory_space<hbm>>
    %dma_wait3A_217 = tpu.memref_squeeze %dma_wait3A_216 : memref<1x10240x64xf32, #tpu.memory_space<hbm>> -> memref<10240x64xf32, #tpu.memory_space<hbm>>
    %dma_wait3A_218 = arith.constant 0 : i32
    %dma_wait3A_219 = arith.constant 0 : i32
    %dma_wait3A_220 = tpu.memref_slice %dma_wait3A_217[%dma_wait3A_218, %dma_wait3A_219] : memref<10240x64xf32, #tpu.memory_space<hbm>> -> memref<10240x64xf32, #tpu.memory_space<hbm>>
    tpu.wait_indirect_dma semaphore(%arg14 : memref<!tpu.dma_semaphore, #tpu.memory_space<semaphore_mem>>) src(%dma_wait3A_220 : memref<10240x64xf32, #tpu.memory_space<hbm>>) dst(%dma_wait3A_210 : memref<128x64xf32, #tpu.memory_space<vmem>>)
    %dma_start3A_221 = arith.constant 4 : i32
    %dma_start3A_222 = arith.constant 159 : i32
    %dma_start3A_223 = arith.constant 0 : i32
    %dma_start3A_224 = arith.constant 0 : i32
    %dma_start3A_225 = tpu.memref_slice %arg8[%dma_start3A_221, %dma_start3A_223, %dma_start3A_224] : memref<5x128x64xf32, #tpu.memory_space<vmem>> -> memref<1x128x64xf32, #tpu.memory_space<vmem>>
    %dma_start3A_226 = tpu.memref_squeeze %dma_start3A_225 : memref<1x128x64xf32, #tpu.memory_space<vmem>> -> memref<128x64xf32, #tpu.memory_space<vmem>>
    %dma_start3A_227 = arith.constant 0 : i32
    %dma_start3A_228 = tpu.memref_slice %arg7[%dma_start3A_222, %dma_start3A_227] : memref<160x128xi32, #tpu.memory_space<vmem>> -> memref<1x128xi32, #tpu.memory_space<vmem>>
    %dma_start3A_229 = tpu.memref_squeeze %dma_start3A_228 : memref<1x128xi32, #tpu.memory_space<vmem>> -> memref<128xi32, #tpu.memory_space<vmem>>
    %dma_start3A_230 = arith.constant 0 : i32
    %dma_start3A_231 = arith.constant 0 : i32
    %dma_start3A_232 = tpu.memref_slice %arg9[%dma_start3A_230, %dma_start3A_231] : memref<10240x64xf32, #tpu.memory_space<vmem_shared>> -> memref<10240x64xf32, #tpu.memory_space<vmem_shared>>
    tpu.enqueue_indirect_dma source(%dma_start3A_226 : memref<128x64xf32, #tpu.memory_space<vmem>>) target(%dma_start3A_232 : memref<10240x64xf32, #tpu.memory_space<vmem_shared>>) offsets(%dma_start3A_229 : memref<128xi32, #tpu.memory_space<vmem>>) semaphore(%arg19 : memref<!tpu.dma_semaphore, #tpu.memory_space<semaphore_mem>>) {add = true}
    %dma_wait3A_233 = arith.constant 0 : i32
    %dma_wait3A_234 = arith.constant 155 : i32
    %dma_wait3A_235 = arith.constant 0 : i32
    %dma_wait3A_236 = arith.constant 0 : i32
    %dma_wait3A_237 = tpu.memref_slice %arg8[%dma_wait3A_233, %dma_wait3A_235, %dma_wait3A_236] : memref<5x128x64xf32, #tpu.memory_space<vmem>> -> memref<1x128x64xf32, #tpu.memory_space<vmem>>
    %dma_wait3A_238 = tpu.memref_squeeze %dma_wait3A_237 : memref<1x128x64xf32, #tpu.memory_space<vmem>> -> memref<128x64xf32, #tpu.memory_space<vmem>>
    %dma_wait3A_239 = arith.constant 0 : i32
    %dma_wait3A_240 = tpu.memref_slice %arg7[%dma_wait3A_234, %dma_wait3A_239] : memref<160x128xi32, #tpu.memory_space<vmem>> -> memref<1x128xi32, #tpu.memory_space<vmem>>
    %dma_wait3A_241 = tpu.memref_squeeze %dma_wait3A_240 : memref<1x128xi32, #tpu.memory_space<vmem>> -> memref<128xi32, #tpu.memory_space<vmem>>
    %dma_wait3A_242 = arith.constant 0 : i32
    %dma_wait3A_243 = arith.constant 0 : i32
    %dma_wait3A_244 = tpu.memref_slice %arg9[%dma_wait3A_242, %dma_wait3A_243] : memref<10240x64xf32, #tpu.memory_space<vmem_shared>> -> memref<10240x64xf32, #tpu.memory_space<vmem_shared>>
    tpu.wait_indirect_dma semaphore(%arg15 : memref<!tpu.dma_semaphore, #tpu.memory_space<semaphore_mem>>) src(%dma_wait3A_238 : memref<128x64xf32, #tpu.memory_space<vmem>>) dst(%dma_wait3A_244 : memref<10240x64xf32, #tpu.memory_space<vmem_shared>>)
    %dma_wait3A_245 = arith.constant 1 : i32
    %dma_wait3A_246 = arith.constant 156 : i32
    %dma_wait3A_247 = arith.constant 0 : i32
    %dma_wait3A_248 = arith.constant 0 : i32
    %dma_wait3A_249 = tpu.memref_slice %arg8[%dma_wait3A_245, %dma_wait3A_247, %dma_wait3A_248] : memref<5x128x64xf32, #tpu.memory_space<vmem>> -> memref<1x128x64xf32, #tpu.memory_space<vmem>>
    %dma_wait3A_250 = tpu.memref_squeeze %dma_wait3A_249 : memref<1x128x64xf32, #tpu.memory_space<vmem>> -> memref<128x64xf32, #tpu.memory_space<vmem>>
    %dma_wait3A_251 = arith.constant 0 : i32
    %dma_wait3A_252 = tpu.memref_slice %arg7[%dma_wait3A_246, %dma_wait3A_251] : memref<160x128xi32, #tpu.memory_space<vmem>> -> memref<1x128xi32, #tpu.memory_space<vmem>>
    %dma_wait3A_253 = tpu.memref_squeeze %dma_wait3A_252 : memref<1x128xi32, #tpu.memory_space<vmem>> -> memref<128xi32, #tpu.memory_space<vmem>>
    %dma_wait3A_254 = arith.constant 0 : i32
    %dma_wait3A_255 = arith.constant 0 : i32
    %dma_wait3A_256 = tpu.memref_slice %arg9[%dma_wait3A_254, %dma_wait3A_255] : memref<10240x64xf32, #tpu.memory_space<vmem_shared>> -> memref<10240x64xf32, #tpu.memory_space<vmem_shared>>
    tpu.wait_indirect_dma semaphore(%arg16 : memref<!tpu.dma_semaphore, #tpu.memory_space<semaphore_mem>>) src(%dma_wait3A_250 : memref<128x64xf32, #tpu.memory_space<vmem>>) dst(%dma_wait3A_256 : memref<10240x64xf32, #tpu.memory_space<vmem_shared>>)
    %dma_wait3A_257 = arith.constant 2 : i32
    %dma_wait3A_258 = arith.constant 157 : i32
    %dma_wait3A_259 = arith.constant 0 : i32
    %dma_wait3A_260 = arith.constant 0 : i32
    %dma_wait3A_261 = tpu.memref_slice %arg8[%dma_wait3A_257, %dma_wait3A_259, %dma_wait3A_260] : memref<5x128x64xf32, #tpu.memory_space<vmem>> -> memref<1x128x64xf32, #tpu.memory_space<vmem>>
    %dma_wait3A_262 = tpu.memref_squeeze %dma_wait3A_261 : memref<1x128x64xf32, #tpu.memory_space<vmem>> -> memref<128x64xf32, #tpu.memory_space<vmem>>
    %dma_wait3A_263 = arith.constant 0 : i32
    %dma_wait3A_264 = tpu.memref_slice %arg7[%dma_wait3A_258, %dma_wait3A_263] : memref<160x128xi32, #tpu.memory_space<vmem>> -> memref<1x128xi32, #tpu.memory_space<vmem>>
    %dma_wait3A_265 = tpu.memref_squeeze %dma_wait3A_264 : memref<1x128xi32, #tpu.memory_space<vmem>> -> memref<128xi32, #tpu.memory_space<vmem>>
    %dma_wait3A_266 = arith.constant 0 : i32
    %dma_wait3A_267 = arith.constant 0 : i32
    %dma_wait3A_268 = tpu.memref_slice %arg9[%dma_wait3A_266, %dma_wait3A_267] : memref<10240x64xf32, #tpu.memory_space<vmem_shared>> -> memref<10240x64xf32, #tpu.memory_space<vmem_shared>>
    tpu.wait_indirect_dma semaphore(%arg17 : memref<!tpu.dma_semaphore, #tpu.memory_space<semaphore_mem>>) src(%dma_wait3A_262 : memref<128x64xf32, #tpu.memory_space<vmem>>) dst(%dma_wait3A_268 : memref<10240x64xf32, #tpu.memory_space<vmem_shared>>)
    %dma_wait3A_269 = arith.constant 3 : i32
    %dma_wait3A_270 = arith.constant 158 : i32
    %dma_wait3A_271 = arith.constant 0 : i32
    %dma_wait3A_272 = arith.constant 0 : i32
    %dma_wait3A_273 = tpu.memref_slice %arg8[%dma_wait3A_269, %dma_wait3A_271, %dma_wait3A_272] : memref<5x128x64xf32, #tpu.memory_space<vmem>> -> memref<1x128x64xf32, #tpu.memory_space<vmem>>
    %dma_wait3A_274 = tpu.memref_squeeze %dma_wait3A_273 : memref<1x128x64xf32, #tpu.memory_space<vmem>> -> memref<128x64xf32, #tpu.memory_space<vmem>>
    %dma_wait3A_275 = arith.constant 0 : i32
    %dma_wait3A_276 = tpu.memref_slice %arg7[%dma_wait3A_270, %dma_wait3A_275] : memref<160x128xi32, #tpu.memory_space<vmem>> -> memref<1x128xi32, #tpu.memory_space<vmem>>
    %dma_wait3A_277 = tpu.memref_squeeze %dma_wait3A_276 : memref<1x128xi32, #tpu.memory_space<vmem>> -> memref<128xi32, #tpu.memory_space<vmem>>
    %dma_wait3A_278 = arith.constant 0 : i32
    %dma_wait3A_279 = arith.constant 0 : i32
    %dma_wait3A_280 = tpu.memref_slice %arg9[%dma_wait3A_278, %dma_wait3A_279] : memref<10240x64xf32, #tpu.memory_space<vmem_shared>> -> memref<10240x64xf32, #tpu.memory_space<vmem_shared>>
    tpu.wait_indirect_dma semaphore(%arg18 : memref<!tpu.dma_semaphore, #tpu.memory_space<semaphore_mem>>) src(%dma_wait3A_274 : memref<128x64xf32, #tpu.memory_space<vmem>>) dst(%dma_wait3A_280 : memref<10240x64xf32, #tpu.memory_space<vmem_shared>>)
    %dma_wait3A_281 = arith.constant 4 : i32
    %dma_wait3A_282 = arith.constant 159 : i32
    %dma_wait3A_283 = arith.constant 0 : i32
    %dma_wait3A_284 = arith.constant 0 : i32
    %dma_wait3A_285 = tpu.memref_slice %arg8[%dma_wait3A_281, %dma_wait3A_283, %dma_wait3A_284] : memref<5x128x64xf32, #tpu.memory_space<vmem>> -> memref<1x128x64xf32, #tpu.memory_space<vmem>>
    %dma_wait3A_286 = tpu.memref_squeeze %dma_wait3A_285 : memref<1x128x64xf32, #tpu.memory_space<vmem>> -> memref<128x64xf32, #tpu.memory_space<vmem>>
    %dma_wait3A_287 = arith.constant 0 : i32
    %dma_wait3A_288 = tpu.memref_slice %arg7[%dma_wait3A_282, %dma_wait3A_287] : memref<160x128xi32, #tpu.memory_space<vmem>> -> memref<1x128xi32, #tpu.memory_space<vmem>>
    %dma_wait3A_289 = tpu.memref_squeeze %dma_wait3A_288 : memref<1x128xi32, #tpu.memory_space<vmem>> -> memref<128xi32, #tpu.memory_space<vmem>>
    %dma_wait3A_290 = arith.constant 0 : i32
    %dma_wait3A_291 = arith.constant 0 : i32
    %dma_wait3A_292 = tpu.memref_slice %arg9[%dma_wait3A_290, %dma_wait3A_291] : memref<10240x64xf32, #tpu.memory_space<vmem_shared>> -> memref<10240x64xf32, #tpu.memory_space<vmem_shared>>
    tpu.wait_indirect_dma semaphore(%arg19 : memref<!tpu.dma_semaphore, #tpu.memory_space<semaphore_mem>>) src(%dma_wait3A_286 : memref<128x64xf32, #tpu.memory_space<vmem>>) dst(%dma_wait3A_292 : memref<10240x64xf32, #tpu.memory_space<vmem_shared>>)
    %barrier3A_293 = arith.constant 0 : index
    tpu.barrier barrier_id(%barrier3A_293)
    "tpu.region"() ({
      %run_scoped3A = tpu.sem_alloc : memref<!tpu.dma_semaphore, #tpu.memory_space<semaphore_mem>>
      %dma_start3A_294 = arith.constant 0 : i32
      %dma_start3A_295 = tpu.memref_slice %arg5[%arg0, %mul3A_0, %dma_start3A_294] : memref<2x10240x64xf32, #tpu.memory_space<hbm>> -> memref<1x640x64xf32, #tpu.memory_space<hbm>>
      %dma_start3A_296 = tpu.memref_squeeze %dma_start3A_295 : memref<1x640x64xf32, #tpu.memory_space<hbm>> -> memref<640x64xf32, #tpu.memory_space<hbm>>
      %dma_start3A_297 = arith.constant 0 : i32
      %dma_start3A_298 = tpu.memref_slice %arg9[%mul3A_0, %dma_start3A_297] : memref<10240x64xf32, #tpu.memory_space<vmem_shared>> -> memref<640x64xf32, #tpu.memory_space<vmem_shared>>
      tpu.enqueue_dma source(%dma_start3A_298 : memref<640x64xf32, #tpu.memory_space<vmem_shared>>) target(%dma_start3A_296 : memref<640x64xf32, #tpu.memory_space<hbm>>) target_semaphore(%run_scoped3A : memref<!tpu.dma_semaphore, #tpu.memory_space<semaphore_mem>>)
      %dma_wait3A_299 = arith.constant 0 : i32
      %dma_wait3A_300 = tpu.memref_slice %arg5[%arg0, %mul3A_0, %dma_wait3A_299] : memref<2x10240x64xf32, #tpu.memory_space<hbm>> -> memref<1x640x64xf32, #tpu.memory_space<hbm>>
      %dma_wait3A_301 = tpu.memref_squeeze %dma_wait3A_300 : memref<1x640x64xf32, #tpu.memory_space<hbm>> -> memref<640x64xf32, #tpu.memory_space<hbm>>
      %dma_wait3A_302 = arith.constant 0 : i32
      %dma_wait3A_303 = tpu.memref_slice %arg9[%mul3A_0, %dma_wait3A_302] : memref<10240x64xf32, #tpu.memory_space<vmem_shared>> -> memref<640x64xf32, #tpu.memory_space<vmem_shared>>
      tpu.wait_dma2 semaphore(%run_scoped3A : memref<!tpu.dma_semaphore, #tpu.memory_space<semaphore_mem>>) src(%dma_wait3A_303 : memref<640x64xf32, #tpu.memory_space<vmem_shared>>) dst(%dma_wait3A_301 : memref<640x64xf32, #tpu.memory_space<hbm>>)
      tpu.yield
    }) : () -> ()
    return
  }
}

module attributes {stable_mosaic.version = 14 : i64} {
  func.func @_p1_body(%arg0: i32, %arg1: memref<512x128xf32, #tpu.memory_space<vmem>>, %arg2: memref<128x128xf32, #tpu.memory_space<vmem>>, %arg3: memref<512x128xf32, #tpu.memory_space<vmem>>) attributes {dimension_semantics = [#tpu.dimension_semantics<arbitrary>], iteration_bounds = array<i64: 20>, scalar_prefetch = 0 : i64, scratch_operands = 0 : i64, tpu.core_type = #tpu.core_type<tc>, window_params = [{transform_indices = @transform_0, window_bounds = array<i64: 512, 128>}, {pipeline_mode = #tpu.pipeline_mode<synchronous>, transform_indices = @transform_1, window_bounds = array<i64: 128, 128>}, {transform_indices = @transform_2, window_bounds = array<i64: 512, 128>}]} {
    %get3A = arith.constant 0 : index
    %get3A_0 = arith.constant 0 : index
    %get3A_1 = vector.load %arg1[%get3A, %get3A_0] : memref<512x128xf32, #tpu.memory_space<vmem>>, vector<512x128xf32>
    %get3A_2 = arith.constant 0 : index
    %get3A_3 = arith.constant 0 : index
    %get3A_4 = vector.load %arg2[%get3A_2, %get3A_3] : memref<128x128xf32, #tpu.memory_space<vmem>>, vector<128x128xf32>
    %dot_general3A = arith.constant dense<0.000000e+00> : vector<512x128xf32>
    %dot_general3A_5 = tpu.matmul %get3A_1, %get3A_4, %dot_general3A {dimension_numbers = #tpu.dot_dimension_numbers<[1], [0], [0], [1], [0, 0, 1, 1], [], []>, transpose_lhs_hint = false} : vector<512x128xf32>, vector<128x128xf32>, vector<512x128xf32> -> vector<512x128xf32>
    %swap3A = arith.constant 0 : index
    %swap3A_6 = arith.constant 0 : index
    %swap3A_7 = vector.load %arg3[%swap3A, %swap3A_6] : memref<512x128xf32, #tpu.memory_space<vmem>>, vector<512x128xf32>
    tpu.vector_store %arg3[%swap3A, %swap3A_6], %dot_general3A_5 {strides = array<i32>} : memref<512x128xf32, #tpu.memory_space<vmem>>, vector<512x128xf32>,
    return
  }
  func.func @transform_0(%arg0: i32) -> (i32, i32) {
    %c0_i32 = arith.constant 0 : i32
    %c0_i32_0 = arith.constant 0 : i32
    return %arg0, %c0_i32 : i32, i32
  }
  func.func @transform_1(%arg0: i32) -> (i32, i32) {
    %c0_i32 = arith.constant 0 : i32
    %c0_i32_0 = arith.constant 0 : i32
    %c0_i32_1 = arith.constant 0 : i32
    return %c0_i32, %c0_i32_0 : i32, i32
  }
  func.func @transform_2(%arg0: i32) -> (i32, i32) {
    %c0_i32 = arith.constant 0 : i32
    %c0_i32_0 = arith.constant 0 : i32
    return %arg0, %c0_i32 : i32, i32
  }
}

module attributes {stable_mosaic.version = 14 : i64} {
  func.func @_scale1_body(%arg0: i32, %arg1: memref<512x128xf32, #tpu.memory_space<vmem>>, %arg2: memref<512x16xf32, #tpu.memory_space<vmem>>, %arg3: memref<512x16xf32, #tpu.memory_space<vmem>>, %arg4: memref<2x512x64xf32, #tpu.memory_space<vmem>>) attributes {dimension_semantics = [#tpu.dimension_semantics<arbitrary>], iteration_bounds = array<i64: 20>, scalar_prefetch = 0 : i64, scratch_operands = 0 : i64, tpu.core_type = #tpu.core_type<tc>, window_params = [{transform_indices = @transform_0, window_bounds = array<i64: 512, 128>}, {transform_indices = @transform_1, window_bounds = array<i64: 512, 16>}, {transform_indices = @transform_2, window_bounds = array<i64: 512, 16>}, {transform_indices = @transform_3, window_bounds = array<i64: 2, 512, 64>}]} {
    %get3A = arith.constant 0 : index
    %get3A_0 = arith.constant 0 : index
    %get3A_1 = vector.load %arg2[%get3A, %get3A_0] : memref<512x16xf32, #tpu.memory_space<vmem>>, vector<512x1xf32>
    %get3A_2 = arith.constant 0 : index
    %get3A_3 = arith.constant 0 : index
    %get3A_4 = vector.load %arg3[%get3A_2, %get3A_3] : memref<512x16xf32, #tpu.memory_space<vmem>>, vector<512x1xf32>
    %add3A = arith.addf %get3A_1, %get3A_4 : vector<512x1xf32>
    %add3A_5 = arith.constant 1.000000e+00 : f32
    %add3A_6 = vector.broadcast %add3A_5 : f32 to vector<512x1xf32>
    %add3A_7 = arith.addf %add3A, %add3A_6 : vector<512x1xf32>
    %iota3A = tpu.iota {dimensions = array<i32: 0>} : vector<512x1xi32>
    %mul3A = arith.constant 512 : i32
    %mul3A_8 = arith.muli %arg0, %mul3A : i32
    %add3A_9 = vector.broadcast %mul3A_8 : i32 to vector<512x1xi32>
    %add3A_10 = arith.addi %iota3A, %add3A_9 : vector<512x1xi32>
    %lt3A = arith.constant 10000 : i32
    %lt3A_11 = vector.broadcast %lt3A : i32 to vector<512x1xi32>
    %lt3A_12 = arith.cmpi slt, %add3A_10, %lt3A_11 : vector<512x1xi32>
    %rsqrt3A = math.rsqrt %add3A_7 : vector<512x1xf32>
    %jit3A = arith.constant 0.000000e+00 : f32
    %broadcast_in_dim3A = vector.broadcast %jit3A : f32 to vector<512x1xf32>
    %select_n3A = arith.select %lt3A_12, %rsqrt3A, %broadcast_in_dim3A : vector<512x1xi1>, vector<512x1xf32>
    %get3A_13 = arith.constant 0 : index
    %get3A_14 = arith.constant 0 : index
    %get3A_15 = vector.load %arg1[%get3A_13, %get3A_14] : memref<512x128xf32, #tpu.memory_space<vmem>>, vector<512x128xf32>
    %mul3A_16 = vector.broadcast %select_n3A : vector<512x1xf32> to vector<512x128xf32>
    %mul3A_17 = arith.mulf %get3A_15, %mul3A_16 : vector<512x128xf32>
    %slice3A = vector.extract_strided_slice %mul3A_17 {offsets = [0, 0], sizes = [512, 64], strides = [1, 1]} : vector<512x128xf32> to vector<512x64xf32>
    %swap3A = arith.constant 0 : index
    %swap3A_18 = arith.constant 0 : index
    %swap3A_19 = arith.constant 0 : index
    %swap3A_20 = vector.load %arg4[%swap3A, %swap3A_18, %swap3A_19] : memref<2x512x64xf32, #tpu.memory_space<vmem>>, vector<1x512x64xf32>
    %swap3A_21 = vector.shape_cast %swap3A_20 : vector<1x512x64xf32> to vector<512x64xf32>
    %swap3A_22 = vector.shape_cast %slice3A : vector<512x64xf32> to vector<1x512x64xf32>
    tpu.vector_store %arg4[%swap3A, %swap3A_18, %swap3A_19], %swap3A_22 {strides = array<i32>} : memref<2x512x64xf32, #tpu.memory_space<vmem>>, vector<1x512x64xf32>,
    %slice3A_23 = vector.extract_strided_slice %mul3A_17 {offsets = [0, 64], sizes = [512, 64], strides = [1, 1]} : vector<512x128xf32> to vector<512x64xf32>
    %swap3A_24 = arith.constant 1 : index
    %swap3A_25 = arith.constant 0 : index
    %swap3A_26 = arith.constant 0 : index
    %swap3A_27 = vector.load %arg4[%swap3A_24, %swap3A_25, %swap3A_26] : memref<2x512x64xf32, #tpu.memory_space<vmem>>, vector<1x512x64xf32>
    %swap3A_28 = vector.shape_cast %swap3A_27 : vector<1x512x64xf32> to vector<512x64xf32>
    %swap3A_29 = vector.shape_cast %slice3A_23 : vector<512x64xf32> to vector<1x512x64xf32>
    tpu.vector_store %arg4[%swap3A_24, %swap3A_25, %swap3A_26], %swap3A_29 {strides = array<i32>} : memref<2x512x64xf32, #tpu.memory_space<vmem>>, vector<1x512x64xf32>,
    return
  }
  func.func @transform_0(%arg0: i32) -> (i32, i32) {
    %c0_i32 = arith.constant 0 : i32
    %c0_i32_0 = arith.constant 0 : i32
    return %arg0, %c0_i32 : i32, i32
  }
  func.func @transform_1(%arg0: i32) -> (i32, i32) {
    %c0_i32 = arith.constant 0 : i32
    %c0_i32_0 = arith.constant 0 : i32
    return %arg0, %c0_i32 : i32, i32
  }
  func.func @transform_2(%arg0: i32) -> (i32, i32) {
    %c0_i32 = arith.constant 0 : i32
    %c0_i32_0 = arith.constant 0 : i32
    return %arg0, %c0_i32 : i32, i32
  }
  func.func @transform_3(%arg0: i32) -> (i32, i32, i32) {
    %c0_i32 = arith.constant 0 : i32
    %c0_i32_0 = arith.constant 0 : i32
    %c0_i32_1 = arith.constant 0 : i32
    return %c0_i32, %arg0, %c0_i32_0 : i32, i32, i32
  }
}

module attributes {stable_mosaic.version = 14 : i64} {
  func.func @_mm2_body(%arg0: i32, %arg1: memref<2x512x64xf32, #tpu.memory_space<vmem>>, %arg2: memref<2x512x64xf32, #tpu.memory_space<vmem>>, %arg3: memref<1x128xf32, #tpu.memory_space<vmem>>, %arg4: memref<128x128xf32, #tpu.memory_space<vmem>>, %arg5: memref<512x16xf32, #tpu.memory_space<vmem>>, %arg6: memref<512x16xf32, #tpu.memory_space<vmem>>, %arg7: memref<2x512x64xf32, #tpu.memory_space<vmem>>) attributes {dimension_semantics = [#tpu.dimension_semantics<arbitrary>], iteration_bounds = array<i64: 20>, scalar_prefetch = 0 : i64, scratch_operands = 0 : i64, tpu.core_type = #tpu.core_type<tc>, window_params = [{transform_indices = @transform_0, window_bounds = array<i64: 2, 512, 64>}, {transform_indices = @transform_1, window_bounds = array<i64: 2, 512, 64>}, {pipeline_mode = #tpu.pipeline_mode<synchronous>, transform_indices = @transform_2, window_bounds = array<i64: 1, 128>}, {pipeline_mode = #tpu.pipeline_mode<synchronous>, transform_indices = @transform_3, window_bounds = array<i64: 128, 128>}, {transform_indices = @transform_4, window_bounds = array<i64: 512, 16>}, {transform_indices = @transform_5, window_bounds = array<i64: 512, 16>}, {transform_indices = @transform_6, window_bounds = array<i64: 2, 512, 64>}]} {
    %get3A = arith.constant 0 : index
    %get3A_0 = arith.constant 0 : index
    %get3A_1 = vector.load %arg5[%get3A, %get3A_0] : memref<512x16xf32, #tpu.memory_space<vmem>>, vector<512x1xf32>
    %get3A_2 = arith.constant 0 : index
    %get3A_3 = arith.constant 0 : index
    %get3A_4 = vector.load %arg6[%get3A_2, %get3A_3] : memref<512x16xf32, #tpu.memory_space<vmem>>, vector<512x1xf32>
    %add3A = arith.addf %get3A_1, %get3A_4 : vector<512x1xf32>
    %add3A_5 = arith.constant 1.000000e+00 : f32
    %add3A_6 = vector.broadcast %add3A_5 : f32 to vector<512x1xf32>
    %add3A_7 = arith.addf %add3A, %add3A_6 : vector<512x1xf32>
    %iota3A = tpu.iota {dimensions = array<i32: 0>} : vector<512x1xi32>
    %mul3A = arith.constant 512 : i32
    %mul3A_8 = arith.muli %arg0, %mul3A : i32
    %add3A_9 = vector.broadcast %mul3A_8 : i32 to vector<512x1xi32>
    %add3A_10 = arith.addi %iota3A, %add3A_9 : vector<512x1xi32>
    %lt3A = arith.constant 10000 : i32
    %lt3A_11 = vector.broadcast %lt3A : i32 to vector<512x1xi32>
    %lt3A_12 = arith.cmpi slt, %add3A_10, %lt3A_11 : vector<512x1xi32>
    %rsqrt3A = math.rsqrt %add3A_7 : vector<512x1xf32>
    %jit3A = arith.constant 0.000000e+00 : f32
    %broadcast_in_dim3A = vector.broadcast %jit3A : f32 to vector<512x1xf32>
    %select_n3A = arith.select %lt3A_12, %rsqrt3A, %broadcast_in_dim3A : vector<512x1xi1>, vector<512x1xf32>
    %get3A_13 = arith.constant 0 : index
    %get3A_14 = arith.constant 0 : index
    %get3A_15 = arith.constant 0 : index
    %get3A_16 = vector.load %arg1[%get3A_13, %get3A_14, %get3A_15] : memref<2x512x64xf32, #tpu.memory_space<vmem>>, vector<1x512x64xf32>
    %get3A_17 = vector.shape_cast %get3A_16 : vector<1x512x64xf32> to vector<512x64xf32>
    %get3A_18 = arith.constant 0 : index
    %get3A_19 = arith.constant 0 : index
    %get3A_20 = arith.constant 0 : index
    %get3A_21 = vector.load %arg2[%get3A_18, %get3A_19, %get3A_20] : memref<2x512x64xf32, #tpu.memory_space<vmem>>, vector<1x512x64xf32>
    %get3A_22 = vector.shape_cast %get3A_21 : vector<1x512x64xf32> to vector<512x64xf32>
    %add3A_23 = arith.addf %get3A_17, %get3A_22 : vector<512x64xf32>
    %get3A_24 = arith.constant 1 : index
    %get3A_25 = arith.constant 0 : index
    %get3A_26 = arith.constant 0 : index
    %get3A_27 = vector.load %arg1[%get3A_24, %get3A_25, %get3A_26] : memref<2x512x64xf32, #tpu.memory_space<vmem>>, vector<1x512x64xf32>
    %get3A_28 = vector.shape_cast %get3A_27 : vector<1x512x64xf32> to vector<512x64xf32>
    %get3A_29 = arith.constant 1 : index
    %get3A_30 = arith.constant 0 : index
    %get3A_31 = arith.constant 0 : index
    %get3A_32 = vector.load %arg2[%get3A_29, %get3A_30, %get3A_31] : memref<2x512x64xf32, #tpu.memory_space<vmem>>, vector<1x512x64xf32>
    %get3A_33 = vector.shape_cast %get3A_32 : vector<1x512x64xf32> to vector<512x64xf32>
    %add3A_34 = arith.addf %get3A_28, %get3A_33 : vector<512x64xf32>
    %concatenate3A = tpu.concatenate %add3A_23, %add3A_34 in 1 : vector<512x64xf32>, vector<512x64xf32> -> vector<512x128xf32>
    %mul3A_35 = vector.broadcast %select_n3A : vector<512x1xf32> to vector<512x128xf32>
    %mul3A_36 = arith.mulf %mul3A_35, %concatenate3A : vector<512x128xf32>
    %get3A_37 = arith.constant 0 : index
    %get3A_38 = arith.constant 0 : index
    %get3A_39 = vector.load %arg3[%get3A_37, %get3A_38] : memref<1x128xf32, #tpu.memory_space<vmem>>, vector<1x128xf32>
    %add3A_40 = vector.broadcast %get3A_39 : vector<1x128xf32> to vector<512x128xf32>
    %add3A_41 = arith.addf %mul3A_36, %add3A_40 : vector<512x128xf32>
    %max3A = arith.constant 0.000000e+00 : f32
    %max3A_42 = vector.broadcast %max3A : f32 to vector<512x128xf32>
    %max3A_43 = arith.maximumf %add3A_41, %max3A_42 : vector<512x128xf32>
    %get3A_44 = arith.constant 0 : index
    %get3A_45 = arith.constant 0 : index
    %get3A_46 = vector.load %arg4[%get3A_44, %get3A_45] : memref<128x128xf32, #tpu.memory_space<vmem>>, vector<128x128xf32>
    %dot_general3A = arith.constant dense<0.000000e+00> : vector<512x128xf32>
    %dot_general3A_47 = tpu.matmul %max3A_43, %get3A_46, %dot_general3A {dimension_numbers = #tpu.dot_dimension_numbers<[1], [0], [0], [1], [0, 0, 1, 1], [], []>, transpose_lhs_hint = false} : vector<512x128xf32>, vector<128x128xf32>, vector<512x128xf32> -> vector<512x128xf32>
    %mul3A_48 = vector.broadcast %select_n3A : vector<512x1xf32> to vector<512x128xf32>
    %mul3A_49 = arith.mulf %dot_general3A_47, %mul3A_48 : vector<512x128xf32>
    %slice3A = vector.extract_strided_slice %mul3A_49 {offsets = [0, 0], sizes = [512, 64], strides = [1, 1]} : vector<512x128xf32> to vector<512x64xf32>
    %swap3A = arith.constant 0 : index
    %swap3A_50 = arith.constant 0 : index
    %swap3A_51 = arith.constant 0 : index
    %swap3A_52 = vector.load %arg7[%swap3A, %swap3A_50, %swap3A_51] : memref<2x512x64xf32, #tpu.memory_space<vmem>>, vector<1x512x64xf32>
    %swap3A_53 = vector.shape_cast %swap3A_52 : vector<1x512x64xf32> to vector<512x64xf32>
    %swap3A_54 = vector.shape_cast %slice3A : vector<512x64xf32> to vector<1x512x64xf32>
    tpu.vector_store %arg7[%swap3A, %swap3A_50, %swap3A_51], %swap3A_54 {strides = array<i32>} : memref<2x512x64xf32, #tpu.memory_space<vmem>>, vector<1x512x64xf32>,
    %slice3A_55 = vector.extract_strided_slice %mul3A_49 {offsets = [0, 64], sizes = [512, 64], strides = [1, 1]} : vector<512x128xf32> to vector<512x64xf32>
    %swap3A_56 = arith.constant 1 : index
    %swap3A_57 = arith.constant 0 : index
    %swap3A_58 = arith.constant 0 : index
    %swap3A_59 = vector.load %arg7[%swap3A_56, %swap3A_57, %swap3A_58] : memref<2x512x64xf32, #tpu.memory_space<vmem>>, vector<1x512x64xf32>
    %swap3A_60 = vector.shape_cast %swap3A_59 : vector<1x512x64xf32> to vector<512x64xf32>
    %swap3A_61 = vector.shape_cast %slice3A_55 : vector<512x64xf32> to vector<1x512x64xf32>
    tpu.vector_store %arg7[%swap3A_56, %swap3A_57, %swap3A_58], %swap3A_61 {strides = array<i32>} : memref<2x512x64xf32, #tpu.memory_space<vmem>>, vector<1x512x64xf32>,
    return
  }
  func.func @transform_0(%arg0: i32) -> (i32, i32, i32) {
    %c0_i32 = arith.constant 0 : i32
    %c0_i32_0 = arith.constant 0 : i32
    %c0_i32_1 = arith.constant 0 : i32
    return %c0_i32, %arg0, %c0_i32_0 : i32, i32, i32
  }
  func.func @transform_1(%arg0: i32) -> (i32, i32, i32) {
    %c0_i32 = arith.constant 0 : i32
    %c0_i32_0 = arith.constant 0 : i32
    %c0_i32_1 = arith.constant 0 : i32
    return %c0_i32, %arg0, %c0_i32_0 : i32, i32, i32
  }
  func.func @transform_2(%arg0: i32) -> (i32, i32) {
    %c0_i32 = arith.constant 0 : i32
    %c0_i32_0 = arith.constant 0 : i32
    %c0_i32_1 = arith.constant 0 : i32
    return %c0_i32, %c0_i32_0 : i32, i32
  }
  func.func @transform_3(%arg0: i32) -> (i32, i32) {
    %c0_i32 = arith.constant 0 : i32
    %c0_i32_0 = arith.constant 0 : i32
    %c0_i32_1 = arith.constant 0 : i32
    return %c0_i32, %c0_i32_0 : i32, i32
  }
  func.func @transform_4(%arg0: i32) -> (i32, i32) {
    %c0_i32 = arith.constant 0 : i32
    %c0_i32_0 = arith.constant 0 : i32
    return %arg0, %c0_i32 : i32, i32
  }
  func.func @transform_5(%arg0: i32) -> (i32, i32) {
    %c0_i32 = arith.constant 0 : i32
    %c0_i32_0 = arith.constant 0 : i32
    return %arg0, %c0_i32 : i32, i32
  }
  func.func @transform_6(%arg0: i32) -> (i32, i32, i32) {
    %c0_i32 = arith.constant 0 : i32
    %c0_i32_0 = arith.constant 0 : i32
    %c0_i32_1 = arith.constant 0 : i32
    return %c0_i32, %arg0, %c0_i32_0 : i32, i32, i32
  }
}

module attributes {stable_mosaic.version = 14 : i64} {
  func.func @_fin_body(%arg0: i32, %arg1: memref<2x512x64xf32, #tpu.memory_space<vmem>>, %arg2: memref<2x512x64xf32, #tpu.memory_space<vmem>>, %arg3: memref<1x128xf32, #tpu.memory_space<vmem>>, %arg4: memref<512x16xf32, #tpu.memory_space<vmem>>, %arg5: memref<512x16xf32, #tpu.memory_space<vmem>>, %arg6: memref<512x128xf32, #tpu.memory_space<vmem>>) attributes {dimension_semantics = [#tpu.dimension_semantics<arbitrary>], iteration_bounds = array<i64: 20>, scalar_prefetch = 0 : i64, scratch_operands = 0 : i64, tpu.core_type = #tpu.core_type<tc>, window_params = [{transform_indices = @transform_0, window_bounds = array<i64: 2, 512, 64>}, {transform_indices = @transform_1, window_bounds = array<i64: 2, 512, 64>}, {pipeline_mode = #tpu.pipeline_mode<synchronous>, transform_indices = @transform_2, window_bounds = array<i64: 1, 128>}, {transform_indices = @transform_3, window_bounds = array<i64: 512, 16>}, {transform_indices = @transform_4, window_bounds = array<i64: 512, 16>}, {transform_indices = @transform_5, window_bounds = array<i64: 512, 128>}]} {
    %get3A = arith.constant 0 : index
    %get3A_0 = arith.constant 0 : index
    %get3A_1 = vector.load %arg4[%get3A, %get3A_0] : memref<512x16xf32, #tpu.memory_space<vmem>>, vector<512x1xf32>
    %get3A_2 = arith.constant 0 : index
    %get3A_3 = arith.constant 0 : index
    %get3A_4 = vector.load %arg5[%get3A_2, %get3A_3] : memref<512x16xf32, #tpu.memory_space<vmem>>, vector<512x1xf32>
    %add3A = arith.addf %get3A_1, %get3A_4 : vector<512x1xf32>
    %add3A_5 = arith.constant 1.000000e+00 : f32
    %add3A_6 = vector.broadcast %add3A_5 : f32 to vector<512x1xf32>
    %add3A_7 = arith.addf %add3A, %add3A_6 : vector<512x1xf32>
    %iota3A = tpu.iota {dimensions = array<i32: 0>} : vector<512x1xi32>
    %mul3A = arith.constant 512 : i32
    %mul3A_8 = arith.muli %arg0, %mul3A : i32
    %add3A_9 = vector.broadcast %mul3A_8 : i32 to vector<512x1xi32>
    %add3A_10 = arith.addi %iota3A, %add3A_9 : vector<512x1xi32>
    %lt3A = arith.constant 10000 : i32
    %lt3A_11 = vector.broadcast %lt3A : i32 to vector<512x1xi32>
    %lt3A_12 = arith.cmpi slt, %add3A_10, %lt3A_11 : vector<512x1xi32>
    %rsqrt3A = math.rsqrt %add3A_7 : vector<512x1xf32>
    %jit3A = arith.constant 0.000000e+00 : f32
    %broadcast_in_dim3A = vector.broadcast %jit3A : f32 to vector<512x1xf32>
    %select_n3A = arith.select %lt3A_12, %rsqrt3A, %broadcast_in_dim3A : vector<512x1xi1>, vector<512x1xf32>
    %get3A_13 = arith.constant 0 : index
    %get3A_14 = arith.constant 0 : index
    %get3A_15 = arith.constant 0 : index
    %get3A_16 = vector.load %arg1[%get3A_13, %get3A_14, %get3A_15] : memref<2x512x64xf32, #tpu.memory_space<vmem>>, vector<1x512x64xf32>
    %get3A_17 = vector.shape_cast %get3A_16 : vector<1x512x64xf32> to vector<512x64xf32>
    %get3A_18 = arith.constant 0 : index
    %get3A_19 = arith.constant 0 : index
    %get3A_20 = arith.constant 0 : index
    %get3A_21 = vector.load %arg2[%get3A_18, %get3A_19, %get3A_20] : memref<2x512x64xf32, #tpu.memory_space<vmem>>, vector<1x512x64xf32>
    %get3A_22 = vector.shape_cast %get3A_21 : vector<1x512x64xf32> to vector<512x64xf32>
    %add3A_23 = arith.addf %get3A_17, %get3A_22 : vector<512x64xf32>
    %get3A_24 = arith.constant 1 : index
    %get3A_25 = arith.constant 0 : index
    %get3A_26 = arith.constant 0 : index
    %get3A_27 = vector.load %arg1[%get3A_24, %get3A_25, %get3A_26] : memref<2x512x64xf32, #tpu.memory_space<vmem>>, vector<1x512x64xf32>
    %get3A_28 = vector.shape_cast %get3A_27 : vector<1x512x64xf32> to vector<512x64xf32>
    %get3A_29 = arith.constant 1 : index
    %get3A_30 = arith.constant 0 : index
    %get3A_31 = arith.constant 0 : index
    %get3A_32 = vector.load %arg2[%get3A_29, %get3A_30, %get3A_31] : memref<2x512x64xf32, #tpu.memory_space<vmem>>, vector<1x512x64xf32>
    %get3A_33 = vector.shape_cast %get3A_32 : vector<1x512x64xf32> to vector<512x64xf32>
    %add3A_34 = arith.addf %get3A_28, %get3A_33 : vector<512x64xf32>
    %concatenate3A = tpu.concatenate %add3A_23, %add3A_34 in 1 : vector<512x64xf32>, vector<512x64xf32> -> vector<512x128xf32>
    %mul3A_35 = vector.broadcast %select_n3A : vector<512x1xf32> to vector<512x128xf32>
    %mul3A_36 = arith.mulf %mul3A_35, %concatenate3A : vector<512x128xf32>
    %get3A_37 = arith.constant 0 : index
    %get3A_38 = arith.constant 0 : index
    %get3A_39 = vector.load %arg3[%get3A_37, %get3A_38] : memref<1x128xf32, #tpu.memory_space<vmem>>, vector<1x128xf32>
    %add3A_40 = vector.broadcast %get3A_39 : vector<1x128xf32> to vector<512x128xf32>
    %add3A_41 = arith.addf %mul3A_36, %add3A_40 : vector<512x128xf32>
    %swap3A = arith.constant 0 : index
    %swap3A_42 = arith.constant 0 : index
    %swap3A_43 = vector.load %arg6[%swap3A, %swap3A_42] : memref<512x128xf32, #tpu.memory_space<vmem>>, vector<512x128xf32>
    tpu.vector_store %arg6[%swap3A, %swap3A_42], %add3A_41 {strides = array<i32>} : memref<512x128xf32, #tpu.memory_space<vmem>>, vector<512x128xf32>,
    return
  }
  func.func @transform_0(%arg0: i32) -> (i32, i32, i32) {
    %c0_i32 = arith.constant 0 : i32
    %c0_i32_0 = arith.constant 0 : i32
    %c0_i32_1 = arith.constant 0 : i32
    return %c0_i32, %arg0, %c0_i32_0 : i32, i32, i32
  }
  func.func @transform_1(%arg0: i32) -> (i32, i32, i32) {
    %c0_i32 = arith.constant 0 : i32
    %c0_i32_0 = arith.constant 0 : i32
    %c0_i32_1 = arith.constant 0 : i32
    return %c0_i32, %arg0, %c0_i32_0 : i32, i32, i32
  }
  func.func @transform_2(%arg0: i32) -> (i32, i32) {
    %c0_i32 = arith.constant 0 : i32
    %c0_i32_0 = arith.constant 0 : i32
    %c0_i32_1 = arith.constant 0 : i32
    return %c0_i32, %c0_i32_0 : i32, i32
  }
  func.func @transform_3(%arg0: i32) -> (i32, i32) {
    %c0_i32 = arith.constant 0 : i32
    %c0_i32_0 = arith.constant 0 : i32
    return %arg0, %c0_i32 : i32, i32
  }
  func.func @transform_4(%arg0: i32) -> (i32, i32) {
    %c0_i32 = arith.constant 0 : i32
    %c0_i32_0 = arith.constant 0 : i32
    return %arg0, %c0_i32 : i32, i32
  }
  func.func @transform_5(%arg0: i32) -> (i32, i32) {
    %c0_i32 = arith.constant 0 : i32
    %c0_i32_0 = arith.constant 0 : i32
    return %arg0, %c0_i32 : i32, i32
  }
}

</mosaic_0001>

<sc_bundles>
// kernel: kernel.12.cloned.1.call-start
scs
__scs_entry_jumppad:
0x0: {  	(pc) =	sbr.rel $0x88, $3  }
0x1: {  	(tag) =	ssettag $0x0;
	lr =	simm.s32 $0x1  }
0x2: {  	[smem:$0x3F9B] =	sst lr;
	_ =	strace $0xD0000000  }
0x3: {  	_ = 	snop  }
0x4: {  	_ = 	snop  }
0x5: {  	_ = 	snop  }
0x6: {  	_ = 	snop  }
0x7: {  	_ = 	snop  }
__scs_overlays_trampoline_lowered:
0x8: {  	[smem:$0x3FAA] =	sst s0  }
0x9: {  	[smem:$0x3FAB] =	sst s1  }
0xa: {  	[smem:$0x3FAC] =	sst s2  }
0xb: {  	[smem:$0x3FAD] =	sst s3  }
0xc: {  	[smem:$0x3FAE] =	sst s4  }
0xd: {  	[smem:$0x3FAF] =	sst s5  }
0xe: {  	[smem:$0x3FB0] =	sst s6  }
0xf: {  	[smem:$0x3FB1] =	sst s7  }
0x10: {  	[smem:$0x3FB2] =	sst s8  }
0x11: {  	[smem:$0x3FB3] =	sst s9;
	s0 =	simm.s32 @!p0 $0x0  }
0x12: {  	s1 =	sld [smem:$0x3F99];
	s0 =	simm.s32 @p0 $0x1  }
0x13: {  	[smem:$0x3FB4] =	sst s0;
	s0 =	simm.s32 @!p1 $0x0  }
0x14: {  	s2 =	sld [smem:$0x3F98];
	s0 =	simm.s32 @p1 $0x1  }
0x15: {  	[smem:$0x3FB5] =	sst s0;
	s0 =	simm.s32 @!p2 $0x0  }
0x16: {  	s3 =	sld [smem:$0x3FDB];
	s0 =	simm.s32 @p2 $0x1  }
0x17: {  	s4 =	simm.s32 $0x1BF5;
	[smem:$0x3FB7] =	sst s0  }
0x18: {  	s0 =	sld [smem:$0x3F9A];
	_ =	swait.ge [sflag:s4], $0x0  }
0x19: {  	s7 =	sld [smem:$0x3F9B]  }
0x1a: {  	s8 =	sadd.s32 $0xFFFFE003, lr  }
0x1b: {  	s9 =	sadd.s32 $0xFFFFFEF7, lr;
	s5 =	simm.s32 $0xFFFFFFFF;
	p2 =	slt.u32 s8, $0xFFFFF086  }
0x1c: {  	p1 =	slt.u32 s9, $0xF7A;
	s5 =	simm.s32 @!p2 $0x0  }
0x1d: {  	s5 =	simm.s32 @p1 $0x1;
	p0 =	seq.s32 s7, s2  }
0x1e: {  	s7 =	smul.u32 @!p0 $0xF7A, s2;
	p2 =	seq.s32 @!p0 s5, $0x0  }
0x1f: {  	s9 =	smul.u32 $0xF7A, s1;
	s8 =	simm.s32 @!p0 $0x1BF5;
	p2 =	por !p2, p0  }
0x20: {  	[sflag:s8] =	ssyncset.s32 @!p0 $0xFFFFF086;
	s6 =	sadd.s32 @!p0 s3, s7;
	s7 =	simm.s32 @!p0 $0x108  }
0x21: {  	s3 =	sadd.s32 s3, s9;
	s6 =	sadd.s32 @!p0 $0x88, s6;
	s7 =	simm.s32 @p2 $0x1082  }
0x22: {  	[simem:s7], [sflag:s8] =	dma.local @!p0 [hbm:s6], $0xF7A  }
0x23: {  	s9 =	sor.u32 $0xD0000000, s2;
	s6 =	simm.s32 $0x108;
	_ =	swait.ge @!p0 [sflag:s8], $0x0  }
0x24: {  	s3 =	sadd.s32 $0x88, s3;
	s6 =	simm.s32 @!p1 $0x1082;
	[sflag:s4] =	ssyncset.s32 $0xFFFFF086  }
0x25: {  	[simem:s6], [sflag:s4] =	dma.local [hbm:s3], $0xF7A  }
0x26: {  	[smem:$0x3F9B] =	sst s1;
	(tag) =	ssettag s2;
	_ =	strace s9  }
0x27: {  	s1 =	sld [smem:$0x3FAB]  }
0x28: {  	s2 =	sld [smem:$0x3FAC]  }
0x29: {  	s4 =	sld [smem:$0x3FAE]  }
0x2a: {  	p0 =	seq.s32 s5, $0x0;
	s5 =	sld [smem:$0x3FAF]  }
0x2b: {  	s6 =	sld [smem:$0x3FB0]  }
0x2c: {  	s7 =	sld [smem:$0x3FB1]  }
0x2d: {  	s3 =	simm.s32 $0x108;
	s8 =	sld [smem:$0x3FB2]  }
0x2e: {  	s3 =	simm.s32 @!p0 $0x1082;
	s9 =	sld [smem:$0x3FB3]  }
0x2f: {  	lr =	sadd.s32 s0, s3;
	s0 =	sld [smem:$0x3FAA]  }
0x30: {  	s3 =	sld [smem:$0x3FAD]  }
0x31: {  	[smem:$0x3FB6] =	sst s10  }
0x32: {  	s10 =	sld [smem:$0x3FB4];
	_ =	sdelay $0x3  }
0x33: {  	p0 =	seq.s32 s10, $0x1;
	s10 =	sld [smem:$0x3FB6];
	_ =	sdelay $0x3  }
0x34: {  	[smem:$0x3FB6] =	sst s10  }
0x35: {  	s10 =	sld [smem:$0x3FB5];
	_ =	sdelay $0x3  }
0x36: {  	p1 =	seq.s32 s10, $0x1;
	s10 =	sld [smem:$0x3FB6];
	_ =	sdelay $0x3  }
0x37: {  	[smem:$0x3FB6] =	sst s10  }
0x38: {  	s10 =	sld [smem:$0x3FB7]  }
0x39: {  	_ = 	snop;
	(pc) =	sbr.ind lr, $3  }
0x3a: {  	_ = 	snop  }
0x3b: {  	_ = 	snop  }
0x3c: {  	p2 =	seq.s32 s10, $0x1;
	s10 =	sld [smem:$0x3FB6]  }
0x3d: {  	_ =	shalt  }
0x3e: {  	_ =	shalt  }
0x3f: {  	_ =	shalt  }
0x40: {  	_ =	shalt  }
0x41: {  	_ =	shalt  }
0x42: {  	_ =	shalt  }
0x43: {  	_ =	shalt  }
0x44: {  	_ =	shalt  }
0x45: {  	_ =	shalt  }
0x46: {  	_ =	shalt  }
0x47: {  	_ =	shalt  }
0x48: {  	_ =	shalt  }
0x49: {  	_ =	shalt  }
0x4a: {  	_ =	shalt  }
0x4b: {  	_ =	shalt  }
0x4c: {  	_ =	shalt  }
0x4d: {  	_ =	shalt  }
0x4e: {  	_ =	shalt  }
0x4f: {  	_ =	shalt  }
0x50: {  	_ =	shalt  }
0x51: {  	_ =	shalt  }
0x52: {  	_ =	shalt  }
0x53: {  	_ =	shalt  }
0x54: {  	_ =	shalt  }
0x55: {  	_ =	shalt  }
0x56: {  	_ =	shalt  }
0x57: {  	_ =	shalt  }
0x58: {  	_ =	shalt  }
0x59: {  	_ =	shalt  }
0x5a: {  	_ =	shalt  }
0x5b: {  	_ =	shalt  }
0x5c: {  	_ =	shalt  }
0x5d: {  	_ =	shalt  }
0x5e: {  	_ =	shalt  }
0x5f: {  	_ =	shalt  }
0x60: {  	_ =	shalt  }
0x61: {  	_ =	shalt  }
0x62: {  	_ =	shalt  }
0x63: {  	_ =	shalt  }
0x64: {  	_ =	shalt  }
0x65: {  	_ =	shalt  }
0x66: {  	_ =	shalt  }
0x67: {  	_ =	shalt  }
0x68: {  	_ =	shalt  }
0x69: {  	_ =	shalt  }
0x6a: {  	_ =	shalt  }
0x6b: {  	_ =	shalt  }
0x6c: {  	_ =	shalt  }
0x6d: {  	_ =	shalt  }
0x6e: {  	_ =	shalt  }
0x6f: {  	_ =	shalt  }
0x70: {  	_ =	shalt  }
0x71: {  	_ =	shalt  }
0x72: {  	_ =	shalt  }
0x73: {  	_ =	shalt  }
0x74: {  	_ =	shalt  }
0x75: {  	_ =	shalt  }
0x76: {  	_ =	shalt  }
0x77: {  	_ =	shalt  }
0x78: {  	_ =	shalt  }
0x79: {  	_ =	shalt  }
0x7a: {  	_ =	shalt  }
0x7b: {  	_ =	shalt  }
0x7c: {  	_ =	shalt  }
0x7d: {  	_ =	shalt  }
0x7e: {  	_ =	shalt  }
0x7f: {  	_ =	shalt  }
0x80: {  	_ =	shalt  }
0x81: {  	_ =	shalt  }
0x82: {  	_ =	shalt  }
0x83: {  	_ =	shalt  }
0x84: {  	_ =	shalt  }
0x85: {  	_ =	shalt  }
0x86: {  	_ =	shalt  }
0x87: {  	_ =	shalt  }
.Lfunc_end0:
.L_simem_size_0:
called_computation.1_lowered:
.L_overlay_start_0:
0x88: {  	s2 =	sld [smem:$0x3FD9]  }
0x89: {  	s3 =	sld [smem:$0x3FFE];
	_ =	sdelay $0x1  }
0x8a: {  	s1 =	srdreg.scid  }
0x8b: {  	s0 =	sand.u32 $0x1, s1  }
0x8c: {  	s17 =	sshll.u32 s0, $0xA;
	s2 =	sadd.s32 s3, s2  }
0x8d: {  	s2 =	sadd.s32 s2, s17  }
0x8e: {  	[smem:$0x3FC2] =	sst s2  }
0x8f: {  	_ = 	snop  }
0x90: {  	s2 =	sld [smem:$0x3FD0];
	(tm) =	ssettm $0x1  }
0x91: {  	s18 =	sld [smem:$0x3FFB];
	_ =	sdelay $0x3  }
0x92: {  	_ =	strace s18  }
0x93: {  	s3 =	sld [smem:$0x3FFC];
	_ =	sdelay $0x3  }
0x94: {  	_ =	strace s3  }
0x95: {  	s3 =	sld [smem:$0x3FFD];
	_ =	sdelay $0x3  }
0x96: {  	_ =	strace s3  }
0x97: {  	_ =	strace $0x8FFFFFFF  }
0x98: {  	s19 =	sld [smem:$0x3FDB];
	_ =	sdelay $0x1  }
0x99: {  	s4 =	simm.s32 $_scs_section_size  }
0x9a: {  	s5 =	simm.s32 $_size__tile_overlayer_lowered;
	s6 =	simm.s32 $_tile_overlayer_lowered  }
0x9b: {  	s22 =	simm.s32 $0x1BFF;
	s21 =	sshll.u32 s6, $0x1;
	s3 =	sadd.s32 s4, s19  }
0x9c: {  	s7 =	simm.s32 $0x0;
	s20 =	sshll.u32 s5, $0x1;
	s5 =	sadd.s32 s21, s3  }
0x9d: {  	[timem:s7], [sflag:s22] =	dma.local [hbm:s5], s20  }
0x9e: {  	_ =	swait.ge [sflag:s22], s20  }
0x9f: {  	s4 =	ssub.s32 $0x0, s20;
	[sflag:s22] =	ssyncset.done $0x0  }
0xa0: {  	[sflag:s22] =	ssyncadd.s32 s4;
	_ =	sdelay $0x1  }
0xa1: {  	s23 =	simm.s32 $0x1B8B  }
0xa2: {  	_ =	swait.ge [sflag:s23], $0x1  }
0xa3: {  	[sflag:s23] =	ssyncset.done $0x0  }
0xa4: {  	s25 =	simm.s32 $0x1B8E;
	s24 =	sld [smem:$0x3FFE];
	[sflag:s23] =	ssyncadd.s32 $0xFFFFFFFF  }
0xa5: {  	s26 =	simm.s32 $execute0_lowered;
	[smem:$0x3FD2] =	sst s25  }
0xa6: {  	s5 =	sshll.u32 s26, $0x1;
	_ =	strace $0x80000049;
	[dreg:$0x1] =	wrdreg $0xFFFFFFFF  }
0xa7: {  	s28 =	simm.s32 $_size_execute0_lowered;
	s3 =	sadd.s32 s3, s5;
	[dreg:$0x0] =	wrdreg $0x0  }
0xa8: {  	s5 =	sshll.u32 s28, $0x1;
	[dreg:$0x2] =	wrdreg s3  }
0xa9: {  	[dreg:$0x3] =	wrdreg s5  }
0xaa: {  	[dreg:$0x4] =	wrdreg $0xC0  }
0xab: {  	_ =	task [dreg:s7], $0x5FFFF  }
0xac: {  	[dreg:$0x1] =	wrdreg $0xFFFFFFFF  }
0xad: {  	[dreg:$0x0] =	wrdreg $0x60  }
0xae: {  	[dreg:$0x2] =	wrdreg s24  }
0xaf: {  	[dreg:$0x3] =	wrdreg s2  }
0xb0: {  	[dreg:$0x4] =	wrdreg $0x140000  }
0xb1: {  	[dreg:$0x5] =	wrdreg $0x9  }
0xb2: {  	_ =	task.clear_ibuf [dreg:s7], $0x6FFFF;
	_ =	strace $0x90000049  }
0xb3: {  	s29 =	simm.s32 $0x9;
	_ =	strace $0x8000004B  }
0xb4: {  	_ =	swait.ge [sflag:s29], $0x1  }
0xb5: {  	[sflag:s29] =	ssyncadd.s32 $0xFFFFFFFF  }
0xb6: {  	_ =	strace $0x9000004B  }
0xb7: {  	_ =	sfence  }
0xb8: {  	s30 =	sld [smem:$0x0];
	_ =	sdelay $0x2  }
0xb9: {  	s31 =	sshll.u32 s1, $0xD;
	s1 =	sshrl.u32 s1, $0x2  }
0xba: {  	s3 =	sand.u32 $0x4000, s31;
	s1 =	sadd.s32 s1, s30  }
0xbb: {  	s0 =	sor.u32 s3, s0;
	s1 =	sshll.u32 s1, $0x11  }
0xbc: {  	s0 =	sor.u32 s1, s0  }
0xbd: {  	s0 =	sadd.s32 $0x8F2B, s0  }
0xbe: {  	[sflag:s0] =	ssyncadd.remote.s32 $0x1  }
0xbf: {  	_ =	sfence.sel $0xFFFF  }
0xc0: {  	[dreg:$0x0] =	wrdreg $0xFFFFFFFF;
	(pc) =	sbr.abs _section_cstart, $3  }
0xc1: {  	[dreg:$0x1] =	wrdreg $0xFFFFFFFF  }
0xc2: {  	_ =	task.clear_ibuf [dreg:s7], $0x2FFFF;
	_ =	strace $0x9FFFFFFF  }
0xc3: {  	(tm) =	ssettm $0x7FFFFFFF  }
tec
execute0_lowered:
.L_overlay_start_1:
0x0: {  	(tag) =	ssettag $0x1  }
0x1: {  	s0 =	rddreg [dreg:$0x0]  }
0x2: {  	s1 =	rddreg [dreg:$0x1];
	s3 =	srdreg.scid  }
0x3: {  	s2 =	rddreg [dreg:$0x2];
	s8 =	stileid.u32  }
0x4: {  	s14 =	simm.s32 $0xA000;
	s15 =	simm.s32 $0xB;
	s16 =	simm.s32 $0x5000  }
0x5: {  	s17 =	simm.s32 $0x80;
	s18 =	simm.s32 $0xC000;
	s20 =	simm.s32 $0xE000  }
0x6: {  	s22 =	simm.s32 $0x10000;
	s23 =	simm.s32 $0x1;
	s28 =	simm.s32 $0x2  }
0x7: {  	s30 =	simm.s32 $0x6;
	s31 =	simm.s32 $0x3;
	s6 =	smul.u32 $0xA00, s8  }
0x8: {  	s19 =	simm.s32 $0x8;
	s21 =	simm.s32 $0x5;
	s9 =	smul.u32 $0xA000, s8  }
0x9: {  	s4 =	sand.u32 $0x1, s3;
	s3 =	simm.s32 $0x0;
	s8 =	smul.u32 $0x28000, s8  }
0xa: {  	s29 =	simm.s32 $0xA;
	s5 =	smul.u32 $0xA0000, s4;
	[smem:$0x7FF] =	sst s3  }
0xb: {  	s4 =	ssub.s32 $0x2, s4;
	_ =	strace $0x8000004A;
	s10 =	sadd.s32 s6, s0  }
0xc: {  	s11 =	sshrl.u32 s4, $0x1;
	s8 =	sshrl.u32 s8, $0x2;
	s1 =	sadd.s32 s1, s6  }
0xd: {  	s26 =	sadd.s32 s9, s2;
	s7 =	sshrl.u32 s5, $0x3;
	s5 =	sadd.s32 s9, s5  }
0xe: {  	s24 =	ssub.s32 s4, s11;
	s4 =	sadd.s32 s8, s2;
	s25 =	sadd.s32 $0x51800, s10  }
0xf: {  	[dreg:$0x5] =	wrdreg s1;
	s1 =	simm.s32 $0x4;
	s7 =	sadd.s32 s7, s0  }
0x10: {  	s5 =	sshrl.u32 s5, $0x3;
	[dreg:$0x4] =	wrdreg s25;
	s9 =	smax.u32 s24, $0x1  }
0x11: {  	s10 =	sadd.s32 $0x2000, s4;
	s11 =	sadd.s32 $0x4000, s4;
	s12 =	sadd.s32 $0x6000, s4  }
0x12: {  	s13 =	sadd.s32 $0x8000, s4;
	s25 =	sshrl.u32 s26, $0x3;
	s0 =	sadd.s32 s5, s0  }
0x13: {  	s26 =	simm.s32 $0x12000;
	s24 =	simm.s32 $0x9;
	s0 =	sadd.s32 $0x83800, s0  }
0x14: {  	v0 =	vimm.f32 $0.0e+00;
	s7 =	sadd.s32 $0x5B800, s7;
	[dreg:$0x6] =	wrdreg s0;
	s0 =	simm.s32 $0x7  }
.LBB2_1:
0x15: {  	s6 =	simm.s32 $0x100;
	s5 =	simm.s32 $0x0  }
.LBB2_2:
0x16: {  	p0 =	sne.s32 s6, $0x7F00;
	[tilespmem:s5+$0xA030] =	vst v0;
	s8 =	smov.u32 s6;
	s6 =	sadd.s32 $0x100, s6  }
.Ltmp0:
0x17: {  	[tilespmem:s5+$0xA020] =	vst v0;
	(pc) =	sbr.rel @p0 .LBB2_2-.Ltmp0, $3  }
0x18: {  	[tilespmem:s5+$0xA000] =	vst v0  }
0x19: {  	[tilespmem:s5+$0xA010] =	vst v0;
	_ =	sdelay $0x1  }
0x1a: {  	s5 =	sshra.s32 s8, $0x2  }
0x1b: {  	[tilespmem:s5+$0xA030] =	vst v0  }
0x1c: {  	[tilespmem:s5+$0xA020] =	vst v0  }
0x1d: {  	[tilespmem:s5+$0xA000] =	vst v0  }
0x1e: {  	[tilespmem:s5+$0xA010] =	vst v0  }
0x1f: {  	[spmem:s4] =	stream.linear.scatter [tilespmem:s14], [sflag:$0xB], $0x2000, $0x38;
	[tilespmem:$0x1E000] =	vst v63  }
0x20: {  	_ =	swait.ge [sflag:s15], $0x2000  }
0x21: {  	[sflag:s15] =	ssyncset.done $0x0  }
0x22: {  	[sflag:s15] =	ssyncadd.s32 $0xFFFFE000  }
0x23: {  	[spmem:s10] =	stream.linear.scatter [tilespmem:s14], [sflag:$0xB], $0x2000, $0x38;
	[tilespmem:$0x1E000] =	vst v63  }
0x24: {  	_ =	swait.ge [sflag:s15], $0x2000  }
0x25: {  	[sflag:s15] =	ssyncset.done $0x0  }
0x26: {  	[sflag:s15] =	ssyncadd.s32 $0xFFFFE000  }
0x27: {  	[spmem:s11] =	stream.linear.scatter [tilespmem:s14], [sflag:$0xB], $0x2000, $0x38;
	[tilespmem:$0x1E000] =	vst v63  }
0x28: {  	_ =	swait.ge [sflag:s15], $0x2000  }
0x29: {  	[sflag:s15] =	ssyncset.done $0x0  }
0x2a: {  	[sflag:s15] =	ssyncadd.s32 $0xFFFFE000  }
0x2b: {  	[spmem:s12] =	stream.linear.scatter [tilespmem:s14], [sflag:$0xB], $0x2000, $0x38;
	[tilespmem:$0x1E000] =	vst v63  }
0x2c: {  	_ =	swait.ge [sflag:s15], $0x2000  }
0x2d: {  	[sflag:s15] =	ssyncset.done $0x0  }
0x2e: {  	[sflag:s15] =	ssyncadd.s32 $0xFFFFE000  }
0x2f: {  	[spmem:s13] =	stream.linear.scatter [tilespmem:s14], [sflag:$0xB], $0x2000, $0x38;
	[tilespmem:$0x1E000] =	vst v63  }
0x30: {  	_ =	swait.ge [sflag:s15], $0x2000  }
0x31: {  	[sflag:s15] =	ssyncset.done $0x0  }
0x32: {  	s5 =	simm.s32 $0x0;
	s6 =	rddreg [dreg:$0x4];
	[sflag:s15] =	ssyncadd.s32 $0xFFFFE000  }
0x33: {  	[tilespmem:s5], [sflag:$0xB] =	stream.linear.gather [hbm4b:s6+s5], $0x5000, $0x38;
	[tilespmem:$0x1E000] =	vst v63  }
0x34: {  	_ =	swait.ge [sflag:s15], $0x5000  }
0x35: {  	[sflag:s15] =	ssyncset.done $0x0  }
0x36: {  	s8 =	rddreg [dreg:$0x5];
	[sflag:s15] =	ssyncadd.s32 $0xFFFFB000  }
0x37: {  	[tilespmem:s16], [sflag:$0xB] =	stream.linear.gather [hbm4b:s8+s5], $0x5000, $0x38;
	[tilespmem:$0x1E000] =	vst v63  }
0x38: {  	_ =	swait.ge [sflag:s15], $0x5000  }
0x39: {  	[sflag:s15] =	ssyncset.done $0x0  }
0x3a: {  	[sflag:s15] =	ssyncadd.s32 $0xFFFFB000  }
0x3b: {  	[bflag:$0x0] =	sbarrier.arrive $0xFFFF  }
0x3c: {  	[tilespmem:s14], [sflag:$0x1] =	stream.indirect.gather [hbm4b:s7+s17], $0x40, s5, s17, $0xb8;
	[tilespmem:$0x1E000] =	vst v63  }
0x3d: {  	_ = 	snop  }
0x3e: {  	[tilespmem:s18], [sflag:$0x2] =	stream.indirect.gather [hbm4b:s7+s17], $0x40, s17, s17, $0xb8;
	[tilespmem:$0x1E000] =	vst v63  }
0x3f: {  	s8 =	simm.s32 $0x100  }
0x40: {  	[tilespmem:s20], [sflag:$0x3] =	stream.indirect.gather [hbm4b:s7+s17], $0x40, s8, s17, $0xb8;
	[tilespmem:$0x1E000] =	vst v63  }
0x41: {  	s6 =	simm.s32 $0x180  }
0x42: {  	[tilespmem:s22], [sflag:$0x4] =	stream.indirect.gather [hbm4b:s7+s17], $0x40, s6, s17, $0xb8;
	[tilespmem:$0x1E000] =	vst v63  }
0x43: {  	_ =	swait.ge [sflag:s23], $0x2000  }
0x44: {  	[sflag:s23] =	ssyncset.done $0x0  }
0x45: {  	[sflag:s23] =	ssyncadd.s32 $0xFFFFE000  }
0x46: {  	[spmem:s2] =	stream.indirect.scatter.add.f32 [tilespmem:s14], [sflag:$0x6], $0x40, s16, s17, $0xb8;
	[tilespmem:$0x1E000] =	vst v63  }
0x47: {  	s8 =	simm.s32 $0x200  }
0x48: {  	[tilespmem:s26], [sflag:$0x5] =	stream.indirect.gather [hbm4b:s7+s17], $0x40, s8, s17, $0xb8;
	[tilespmem:$0x1E000] =	vst v63  }
0x49: {  	_ =	swait.ge [sflag:s28], $0x2000  }
0x4a: {  	[sflag:s28] =	ssyncset.done $0x0  }
0x4b: {  	s6 =	simm.s32 $0x5080;
	[sflag:s28] =	ssyncadd.s32 $0xFFFFE000  }
0x4c: {  	[spmem:s2] =	stream.indirect.scatter.add.f32 [tilespmem:s18], [sflag:$0x7], $0x40, s6, s17, $0xb8;
	[tilespmem:$0x1E000] =	vst v63  }
0x4d: {  	_ =	swait.ge [sflag:s30], $0x2000  }
0x4e: {  	[sflag:s30] =	ssyncset.done $0x0  }
0x4f: {  	s8 =	simm.s32 $0x280;
	[sflag:s30] =	ssyncadd.s32 $0xFFFFE000  }
0x50: {  	[tilespmem:s14], [sflag:$0x1] =	stream.indirect.gather [hbm4b:s7+s17], $0x40, s8, s17, $0xb8;
	[tilespmem:$0x1E000] =	vst v63  }
0x51: {  	_ =	swait.ge [sflag:s31], $0x2000  }
0x52: {  	[sflag:s31] =	ssyncset.done $0x0  }
0x53: {  	s6 =	simm.s32 $0x5100;
	[sflag:s31] =	ssyncadd.s32 $0xFFFFE000  }
0x54: {  	[spmem:s2] =	stream.indirect.scatter.add.f32 [tilespmem:s20], [sflag:$0x8], $0x40, s6, s17, $0xb8;
	[tilespmem:$0x1E000] =	vst v63  }
0x55: {  	_ =	swait.ge [sflag:s0], $0x2000  }
0x56: {  	[sflag:s0] =	ssyncset.done $0x0  }
0x57: {  	s8 =	simm.s32 $0x300;
	[sflag:s0] =	ssyncadd.s32 $0xFFFFE000  }
0x58: {  	[tilespmem:s18], [sflag:$0x2] =	stream.indirect.gather [hbm4b:s7+s17], $0x40, s8, s17, $0xb8;
	[tilespmem:$0x1E000] =	vst v63  }
0x59: {  	_ =	swait.ge [sflag:s1], $0x2000  }
0x5a: {  	[sflag:s1] =	ssyncset.done $0x0  }
0x5b: {  	s6 =	simm.s32 $0x5180;
	[sflag:s1] =	ssyncadd.s32 $0xFFFFE000  }
0x5c: {  	[spmem:s2] =	stream.indirect.scatter.add.f32 [tilespmem:s22], [sflag:$0x9], $0x40, s6, s17, $0xb8;
	[tilespmem:$0x1E000] =	vst v63  }
0x5d: {  	_ =	swait.ge [sflag:s19], $0x2000  }
0x5e: {  	[sflag:s19] =	ssyncset.done $0x0  }
0x5f: {  	s8 =	simm.s32 $0x380;
	[sflag:s19] =	ssyncadd.s32 $0xFFFFE000  }
0x60: {  	[tilespmem:s20], [sflag:$0x3] =	stream.indirect.gather [hbm4b:s7+s17], $0x40, s8, s17, $0xb8;
	[tilespmem:$0x1E000] =	vst v63  }
0x61: {  	_ =	swait.ge [sflag:s21], $0x2000  }
0x62: {  	[sflag:s21] =	ssyncset.done $0x0  }
0x63: {  	s6 =	simm.s32 $0x5200;
	[sflag:s21] =	ssyncadd.s32 $0xFFFFE000  }
0x64: {  	[spmem:s2] =	stream.indirect.scatter.add.f32 [tilespmem:s26], [sflag:$0xA], $0x40, s6, s17, $0xb8;
	[tilespmem:$0x1E000] =	vst v63  }
0x65: {  	_ =	swait.ge [sflag:s24], $0x2000  }
0x66: {  	[sflag:s24] =	ssyncset.done $0x0  }
0x67: {  	s8 =	simm.s32 $0x400;
	[sflag:s24] =	ssyncadd.s32 $0xFFFFE000  }
0x68: {  	[tilespmem:s22], [sflag:$0x4] =	stream.indirect.gather [hbm4b:s7+s17], $0x40, s8, s17, $0xb8;
	[tilespmem:$0x1E000] =	vst v63  }
0x69: {  	_ =	swait.ge [sflag:s23], $0x2000  }
0x6a: {  	[sflag:s23] =	ssyncset.done $0x0  }
0x6b: {  	s6 =	simm.s32 $0x5280;
	[sflag:s23] =	ssyncadd.s32 $0xFFFFE000  }
0x6c: {  	[spmem:s2] =	stream.indirect.scatter.add.f32 [tilespmem:s14], [sflag:$0x6], $0x40, s6, s17, $0xb8;
	[tilespmem:$0x1E000] =	vst v63  }
0x6d: {  	_ =	swait.ge [sflag:s29], $0x2000  }
0x6e: {  	[sflag:s29] =	ssyncset.done $0x0  }
0x6f: {  	s8 =	simm.s32 $0x480;
	[sflag:s29] =	ssyncadd.s32 $0xFFFFE000  }
0x70: {  	[tilespmem:s26], [sflag:$0x5] =	stream.indirect.gather [hbm4b:s7+s17], $0x40, s8, s17, $0xb8;
	[tilespmem:$0x1E000] =	vst v63  }
0x71: {  	_ =	swait.ge [sflag:s28], $0x2000  }
0x72: {  	[sflag:s28] =	ssyncset.done $0x0  }
0x73: {  	s5 =	simm.s32 $0xA00;
	s6 =	simm.s32 $0x5300;
	[sflag:s28] =	ssyncadd.s32 $0xFFFFE000  }
.LBB2_4:
0x74: {  	[spmem:s2] =	stream.indirect.scatter.add.f32 [tilespmem:s18], [sflag:$0x7], $0x40, s6, s17, $0xb8;
	[tilespmem:$0x1E000] =	vst v63  }
0x75: {  	s6 =	smov.u32 s5  }
0x76: {  	p0 =	sne.s32 s5, $0x12C00;
	s5 =	sadd.s32 $0xA00, s5;
	_ =	swait.ge [sflag:s30], $0x2000  }
0x77: {  	s6 =	sshra.s32 s6, $0x2;
	[sflag:s30] =	ssyncset.done $0x0  }
0x78: {  	s8 =	sadd.s32 $0x280, s6;
	[sflag:s30] =	ssyncadd.s32 $0xFFFFE000  }
0x79: {  	[tilespmem:s14], [sflag:$0x1] =	stream.indirect.gather [hbm4b:s7+s17], $0x40, s8, s17, $0xb8;
	[tilespmem:$0x1E000] =	vst v63  }
0x7a: {  	_ =	swait.ge [sflag:s31], $0x2000  }
0x7b: {  	[sflag:s31] =	ssyncset.done $0x0  }
0x7c: {  	s8 =	sadd.s32 $0x5100, s6;
	[sflag:s31] =	ssyncadd.s32 $0xFFFFE000  }
0x7d: {  	[spmem:s2] =	stream.indirect.scatter.add.f32 [tilespmem:s20], [sflag:$0x8], $0x40, s8, s17, $0xb8;
	[tilespmem:$0x1E000] =	vst v63  }
0x7e: {  	_ =	swait.ge [sflag:s0], $0x2000  }
0x7f: {  	[sflag:s0] =	ssyncset.done $0x0  }
0x80: {  	s8 =	sadd.s32 $0x300, s6;
	[sflag:s0] =	ssyncadd.s32 $0xFFFFE000  }
0x81: {  	[tilespmem:s18], [sflag:$0x2] =	stream.indirect.gather [hbm4b:s7+s17], $0x40, s8, s17, $0xb8;
	[tilespmem:$0x1E000] =	vst v63  }
0x82: {  	_ =	swait.ge [sflag:s1], $0x2000  }
0x83: {  	[sflag:s1] =	ssyncset.done $0x0  }
0x84: {  	s8 =	sadd.s32 $0x5180, s6;
	[sflag:s1] =	ssyncadd.s32 $0xFFFFE000  }
0x85: {  	[spmem:s2] =	stream.indirect.scatter.add.f32 [tilespmem:s22], [sflag:$0x9], $0x40, s8, s17, $0xb8;
	[tilespmem:$0x1E000] =	vst v63  }
0x86: {  	_ =	swait.ge [sflag:s19], $0x2000  }
0x87: {  	[sflag:s19] =	ssyncset.done $0x0  }
0x88: {  	s8 =	sadd.s32 $0x380, s6;
	[sflag:s19] =	ssyncadd.s32 $0xFFFFE000  }
0x89: {  	[tilespmem:s20], [sflag:$0x3] =	stream.indirect.gather [hbm4b:s7+s17], $0x40, s8, s17, $0xb8;
	[tilespmem:$0x1E000] =	vst v63  }
0x8a: {  	_ =	swait.ge [sflag:s21], $0x2000  }
0x8b: {  	[sflag:s21] =	ssyncset.done $0x0  }
0x8c: {  	s8 =	sadd.s32 $0x5200, s6;
	[sflag:s21] =	ssyncadd.s32 $0xFFFFE000  }
0x8d: {  	[spmem:s2] =	stream.indirect.scatter.add.f32 [tilespmem:s26], [sflag:$0xA], $0x40, s8, s17, $0xb8;
	[tilespmem:$0x1E000] =	vst v63  }
0x8e: {  	_ =	swait.ge [sflag:s24], $0x2000  }
0x8f: {  	[sflag:s24] =	ssyncset.done $0x0  }
0x90: {  	s8 =	sadd.s32 $0x400, s6;
	[sflag:s24] =	ssyncadd.s32 $0xFFFFE000  }
0x91: {  	[tilespmem:s22], [sflag:$0x4] =	stream.indirect.gather [hbm4b:s7+s17], $0x40, s8, s17, $0xb8;
	[tilespmem:$0x1E000] =	vst v63  }
0x92: {  	_ =	swait.ge [sflag:s23], $0x2000  }
0x93: {  	[sflag:s23] =	ssyncset.done $0x0  }
0x94: {  	s8 =	sadd.s32 $0x5280, s6;
	[sflag:s23] =	ssyncadd.s32 $0xFFFFE000  }
0x95: {  	[spmem:s2] =	stream.indirect.scatter.add.f32 [tilespmem:s14], [sflag:$0x6], $0x40, s8, s17, $0xb8;
	[tilespmem:$0x1E000] =	vst v63  }
0x96: {  	_ =	swait.ge [sflag:s29], $0x2000  }
0x97: {  	[sflag:s29] =	ssyncset.done $0x0  }
.Ltmp1:
0x98: {  	s8 =	sadd.s32 $0x480, s6;
	[sflag:s29] =	ssyncadd.s32 $0xFFFFE000;
	(pc) =	sbr.rel @p0 .LBB2_4-.Ltmp1, $4  }
0x99: {  	[tilespmem:s26], [sflag:$0x5] =	stream.indirect.gather [hbm4b:s7+s17], $0x40, s8, s17, $0xb8;
	[tilespmem:$0x1E000] =	vst v63  }
0x9a: {  	_ =	swait.ge [sflag:s28], $0x2000  }
0x9b: {  	[sflag:s28] =	ssyncset.done $0x0  }
0x9c: {  	s6 =	sadd.s32 $0x5300, s6;
	[sflag:s28] =	ssyncadd.s32 $0xFFFFE000  }
0x9d: {  	[spmem:s2] =	stream.indirect.scatter.add.f32 [tilespmem:s18], [sflag:$0x7], $0x40, s6, s17, $0xb8;
	[tilespmem:$0x1E000] =	vst v63  }
0x9e: {  	_ =	swait.ge [sflag:s31], $0x2000  }
0x9f: {  	[sflag:s31] =	ssyncset.done $0x0  }
0xa0: {  	s5 =	simm.s32 $0x9E80;
	[sflag:s31] =	ssyncadd.s32 $0xFFFFE000  }
0xa1: {  	[spmem:s2] =	stream.indirect.scatter.add.f32 [tilespmem:s20], [sflag:$0x8], $0x40, s5, s17, $0xb8;
	[tilespmem:$0x1E000] =	vst v63  }
0xa2: {  	_ =	swait.ge [sflag:s1], $0x2000  }
0xa3: {  	[sflag:s1] =	ssyncset.done $0x0  }
0xa4: {  	s6 =	simm.s32 $0x9F00;
	[sflag:s1] =	ssyncadd.s32 $0xFFFFE000  }
0xa5: {  	[spmem:s2] =	stream.indirect.scatter.add.f32 [tilespmem:s22], [sflag:$0x9], $0x40, s6, s17, $0xb8;
	[tilespmem:$0x1E000] =	vst v63  }
0xa6: {  	_ =	swait.ge [sflag:s21], $0x2000  }
0xa7: {  	[sflag:s21] =	ssyncset.done $0x0  }
0xa8: {  	s8 =	simm.s32 $0x9F80;
	[sflag:s21] =	ssyncadd.s32 $0xFFFFE000  }
0xa9: {  	[spmem:s2] =	stream.indirect.scatter.add.f32 [tilespmem:s26], [sflag:$0xA], $0x40, s8, s17, $0xb8;
	[tilespmem:$0x1E000] =	vst v63  }
0xaa: {  	_ =	swait.ge [sflag:s30], $0x2000  }
0xab: {  	[sflag:s30] =	ssyncset.done $0x0  }
0xac: {  	[sflag:s30] =	ssyncadd.s32 $0xFFFFE000  }
0xad: {  	_ =	swait.ge [sflag:s0], $0x2000  }
0xae: {  	[sflag:s0] =	ssyncset.done $0x0  }
0xaf: {  	[sflag:s0] =	ssyncadd.s32 $0xFFFFE000  }
0xb0: {  	_ =	swait.ge [sflag:s19], $0x2000  }
0xb1: {  	[sflag:s19] =	ssyncset.done $0x0  }
0xb2: {  	[sflag:s19] =	ssyncadd.s32 $0xFFFFE000  }
0xb3: {  	_ =	swait.ge [sflag:s24], $0x2000  }
0xb4: {  	[sflag:s24] =	ssyncset.done $0x0  }
0xb5: {  	[sflag:s24] =	ssyncadd.s32 $0xFFFFE000  }
0xb6: {  	_ =	swait.ge [sflag:s29], $0x2000  }
0xb7: {  	[sflag:s29] =	ssyncset.done $0x0  }
0xb8: {  	s3 =	sadd.s32 $0x1, s3;
	s6 =	stileid.u32;
	[sflag:s29] =	ssyncadd.s32 $0xFFFFE000  }
0xb9: {  	p0 =	sne.s32 s3, s9;
	s5 =	sshll.u32 s6, $0x6;
	[bflag:$0x0] =	sbarrier.arrive $0xFFFF  }
.Ltmp2:
0xba: {  	s5 =	sor.u32 $0x1C0B, s5;
	s8 =	rddreg [dreg:$0x6];
	(pc) =	sbr.rel @p0 .LBB2_1-.Ltmp2, $4  }
0xbb: {  	[hbm:s8], [sflag:s5] =	dma.local [spmem:s25], $0x1400  }
0xbc: {  	_ =	swait.ge [sflag:s15], $0x1400  }
0xbd: {  	[sflag:s15] =	ssyncset.done $0x0  }
0xbe: {  	[sflag:s15] =	ssyncadd.s32 $0xFFFFEC00  }
0xbf: {  	_ =	sfence.sel $0x180000  }
0xc0: {  	[bflag:$0x0] =	sbarrier.arrive $0xFFFF  }
0xc1: {  	_ =	strace $0x9000004A  }
0xc2: {  	s0 =	stileid.u32;
	[bflag:$0x2] =	sbarrier.arrive $0xFFFF  }
0xc3: {  	p0 =	sne.s32 s0, $0x0;
	s0 =	rddreg [dreg:$0x3]  }
0xc4: {  	s0 =	sadd.s32 @!p0 $0x100000, s0  }
0xc5: {  	[sflag:s0] =	ssyncadd.tile.s32 @!p0 $0x1;
	_ =	shalt  }
.Lfunc_end2:
_tile_overlayer_lowered:
.L_overlay_start_2:
0xc6: {  	(tag) =	ssettag $0x2  }
0xc7: {  	s0 =	rddreg [dreg:$0x0];
	s2 =	stileid.u32  }
0xc8: {  	s1 =	rddreg [dreg:$0x1];
	p0 =	sne.s32 s2, $0x0  }
0xc9: {  	s3 =	rddreg [dreg:$0x2];
	[bflag:$0x3] =	sbarrier.arrive $0xFFFF;
	s2 =	simm.s32 @!p0 $0x1C0B  }
0xca: {  	[timem:s3], [sflag:s2] =	dma.local @!p0 [hbm:s0], s1  }
0xcb: {  	s0 =	simm.s32 @!p0 $0xB  }
0xcc: {  	_ =	swait.ge @!p0 [sflag:s0], s1  }
0xcd: {  	s1 =	ssub.s32 @!p0 $0x0, s1;
	[sflag:s0] =	ssyncset.done @!p0 $0x0  }
0xce: {  	[sflag:s0] =	ssyncadd.s32 @!p0 s1  }
0xcf: {  	[bflag:$0x3] =	sbarrier.arrive $0xFFFF  }
0xd0: {  	_ =	shalt  }

// kernel: kernel.15.cloned.1.call-start
scs
__scs_entry_jumppad:
0x0: {  	(pc) =	sbr.rel $0x88, $3  }
0x1: {  	(tag) =	ssettag $0x0;
	lr =	simm.s32 $0x1  }
0x2: {  	[smem:$0x3F9B] =	sst lr;
	_ =	strace $0xD0000000  }
0x3: {  	_ = 	snop  }
0x4: {  	_ = 	snop  }
0x5: {  	_ = 	snop  }
0x6: {  	_ = 	snop  }
0x7: {  	_ = 	snop  }
__scs_overlays_trampoline_lowered:
0x8: {  	[smem:$0x3FAA] =	sst s0  }
0x9: {  	[smem:$0x3FAB] =	sst s1  }
0xa: {  	[smem:$0x3FAC] =	sst s2  }
0xb: {  	[smem:$0x3FAD] =	sst s3  }
0xc: {  	[smem:$0x3FAE] =	sst s4  }
0xd: {  	[smem:$0x3FAF] =	sst s5  }
0xe: {  	[smem:$0x3FB0] =	sst s6  }
0xf: {  	[smem:$0x3FB1] =	sst s7  }
0x10: {  	[smem:$0x3FB2] =	sst s8  }
0x11: {  	[smem:$0x3FB3] =	sst s9;
	s0 =	simm.s32 @!p0 $0x0  }
0x12: {  	s1 =	sld [smem:$0x3F99];
	s0 =	simm.s32 @p0 $0x1  }
0x13: {  	[smem:$0x3FB4] =	sst s0;
	s0 =	simm.s32 @!p1 $0x0  }
0x14: {  	s2 =	sld [smem:$0x3F98];
	s0 =	simm.s32 @p1 $0x1  }
0x15: {  	[smem:$0x3FB5] =	sst s0;
	s0 =	simm.s32 @!p2 $0x0  }
0x16: {  	s3 =	sld [smem:$0x3FDB];
	s0 =	simm.s32 @p2 $0x1  }
0x17: {  	s4 =	simm.s32 $0x1BF5;
	[smem:$0x3FB7] =	sst s0  }
0x18: {  	s0 =	sld [smem:$0x3F9A];
	_ =	swait.ge [sflag:s4], $0x0  }
0x19: {  	s7 =	sld [smem:$0x3F9B]  }
0x1a: {  	s8 =	sadd.s32 $0xFFFFE003, lr  }
0x1b: {  	s9 =	sadd.s32 $0xFFFFFEF7, lr;
	s5 =	simm.s32 $0xFFFFFFFF;
	p2 =	slt.u32 s8, $0xFFFFF086  }
0x1c: {  	p1 =	slt.u32 s9, $0xF7A;
	s5 =	simm.s32 @!p2 $0x0  }
0x1d: {  	s5 =	simm.s32 @p1 $0x1;
	p0 =	seq.s32 s7, s2  }
0x1e: {  	s7 =	smul.u32 @!p0 $0xF7A, s2;
	p2 =	seq.s32 @!p0 s5, $0x0  }
0x1f: {  	s9 =	smul.u32 $0xF7A, s1;
	s8 =	simm.s32 @!p0 $0x1BF5;
	p2 =	por !p2, p0  }
0x20: {  	[sflag:s8] =	ssyncset.s32 @!p0 $0xFFFFF086;
	s6 =	sadd.s32 @!p0 s3, s7;
	s7 =	simm.s32 @!p0 $0x108  }
0x21: {  	s3 =	sadd.s32 s3, s9;
	s6 =	sadd.s32 @!p0 $0x88, s6;
	s7 =	simm.s32 @p2 $0x1082  }
0x22: {  	[simem:s7], [sflag:s8] =	dma.local @!p0 [hbm:s6], $0xF7A  }
0x23: {  	s9 =	sor.u32 $0xD0000000, s2;
	s6 =	simm.s32 $0x108;
	_ =	swait.ge @!p0 [sflag:s8], $0x0  }
0x24: {  	s3 =	sadd.s32 $0x88, s3;
	s6 =	simm.s32 @!p1 $0x1082;
	[sflag:s4] =	ssyncset.s32 $0xFFFFF086  }
0x25: {  	[simem:s6], [sflag:s4] =	dma.local [hbm:s3], $0xF7A  }
0x26: {  	[smem:$0x3F9B] =	sst s1;
	(tag) =	ssettag s2;
	_ =	strace s9  }
0x27: {  	s1 =	sld [smem:$0x3FAB]  }
0x28: {  	s2 =	sld [smem:$0x3FAC]  }
0x29: {  	s4 =	sld [smem:$0x3FAE]  }
0x2a: {  	p0 =	seq.s32 s5, $0x0;
	s5 =	sld [smem:$0x3FAF]  }
0x2b: {  	s6 =	sld [smem:$0x3FB0]  }
0x2c: {  	s7 =	sld [smem:$0x3FB1]  }
0x2d: {  	s3 =	simm.s32 $0x108;
	s8 =	sld [smem:$0x3FB2]  }
0x2e: {  	s3 =	simm.s32 @!p0 $0x1082;
	s9 =	sld [smem:$0x3FB3]  }
0x2f: {  	lr =	sadd.s32 s0, s3;
	s0 =	sld [smem:$0x3FAA]  }
0x30: {  	s3 =	sld [smem:$0x3FAD]  }
0x31: {  	[smem:$0x3FB6] =	sst s10  }
0x32: {  	s10 =	sld [smem:$0x3FB4];
	_ =	sdelay $0x3  }
0x33: {  	p0 =	seq.s32 s10, $0x1;
	s10 =	sld [smem:$0x3FB6];
	_ =	sdelay $0x3  }
0x34: {  	[smem:$0x3FB6] =	sst s10  }
0x35: {  	s10 =	sld [smem:$0x3FB5];
	_ =	sdelay $0x3  }
0x36: {  	p1 =	seq.s32 s10, $0x1;
	s10 =	sld [smem:$0x3FB6];
	_ =	sdelay $0x3  }
0x37: {  	[smem:$0x3FB6] =	sst s10  }
0x38: {  	s10 =	sld [smem:$0x3FB7]  }
0x39: {  	_ = 	snop;
	(pc) =	sbr.ind lr, $3  }
0x3a: {  	_ = 	snop  }
0x3b: {  	_ = 	snop  }
0x3c: {  	p2 =	seq.s32 s10, $0x1;
	s10 =	sld [smem:$0x3FB6]  }
0x3d: {  	_ =	shalt  }
0x3e: {  	_ =	shalt  }
0x3f: {  	_ =	shalt  }
0x40: {  	_ =	shalt  }
0x41: {  	_ =	shalt  }
0x42: {  	_ =	shalt  }
0x43: {  	_ =	shalt  }
0x44: {  	_ =	shalt  }
0x45: {  	_ =	shalt  }
0x46: {  	_ =	shalt  }
0x47: {  	_ =	shalt  }
0x48: {  	_ =	shalt  }
0x49: {  	_ =	shalt  }
0x4a: {  	_ =	shalt  }
0x4b: {  	_ =	shalt  }
0x4c: {  	_ =	shalt  }
0x4d: {  	_ =	shalt  }
0x4e: {  	_ =	shalt  }
0x4f: {  	_ =	shalt  }
0x50: {  	_ =	shalt  }
0x51: {  	_ =	shalt  }
0x52: {  	_ =	shalt  }
0x53: {  	_ =	shalt  }
0x54: {  	_ =	shalt  }
0x55: {  	_ =	shalt  }
0x56: {  	_ =	shalt  }
0x57: {  	_ =	shalt  }
0x58: {  	_ =	shalt  }
0x59: {  	_ =	shalt  }
0x5a: {  	_ =	shalt  }
0x5b: {  	_ =	shalt  }
0x5c: {  	_ =	shalt  }
0x5d: {  	_ =	shalt  }
0x5e: {  	_ =	shalt  }
0x5f: {  	_ =	shalt  }
0x60: {  	_ =	shalt  }
0x61: {  	_ =	shalt  }
0x62: {  	_ =	shalt  }
0x63: {  	_ =	shalt  }
0x64: {  	_ =	shalt  }
0x65: {  	_ =	shalt  }
0x66: {  	_ =	shalt  }
0x67: {  	_ =	shalt  }
0x68: {  	_ =	shalt  }
0x69: {  	_ =	shalt  }
0x6a: {  	_ =	shalt  }
0x6b: {  	_ =	shalt  }
0x6c: {  	_ =	shalt  }
0x6d: {  	_ =	shalt  }
0x6e: {  	_ =	shalt  }
0x6f: {  	_ =	shalt  }
0x70: {  	_ =	shalt  }
0x71: {  	_ =	shalt  }
0x72: {  	_ =	shalt  }
0x73: {  	_ =	shalt  }
0x74: {  	_ =	shalt  }
0x75: {  	_ =	shalt  }
0x76: {  	_ =	shalt  }
0x77: {  	_ =	shalt  }
0x78: {  	_ =	shalt  }
0x79: {  	_ =	shalt  }
0x7a: {  	_ =	shalt  }
0x7b: {  	_ =	shalt  }
0x7c: {  	_ =	shalt  }
0x7d: {  	_ =	shalt  }
0x7e: {  	_ =	shalt  }
0x7f: {  	_ =	shalt  }
0x80: {  	_ =	shalt  }
0x81: {  	_ =	shalt  }
0x82: {  	_ =	shalt  }
0x83: {  	_ =	shalt  }
0x84: {  	_ =	shalt  }
0x85: {  	_ =	shalt  }
0x86: {  	_ =	shalt  }
0x87: {  	_ =	shalt  }
.Lfunc_end0:
.L_simem_size_0:
called_computation.2_lowered:
.L_overlay_start_0:
0x88: {  	s2 =	sld [smem:$0x3FD9]  }
0x89: {  	s3 =	sld [smem:$0x3FFE];
	_ =	sdelay $0x1  }
0x8a: {  	s1 =	srdreg.scid  }
0x8b: {  	s0 =	sand.u32 $0x1, s1  }
0x8c: {  	s17 =	sshll.u32 s0, $0xA;
	s2 =	sadd.s32 s3, s2  }
0x8d: {  	s2 =	sadd.s32 s2, s17  }
0x8e: {  	[smem:$0x3FC2] =	sst s2  }
0x8f: {  	_ = 	snop  }
0x90: {  	s2 =	sld [smem:$0x3FD0];
	(tm) =	ssettm $0x1  }
0x91: {  	s18 =	sld [smem:$0x3FFB];
	_ =	sdelay $0x3  }
0x92: {  	_ =	strace s18  }
0x93: {  	s3 =	sld [smem:$0x3FFC];
	_ =	sdelay $0x3  }
0x94: {  	_ =	strace s3  }
0x95: {  	s3 =	sld [smem:$0x3FFD];
	_ =	sdelay $0x3  }
0x96: {  	_ =	strace s3  }
0x97: {  	_ =	strace $0x8FFFFFFF  }
0x98: {  	s19 =	sld [smem:$0x3FDB];
	_ =	sdelay $0x1  }
0x99: {  	s4 =	simm.s32 $_scs_section_size  }
0x9a: {  	s5 =	simm.s32 $_size__tile_overlayer_lowered;
	s6 =	simm.s32 $_tile_overlayer_lowered  }
0x9b: {  	s22 =	simm.s32 $0x1BFF;
	s21 =	sshll.u32 s6, $0x1;
	s3 =	sadd.s32 s4, s19  }
0x9c: {  	s7 =	simm.s32 $0x0;
	s20 =	sshll.u32 s5, $0x1;
	s5 =	sadd.s32 s21, s3  }
0x9d: {  	[timem:s7], [sflag:s22] =	dma.local [hbm:s5], s20  }
0x9e: {  	_ =	swait.ge [sflag:s22], s20  }
0x9f: {  	s4 =	ssub.s32 $0x0, s20;
	[sflag:s22] =	ssyncset.done $0x0  }
0xa0: {  	[sflag:s22] =	ssyncadd.s32 s4;
	_ =	sdelay $0x1  }
0xa1: {  	s23 =	simm.s32 $0x1B8B  }
0xa2: {  	_ =	swait.ge [sflag:s23], $0x1  }
0xa3: {  	[sflag:s23] =	ssyncset.done $0x0  }
0xa4: {  	s25 =	simm.s32 $0x1B8E;
	s24 =	sld [smem:$0x3FFE];
	[sflag:s23] =	ssyncadd.s32 $0xFFFFFFFF  }
0xa5: {  	s26 =	simm.s32 $execute0_lowered;
	[smem:$0x3FD2] =	sst s25  }
0xa6: {  	s5 =	sshll.u32 s26, $0x1;
	_ =	strace $0x8000004C;
	[dreg:$0x1] =	wrdreg $0xFFFFFFFF  }
0xa7: {  	s28 =	simm.s32 $_size_execute0_lowered;
	s3 =	sadd.s32 s3, s5;
	[dreg:$0x0] =	wrdreg $0x0  }
0xa8: {  	s5 =	sshll.u32 s28, $0x1;
	[dreg:$0x2] =	wrdreg s3  }
0xa9: {  	[dreg:$0x3] =	wrdreg s5  }
0xaa: {  	[dreg:$0x4] =	wrdreg $0xC0  }
0xab: {  	_ =	task [dreg:s7], $0x5FFFF  }
0xac: {  	[dreg:$0x1] =	wrdreg $0xFFFFFFFF  }
0xad: {  	[dreg:$0x0] =	wrdreg $0x60  }
0xae: {  	[dreg:$0x2] =	wrdreg s24  }
0xaf: {  	[dreg:$0x3] =	wrdreg s2  }
0xb0: {  	[dreg:$0x4] =	wrdreg $0x140000  }
0xb1: {  	[dreg:$0x5] =	wrdreg $0x9  }
0xb2: {  	_ =	task.clear_ibuf [dreg:s7], $0x6FFFF;
	_ =	strace $0x9000004C  }
0xb3: {  	s29 =	simm.s32 $0x9;
	_ =	strace $0x8000004E  }
0xb4: {  	_ =	swait.ge [sflag:s29], $0x1  }
0xb5: {  	[sflag:s29] =	ssyncadd.s32 $0xFFFFFFFF  }
0xb6: {  	_ =	strace $0x9000004E  }
0xb7: {  	_ =	sfence  }
0xb8: {  	s30 =	sld [smem:$0x0];
	_ =	sdelay $0x2  }
0xb9: {  	s31 =	sshll.u32 s1, $0xD;
	s1 =	sshrl.u32 s1, $0x2  }
0xba: {  	s3 =	sand.u32 $0x4000, s31;
	s1 =	sadd.s32 s1, s30  }
0xbb: {  	s0 =	sor.u32 s3, s0;
	s1 =	sshll.u32 s1, $0x11  }
0xbc: {  	s0 =	sor.u32 s1, s0  }
0xbd: {  	s0 =	sadd.s32 $0x8F2B, s0  }
0xbe: {  	[sflag:s0] =	ssyncadd.remote.s32 $0x1  }
0xbf: {  	_ =	sfence.sel $0xFFFF  }
0xc0: {  	[dreg:$0x0] =	wrdreg $0xFFFFFFFF;
	(pc) =	sbr.abs _section_cstart, $3  }
0xc1: {  	[dreg:$0x1] =	wrdreg $0xFFFFFFFF  }
0xc2: {  	_ =	task.clear_ibuf [dreg:s7], $0x2FFFF;
	_ =	strace $0x9FFFFFFF  }
0xc3: {  	(tm) =	ssettm $0x7FFFFFFF  }
tec
execute0_lowered:
.L_overlay_start_1:
0x0: {  	(tag) =	ssettag $0x1  }
0x1: {  	s0 =	rddreg [dreg:$0x0]  }
0x2: {  	s1 =	rddreg [dreg:$0x1];
	s3 =	srdreg.scid  }
0x3: {  	s2 =	rddreg [dreg:$0x2];
	s8 =	stileid.u32  }
0x4: {  	s14 =	simm.s32 $0xA000;
	s15 =	simm.s32 $0xB;
	s16 =	simm.s32 $0x5000  }
0x5: {  	s17 =	simm.s32 $0x80;
	s18 =	simm.s32 $0xC000;
	s20 =	simm.s32 $0xE000  }
0x6: {  	s22 =	simm.s32 $0x10000;
	s23 =	simm.s32 $0x1;
	s28 =	simm.s32 $0x2  }
0x7: {  	s30 =	simm.s32 $0x6;
	s31 =	simm.s32 $0x3;
	s6 =	smul.u32 $0xA00, s8  }
0x8: {  	s19 =	simm.s32 $0x8;
	s21 =	simm.s32 $0x5;
	s9 =	smul.u32 $0xA000, s8  }
0x9: {  	s4 =	sand.u32 $0x1, s3;
	s3 =	simm.s32 $0x0;
	s8 =	smul.u32 $0x28000, s8  }
0xa: {  	s29 =	simm.s32 $0xA;
	s5 =	smul.u32 $0xA0000, s4;
	[smem:$0x7FF] =	sst s3  }
0xb: {  	s4 =	ssub.s32 $0x2, s4;
	_ =	strace $0x8000004D;
	s10 =	sadd.s32 s6, s0  }
0xc: {  	s11 =	sshrl.u32 s4, $0x1;
	s8 =	sshrl.u32 s8, $0x2;
	s1 =	sadd.s32 s1, s6  }
0xd: {  	s26 =	sadd.s32 s9, s2;
	s7 =	sshrl.u32 s5, $0x3;
	s5 =	sadd.s32 s9, s5  }
0xe: {  	s24 =	ssub.s32 s4, s11;
	s4 =	sadd.s32 s8, s2;
	s25 =	sadd.s32 $0x51800, s10  }
0xf: {  	[dreg:$0x5] =	wrdreg s1;
	s1 =	simm.s32 $0x4;
	s7 =	sadd.s32 s7, s0  }
0x10: {  	s5 =	sshrl.u32 s5, $0x3;
	[dreg:$0x4] =	wrdreg s25;
	s9 =	smax.u32 s24, $0x1  }
0x11: {  	s10 =	sadd.s32 $0x2000, s4;
	s11 =	sadd.s32 $0x4000, s4;
	s12 =	sadd.s32 $0x6000, s4  }
0x12: {  	s13 =	sadd.s32 $0x8000, s4;
	s25 =	sshrl.u32 s26, $0x3;
	s0 =	sadd.s32 s5, s0  }
0x13: {  	s26 =	simm.s32 $0x12000;
	s24 =	simm.s32 $0x9;
	s0 =	sadd.s32 $0x83800, s0  }
0x14: {  	v0 =	vimm.f32 $0.0e+00;
	s7 =	sadd.s32 $0x5B800, s7;
	[dreg:$0x6] =	wrdreg s0;
	s0 =	simm.s32 $0x7  }
.LBB2_1:
0x15: {  	s6 =	simm.s32 $0x100;
	s5 =	simm.s32 $0x0  }
.LBB2_2:
0x16: {  	p0 =	sne.s32 s6, $0x7F00;
	[tilespmem:s5+$0xA030] =	vst v0;
	s8 =	smov.u32 s6;
	s6 =	sadd.s32 $0x100, s6  }
.Ltmp0:
0x17: {  	[tilespmem:s5+$0xA020] =	vst v0;
	(pc) =	sbr.rel @p0 .LBB2_2-.Ltmp0, $3  }
0x18: {  	[tilespmem:s5+$0xA000] =	vst v0  }
0x19: {  	[tilespmem:s5+$0xA010] =	vst v0;
	_ =	sdelay $0x1  }
0x1a: {  	s5 =	sshra.s32 s8, $0x2  }
0x1b: {  	[tilespmem:s5+$0xA030] =	vst v0  }
0x1c: {  	[tilespmem:s5+$0xA020] =	vst v0  }
0x1d: {  	[tilespmem:s5+$0xA000] =	vst v0  }
0x1e: {  	[tilespmem:s5+$0xA010] =	vst v0  }
0x1f: {  	[spmem:s4] =	stream.linear.scatter [tilespmem:s14], [sflag:$0xB], $0x2000, $0x38;
	[tilespmem:$0x1E000] =	vst v63  }
0x20: {  	_ =	swait.ge [sflag:s15], $0x2000  }
0x21: {  	[sflag:s15] =	ssyncset.done $0x0  }
0x22: {  	[sflag:s15] =	ssyncadd.s32 $0xFFFFE000  }
0x23: {  	[spmem:s10] =	stream.linear.scatter [tilespmem:s14], [sflag:$0xB], $0x2000, $0x38;
	[tilespmem:$0x1E000] =	vst v63  }
0x24: {  	_ =	swait.ge [sflag:s15], $0x2000  }
0x25: {  	[sflag:s15] =	ssyncset.done $0x0  }
0x26: {  	[sflag:s15] =	ssyncadd.s32 $0xFFFFE000  }
0x27: {  	[spmem:s11] =	stream.linear.scatter [tilespmem:s14], [sflag:$0xB], $0x2000, $0x38;
	[tilespmem:$0x1E000] =	vst v63  }
0x28: {  	_ =	swait.ge [sflag:s15], $0x2000  }
0x29: {  	[sflag:s15] =	ssyncset.done $0x0  }
0x2a: {  	[sflag:s15] =	ssyncadd.s32 $0xFFFFE000  }
0x2b: {  	[spmem:s12] =	stream.linear.scatter [tilespmem:s14], [sflag:$0xB], $0x2000, $0x38;
	[tilespmem:$0x1E000] =	vst v63  }
0x2c: {  	_ =	swait.ge [sflag:s15], $0x2000  }
0x2d: {  	[sflag:s15] =	ssyncset.done $0x0  }
0x2e: {  	[sflag:s15] =	ssyncadd.s32 $0xFFFFE000  }
0x2f: {  	[spmem:s13] =	stream.linear.scatter [tilespmem:s14], [sflag:$0xB], $0x2000, $0x38;
	[tilespmem:$0x1E000] =	vst v63  }
0x30: {  	_ =	swait.ge [sflag:s15], $0x2000  }
0x31: {  	[sflag:s15] =	ssyncset.done $0x0  }
0x32: {  	s5 =	simm.s32 $0x0;
	s6 =	rddreg [dreg:$0x4];
	[sflag:s15] =	ssyncadd.s32 $0xFFFFE000  }
0x33: {  	[tilespmem:s5], [sflag:$0xB] =	stream.linear.gather [hbm4b:s6+s5], $0x5000, $0x38;
	[tilespmem:$0x1E000] =	vst v63  }
0x34: {  	_ =	swait.ge [sflag:s15], $0x5000  }
0x35: {  	[sflag:s15] =	ssyncset.done $0x0  }
0x36: {  	s8 =	rddreg [dreg:$0x5];
	[sflag:s15] =	ssyncadd.s32 $0xFFFFB000  }
0x37: {  	[tilespmem:s16], [sflag:$0xB] =	stream.linear.gather [hbm4b:s8+s5], $0x5000, $0x38;
	[tilespmem:$0x1E000] =	vst v63  }
0x38: {  	_ =	swait.ge [sflag:s15], $0x5000  }
0x39: {  	[sflag:s15] =	ssyncset.done $0x0  }
0x3a: {  	[sflag:s15] =	ssyncadd.s32 $0xFFFFB000  }
0x3b: {  	[bflag:$0x0] =	sbarrier.arrive $0xFFFF  }
0x3c: {  	[tilespmem:s14], [sflag:$0x1] =	stream.indirect.gather [hbm4b:s7+s17], $0x40, s5, s17, $0xb8;
	[tilespmem:$0x1E000] =	vst v63  }
0x3d: {  	_ = 	snop  }
0x3e: {  	[tilespmem:s18], [sflag:$0x2] =	stream.indirect.gather [hbm4b:s7+s17], $0x40, s17, s17, $0xb8;
	[tilespmem:$0x1E000] =	vst v63  }
0x3f: {  	s8 =	simm.s32 $0x100  }
0x40: {  	[tilespmem:s20], [sflag:$0x3] =	stream.indirect.gather [hbm4b:s7+s17], $0x40, s8, s17, $0xb8;
	[tilespmem:$0x1E000] =	vst v63  }
0x41: {  	s6 =	simm.s32 $0x180  }
0x42: {  	[tilespmem:s22], [sflag:$0x4] =	stream.indirect.gather [hbm4b:s7+s17], $0x40, s6, s17, $0xb8;
	[tilespmem:$0x1E000] =	vst v63  }
0x43: {  	_ =	swait.ge [sflag:s23], $0x2000  }
0x44: {  	[sflag:s23] =	ssyncset.done $0x0  }
0x45: {  	[sflag:s23] =	ssyncadd.s32 $0xFFFFE000  }
0x46: {  	[spmem:s2] =	stream.indirect.scatter.add.f32 [tilespmem:s14], [sflag:$0x6], $0x40, s16, s17, $0xb8;
	[tilespmem:$0x1E000] =	vst v63  }
0x47: {  	s8 =	simm.s32 $0x200  }
0x48: {  	[tilespmem:s26], [sflag:$0x5] =	stream.indirect.gather [hbm4b:s7+s17], $0x40, s8, s17, $0xb8;
	[tilespmem:$0x1E000] =	vst v63  }
0x49: {  	_ =	swait.ge [sflag:s28], $0x2000  }
0x4a: {  	[sflag:s28] =	ssyncset.done $0x0  }
0x4b: {  	s6 =	simm.s32 $0x5080;
	[sflag:s28] =	ssyncadd.s32 $0xFFFFE000  }
0x4c: {  	[spmem:s2] =	stream.indirect.scatter.add.f32 [tilespmem:s18], [sflag:$0x7], $0x40, s6, s17, $0xb8;
	[tilespmem:$0x1E000] =	vst v63  }
0x4d: {  	_ =	swait.ge [sflag:s30], $0x2000  }
0x4e: {  	[sflag:s30] =	ssyncset.done $0x0  }
0x4f: {  	s8 =	simm.s32 $0x280;
	[sflag:s30] =	ssyncadd.s32 $0xFFFFE000  }
0x50: {  	[tilespmem:s14], [sflag:$0x1] =	stream.indirect.gather [hbm4b:s7+s17], $0x40, s8, s17, $0xb8;
	[tilespmem:$0x1E000] =	vst v63  }
0x51: {  	_ =	swait.ge [sflag:s31], $0x2000  }
0x52: {  	[sflag:s31] =	ssyncset.done $0x0  }
0x53: {  	s6 =	simm.s32 $0x5100;
	[sflag:s31] =	ssyncadd.s32 $0xFFFFE000  }
0x54: {  	[spmem:s2] =	stream.indirect.scatter.add.f32 [tilespmem:s20], [sflag:$0x8], $0x40, s6, s17, $0xb8;
	[tilespmem:$0x1E000] =	vst v63  }
0x55: {  	_ =	swait.ge [sflag:s0], $0x2000  }
0x56: {  	[sflag:s0] =	ssyncset.done $0x0  }
0x57: {  	s8 =	simm.s32 $0x300;
	[sflag:s0] =	ssyncadd.s32 $0xFFFFE000  }
0x58: {  	[tilespmem:s18], [sflag:$0x2] =	stream.indirect.gather [hbm4b:s7+s17], $0x40, s8, s17, $0xb8;
	[tilespmem:$0x1E000] =	vst v63  }
0x59: {  	_ =	swait.ge [sflag:s1], $0x2000  }
0x5a: {  	[sflag:s1] =	ssyncset.done $0x0  }
0x5b: {  	s6 =	simm.s32 $0x5180;
	[sflag:s1] =	ssyncadd.s32 $0xFFFFE000  }
0x5c: {  	[spmem:s2] =	stream.indirect.scatter.add.f32 [tilespmem:s22], [sflag:$0x9], $0x40, s6, s17, $0xb8;
	[tilespmem:$0x1E000] =	vst v63  }
0x5d: {  	_ =	swait.ge [sflag:s19], $0x2000  }
0x5e: {  	[sflag:s19] =	ssyncset.done $0x0  }
0x5f: {  	s8 =	simm.s32 $0x380;
	[sflag:s19] =	ssyncadd.s32 $0xFFFFE000  }
0x60: {  	[tilespmem:s20], [sflag:$0x3] =	stream.indirect.gather [hbm4b:s7+s17], $0x40, s8, s17, $0xb8;
	[tilespmem:$0x1E000] =	vst v63  }
0x61: {  	_ =	swait.ge [sflag:s21], $0x2000  }
0x62: {  	[sflag:s21] =	ssyncset.done $0x0  }
0x63: {  	s6 =	simm.s32 $0x5200;
	[sflag:s21] =	ssyncadd.s32 $0xFFFFE000  }
0x64: {  	[spmem:s2] =	stream.indirect.scatter.add.f32 [tilespmem:s26], [sflag:$0xA], $0x40, s6, s17, $0xb8;
	[tilespmem:$0x1E000] =	vst v63  }
0x65: {  	_ =	swait.ge [sflag:s24], $0x2000  }
0x66: {  	[sflag:s24] =	ssyncset.done $0x0  }
0x67: {  	s8 =	simm.s32 $0x400;
	[sflag:s24] =	ssyncadd.s32 $0xFFFFE000  }
0x68: {  	[tilespmem:s22], [sflag:$0x4] =	stream.indirect.gather [hbm4b:s7+s17], $0x40, s8, s17, $0xb8;
	[tilespmem:$0x1E000] =	vst v63  }
0x69: {  	_ =	swait.ge [sflag:s23], $0x2000  }
0x6a: {  	[sflag:s23] =	ssyncset.done $0x0  }
0x6b: {  	s6 =	simm.s32 $0x5280;
	[sflag:s23] =	ssyncadd.s32 $0xFFFFE000  }
0x6c: {  	[spmem:s2] =	stream.indirect.scatter.add.f32 [tilespmem:s14], [sflag:$0x6], $0x40, s6, s17, $0xb8;
	[tilespmem:$0x1E000] =	vst v63  }
0x6d: {  	_ =	swait.ge [sflag:s29], $0x2000  }
0x6e: {  	[sflag:s29] =	ssyncset.done $0x0  }
0x6f: {  	s8 =	simm.s32 $0x480;
	[sflag:s29] =	ssyncadd.s32 $0xFFFFE000  }
0x70: {  	[tilespmem:s26], [sflag:$0x5] =	stream.indirect.gather [hbm4b:s7+s17], $0x40, s8, s17, $0xb8;
	[tilespmem:$0x1E000] =	vst v63  }
0x71: {  	_ =	swait.ge [sflag:s28], $0x2000  }
0x72: {  	[sflag:s28] =	ssyncset.done $0x0  }
0x73: {  	s5 =	simm.s32 $0xA00;
	s6 =	simm.s32 $0x5300;
	[sflag:s28] =	ssyncadd.s32 $0xFFFFE000  }
.LBB2_4:
0x74: {  	[spmem:s2] =	stream.indirect.scatter.add.f32 [tilespmem:s18], [sflag:$0x7], $0x40, s6, s17, $0xb8;
	[tilespmem:$0x1E000] =	vst v63  }
0x75: {  	s6 =	smov.u32 s5  }
0x76: {  	p0 =	sne.s32 s5, $0x12C00;
	s5 =	sadd.s32 $0xA00, s5;
	_ =	swait.ge [sflag:s30], $0x2000  }
0x77: {  	s6 =	sshra.s32 s6, $0x2;
	[sflag:s30] =	ssyncset.done $0x0  }
0x78: {  	s8 =	sadd.s32 $0x280, s6;
	[sflag:s30] =	ssyncadd.s32 $0xFFFFE000  }
0x79: {  	[tilespmem:s14], [sflag:$0x1] =	stream.indirect.gather [hbm4b:s7+s17], $0x40, s8, s17, $0xb8;
	[tilespmem:$0x1E000] =	vst v63  }
0x7a: {  	_ =	swait.ge [sflag:s31], $0x2000  }
0x7b: {  	[sflag:s31] =	ssyncset.done $0x0  }
0x7c: {  	s8 =	sadd.s32 $0x5100, s6;
	[sflag:s31] =	ssyncadd.s32 $0xFFFFE000  }
0x7d: {  	[spmem:s2] =	stream.indirect.scatter.add.f32 [tilespmem:s20], [sflag:$0x8], $0x40, s8, s17, $0xb8;
	[tilespmem:$0x1E000] =	vst v63  }
0x7e: {  	_ =	swait.ge [sflag:s0], $0x2000  }
0x7f: {  	[sflag:s0] =	ssyncset.done $0x0  }
0x80: {  	s8 =	sadd.s32 $0x300, s6;
	[sflag:s0] =	ssyncadd.s32 $0xFFFFE000  }
0x81: {  	[tilespmem:s18], [sflag:$0x2] =	stream.indirect.gather [hbm4b:s7+s17], $0x40, s8, s17, $0xb8;
	[tilespmem:$0x1E000] =	vst v63  }
0x82: {  	_ =	swait.ge [sflag:s1], $0x2000  }
0x83: {  	[sflag:s1] =	ssyncset.done $0x0  }
0x84: {  	s8 =	sadd.s32 $0x5180, s6;
	[sflag:s1] =	ssyncadd.s32 $0xFFFFE000  }
0x85: {  	[spmem:s2] =	stream.indirect.scatter.add.f32 [tilespmem:s22], [sflag:$0x9], $0x40, s8, s17, $0xb8;
	[tilespmem:$0x1E000] =	vst v63  }
0x86: {  	_ =	swait.ge [sflag:s19], $0x2000  }
0x87: {  	[sflag:s19] =	ssyncset.done $0x0  }
0x88: {  	s8 =	sadd.s32 $0x380, s6;
	[sflag:s19] =	ssyncadd.s32 $0xFFFFE000  }
0x89: {  	[tilespmem:s20], [sflag:$0x3] =	stream.indirect.gather [hbm4b:s7+s17], $0x40, s8, s17, $0xb8;
	[tilespmem:$0x1E000] =	vst v63  }
0x8a: {  	_ =	swait.ge [sflag:s21], $0x2000  }
0x8b: {  	[sflag:s21] =	ssyncset.done $0x0  }
0x8c: {  	s8 =	sadd.s32 $0x5200, s6;
	[sflag:s21] =	ssyncadd.s32 $0xFFFFE000  }
0x8d: {  	[spmem:s2] =	stream.indirect.scatter.add.f32 [tilespmem:s26], [sflag:$0xA], $0x40, s8, s17, $0xb8;
	[tilespmem:$0x1E000] =	vst v63  }
0x8e: {  	_ =	swait.ge [sflag:s24], $0x2000  }
0x8f: {  	[sflag:s24] =	ssyncset.done $0x0  }
0x90: {  	s8 =	sadd.s32 $0x400, s6;
	[sflag:s24] =	ssyncadd.s32 $0xFFFFE000  }
0x91: {  	[tilespmem:s22], [sflag:$0x4] =	stream.indirect.gather [hbm4b:s7+s17], $0x40, s8, s17, $0xb8;
	[tilespmem:$0x1E000] =	vst v63  }
0x92: {  	_ =	swait.ge [sflag:s23], $0x2000  }
0x93: {  	[sflag:s23] =	ssyncset.done $0x0  }
0x94: {  	s8 =	sadd.s32 $0x5280, s6;
	[sflag:s23] =	ssyncadd.s32 $0xFFFFE000  }
0x95: {  	[spmem:s2] =	stream.indirect.scatter.add.f32 [tilespmem:s14], [sflag:$0x6], $0x40, s8, s17, $0xb8;
	[tilespmem:$0x1E000] =	vst v63  }
0x96: {  	_ =	swait.ge [sflag:s29], $0x2000  }
0x97: {  	[sflag:s29] =	ssyncset.done $0x0  }
.Ltmp1:
0x98: {  	s8 =	sadd.s32 $0x480, s6;
	[sflag:s29] =	ssyncadd.s32 $0xFFFFE000;
	(pc) =	sbr.rel @p0 .LBB2_4-.Ltmp1, $4  }
0x99: {  	[tilespmem:s26], [sflag:$0x5] =	stream.indirect.gather [hbm4b:s7+s17], $0x40, s8, s17, $0xb8;
	[tilespmem:$0x1E000] =	vst v63  }
0x9a: {  	_ =	swait.ge [sflag:s28], $0x2000  }
0x9b: {  	[sflag:s28] =	ssyncset.done $0x0  }
0x9c: {  	s6 =	sadd.s32 $0x5300, s6;
	[sflag:s28] =	ssyncadd.s32 $0xFFFFE000  }
0x9d: {  	[spmem:s2] =	stream.indirect.scatter.add.f32 [tilespmem:s18], [sflag:$0x7], $0x40, s6, s17, $0xb8;
	[tilespmem:$0x1E000] =	vst v63  }
0x9e: {  	_ =	swait.ge [sflag:s31], $0x2000  }
0x9f: {  	[sflag:s31] =	ssyncset.done $0x0  }
0xa0: {  	s5 =	simm.s32 $0x9E80;
	[sflag:s31] =	ssyncadd.s32 $0xFFFFE000  }
0xa1: {  	[spmem:s2] =	stream.indirect.scatter.add.f32 [tilespmem:s20], [sflag:$0x8], $0x40, s5, s17, $0xb8;
	[tilespmem:$0x1E000] =	vst v63  }
0xa2: {  	_ =	swait.ge [sflag:s1], $0x2000  }
0xa3: {  	[sflag:s1] =	ssyncset.done $0x0  }
0xa4: {  	s6 =	simm.s32 $0x9F00;
	[sflag:s1] =	ssyncadd.s32 $0xFFFFE000  }
0xa5: {  	[spmem:s2] =	stream.indirect.scatter.add.f32 [tilespmem:s22], [sflag:$0x9], $0x40, s6, s17, $0xb8;
	[tilespmem:$0x1E000] =	vst v63  }
0xa6: {  	_ =	swait.ge [sflag:s21], $0x2000  }
0xa7: {  	[sflag:s21] =	ssyncset.done $0x0  }
0xa8: {  	s8 =	simm.s32 $0x9F80;
	[sflag:s21] =	ssyncadd.s32 $0xFFFFE000  }
0xa9: {  	[spmem:s2] =	stream.indirect.scatter.add.f32 [tilespmem:s26], [sflag:$0xA], $0x40, s8, s17, $0xb8;
	[tilespmem:$0x1E000] =	vst v63  }
0xaa: {  	_ =	swait.ge [sflag:s30], $0x2000  }
0xab: {  	[sflag:s30] =	ssyncset.done $0x0  }
0xac: {  	[sflag:s30] =	ssyncadd.s32 $0xFFFFE000  }
0xad: {  	_ =	swait.ge [sflag:s0], $0x2000  }
0xae: {  	[sflag:s0] =	ssyncset.done $0x0  }
0xaf: {  	[sflag:s0] =	ssyncadd.s32 $0xFFFFE000  }
0xb0: {  	_ =	swait.ge [sflag:s19], $0x2000  }
0xb1: {  	[sflag:s19] =	ssyncset.done $0x0  }
0xb2: {  	[sflag:s19] =	ssyncadd.s32 $0xFFFFE000  }
0xb3: {  	_ =	swait.ge [sflag:s24], $0x2000  }
0xb4: {  	[sflag:s24] =	ssyncset.done $0x0  }
0xb5: {  	[sflag:s24] =	ssyncadd.s32 $0xFFFFE000  }
0xb6: {  	_ =	swait.ge [sflag:s29], $0x2000  }
0xb7: {  	[sflag:s29] =	ssyncset.done $0x0  }
0xb8: {  	s3 =	sadd.s32 $0x1, s3;
	s6 =	stileid.u32;
	[sflag:s29] =	ssyncadd.s32 $0xFFFFE000  }
0xb9: {  	p0 =	sne.s32 s3, s9;
	s5 =	sshll.u32 s6, $0x6;
	[bflag:$0x0] =	sbarrier.arrive $0xFFFF  }
.Ltmp2:
0xba: {  	s5 =	sor.u32 $0x1C0B, s5;
	s8 =	rddreg [dreg:$0x6];
	(pc) =	sbr.rel @p0 .LBB2_1-.Ltmp2, $4  }
0xbb: {  	[hbm:s8], [sflag:s5] =	dma.local [spmem:s25], $0x1400  }
0xbc: {  	_ =	swait.ge [sflag:s15], $0x1400  }
0xbd: {  	[sflag:s15] =	ssyncset.done $0x0  }
0xbe: {  	[sflag:s15] =	ssyncadd.s32 $0xFFFFEC00  }
0xbf: {  	_ =	sfence.sel $0x180000  }
0xc0: {  	[bflag:$0x0] =	sbarrier.arrive $0xFFFF  }
0xc1: {  	_ =	strace $0x9000004D  }
0xc2: {  	s0 =	stileid.u32;
	[bflag:$0x2] =	sbarrier.arrive $0xFFFF  }
0xc3: {  	p0 =	sne.s32 s0, $0x0;
	s0 =	rddreg [dreg:$0x3]  }
0xc4: {  	s0 =	sadd.s32 @!p0 $0x100000, s0  }
0xc5: {  	[sflag:s0] =	ssyncadd.tile.s32 @!p0 $0x1;
	_ =	shalt  }
.Lfunc_end2:
_tile_overlayer_lowered:
.L_overlay_start_2:
0xc6: {  	(tag) =	ssettag $0x2  }
0xc7: {  	s0 =	rddreg [dreg:$0x0];
	s2 =	stileid.u32  }
0xc8: {  	s1 =	rddreg [dreg:$0x1];
	p0 =	sne.s32 s2, $0x0  }
0xc9: {  	s3 =	rddreg [dreg:$0x2];
	[bflag:$0x3] =	sbarrier.arrive $0xFFFF;
	s2 =	simm.s32 @!p0 $0x1C0B  }
0xca: {  	[timem:s3], [sflag:s2] =	dma.local @!p0 [hbm:s0], s1  }
0xcb: {  	s0 =	simm.s32 @!p0 $0xB  }
0xcc: {  	_ =	swait.ge @!p0 [sflag:s0], s1  }
0xcd: {  	s1 =	ssub.s32 @!p0 $0x0, s1;
	[sflag:s0] =	ssyncset.done @!p0 $0x0  }
0xce: {  	[sflag:s0] =	ssyncadd.s32 @!p0 s1  }
0xcf: {  	[bflag:$0x3] =	sbarrier.arrive $0xFFFF  }
0xd0: {  	_ =	shalt  }

// kernel: kernel.9.cloned.1.call-start
scs
__scs_entry_jumppad:
0x0: {  	(pc) =	sbr.rel $0x88, $3  }
0x1: {  	(tag) =	ssettag $0x0;
	lr =	simm.s32 $0x1  }
0x2: {  	[smem:$0x3F9B] =	sst lr;
	_ =	strace $0xD0000000  }
0x3: {  	_ = 	snop  }
0x4: {  	_ = 	snop  }
0x5: {  	_ = 	snop  }
0x6: {  	_ = 	snop  }
0x7: {  	_ = 	snop  }
__scs_overlays_trampoline_lowered:
0x8: {  	[smem:$0x3FAA] =	sst s0  }
0x9: {  	[smem:$0x3FAB] =	sst s1  }
0xa: {  	[smem:$0x3FAC] =	sst s2  }
0xb: {  	[smem:$0x3FAD] =	sst s3  }
0xc: {  	[smem:$0x3FAE] =	sst s4  }
0xd: {  	[smem:$0x3FAF] =	sst s5  }
0xe: {  	[smem:$0x3FB0] =	sst s6  }
0xf: {  	[smem:$0x3FB1] =	sst s7  }
0x10: {  	[smem:$0x3FB2] =	sst s8  }
0x11: {  	[smem:$0x3FB3] =	sst s9;
	s0 =	simm.s32 @!p0 $0x0  }
0x12: {  	s1 =	sld [smem:$0x3F99];
	s0 =	simm.s32 @p0 $0x1  }
0x13: {  	[smem:$0x3FB4] =	sst s0;
	s0 =	simm.s32 @!p1 $0x0  }
0x14: {  	s2 =	sld [smem:$0x3F98];
	s0 =	simm.s32 @p1 $0x1  }
0x15: {  	[smem:$0x3FB5] =	sst s0;
	s0 =	simm.s32 @!p2 $0x0  }
0x16: {  	s3 =	sld [smem:$0x3FDB];
	s0 =	simm.s32 @p2 $0x1  }
0x17: {  	s4 =	simm.s32 $0x1BF5;
	[smem:$0x3FB7] =	sst s0  }
0x18: {  	s0 =	sld [smem:$0x3F9A];
	_ =	swait.ge [sflag:s4], $0x0  }
0x19: {  	s7 =	sld [smem:$0x3F9B]  }
0x1a: {  	s8 =	sadd.s32 $0xFFFFE003, lr  }
0x1b: {  	s9 =	sadd.s32 $0xFFFFFEF7, lr;
	s5 =	simm.s32 $0xFFFFFFFF;
	p2 =	slt.u32 s8, $0xFFFFF086  }
0x1c: {  	p1 =	slt.u32 s9, $0xF7A;
	s5 =	simm.s32 @!p2 $0x0  }
0x1d: {  	s5 =	simm.s32 @p1 $0x1;
	p0 =	seq.s32 s7, s2  }
0x1e: {  	s7 =	smul.u32 @!p0 $0xF7A, s2;
	p2 =	seq.s32 @!p0 s5, $0x0  }
0x1f: {  	s9 =	smul.u32 $0xF7A, s1;
	s8 =	simm.s32 @!p0 $0x1BF5;
	p2 =	por !p2, p0  }
0x20: {  	[sflag:s8] =	ssyncset.s32 @!p0 $0xFFFFF086;
	s6 =	sadd.s32 @!p0 s3, s7;
	s7 =	simm.s32 @!p0 $0x108  }
0x21: {  	s3 =	sadd.s32 s3, s9;
	s6 =	sadd.s32 @!p0 $0x88, s6;
	s7 =	simm.s32 @p2 $0x1082  }
0x22: {  	[simem:s7], [sflag:s8] =	dma.local @!p0 [hbm:s6], $0xF7A  }
0x23: {  	s9 =	sor.u32 $0xD0000000, s2;
	s6 =	simm.s32 $0x108;
	_ =	swait.ge @!p0 [sflag:s8], $0x0  }
0x24: {  	s3 =	sadd.s32 $0x88, s3;
	s6 =	simm.s32 @!p1 $0x1082;
	[sflag:s4] =	ssyncset.s32 $0xFFFFF086  }
0x25: {  	[simem:s6], [sflag:s4] =	dma.local [hbm:s3], $0xF7A  }
0x26: {  	[smem:$0x3F9B] =	sst s1;
	(tag) =	ssettag s2;
	_ =	strace s9  }
0x27: {  	s1 =	sld [smem:$0x3FAB]  }
0x28: {  	s2 =	sld [smem:$0x3FAC]  }
0x29: {  	s4 =	sld [smem:$0x3FAE]  }
0x2a: {  	p0 =	seq.s32 s5, $0x0;
	s5 =	sld [smem:$0x3FAF]  }
0x2b: {  	s6 =	sld [smem:$0x3FB0]  }
0x2c: {  	s7 =	sld [smem:$0x3FB1]  }
0x2d: {  	s3 =	simm.s32 $0x108;
	s8 =	sld [smem:$0x3FB2]  }
0x2e: {  	s3 =	simm.s32 @!p0 $0x1082;
	s9 =	sld [smem:$0x3FB3]  }
0x2f: {  	lr =	sadd.s32 s0, s3;
	s0 =	sld [smem:$0x3FAA]  }
0x30: {  	s3 =	sld [smem:$0x3FAD]  }
0x31: {  	[smem:$0x3FB6] =	sst s10  }
0x32: {  	s10 =	sld [smem:$0x3FB4];
	_ =	sdelay $0x3  }
0x33: {  	p0 =	seq.s32 s10, $0x1;
	s10 =	sld [smem:$0x3FB6];
	_ =	sdelay $0x3  }
0x34: {  	[smem:$0x3FB6] =	sst s10  }
0x35: {  	s10 =	sld [smem:$0x3FB5];
	_ =	sdelay $0x3  }
0x36: {  	p1 =	seq.s32 s10, $0x1;
	s10 =	sld [smem:$0x3FB6];
	_ =	sdelay $0x3  }
0x37: {  	[smem:$0x3FB6] =	sst s10  }
0x38: {  	s10 =	sld [smem:$0x3FB7]  }
0x39: {  	_ = 	snop;
	(pc) =	sbr.ind lr, $3  }
0x3a: {  	_ = 	snop  }
0x3b: {  	_ = 	snop  }
0x3c: {  	p2 =	seq.s32 s10, $0x1;
	s10 =	sld [smem:$0x3FB6]  }
0x3d: {  	_ =	shalt  }
0x3e: {  	_ =	shalt  }
0x3f: {  	_ =	shalt  }
0x40: {  	_ =	shalt  }
0x41: {  	_ =	shalt  }
0x42: {  	_ =	shalt  }
0x43: {  	_ =	shalt  }
0x44: {  	_ =	shalt  }
0x45: {  	_ =	shalt  }
0x46: {  	_ =	shalt  }
0x47: {  	_ =	shalt  }
0x48: {  	_ =	shalt  }
0x49: {  	_ =	shalt  }
0x4a: {  	_ =	shalt  }
0x4b: {  	_ =	shalt  }
0x4c: {  	_ =	shalt  }
0x4d: {  	_ =	shalt  }
0x4e: {  	_ =	shalt  }
0x4f: {  	_ =	shalt  }
0x50: {  	_ =	shalt  }
0x51: {  	_ =	shalt  }
0x52: {  	_ =	shalt  }
0x53: {  	_ =	shalt  }
0x54: {  	_ =	shalt  }
0x55: {  	_ =	shalt  }
0x56: {  	_ =	shalt  }
0x57: {  	_ =	shalt  }
0x58: {  	_ =	shalt  }
0x59: {  	_ =	shalt  }
0x5a: {  	_ =	shalt  }
0x5b: {  	_ =	shalt  }
0x5c: {  	_ =	shalt  }
0x5d: {  	_ =	shalt  }
0x5e: {  	_ =	shalt  }
0x5f: {  	_ =	shalt  }
0x60: {  	_ =	shalt  }
0x61: {  	_ =	shalt  }
0x62: {  	_ =	shalt  }
0x63: {  	_ =	shalt  }
0x64: {  	_ =	shalt  }
0x65: {  	_ =	shalt  }
0x66: {  	_ =	shalt  }
0x67: {  	_ =	shalt  }
0x68: {  	_ =	shalt  }
0x69: {  	_ =	shalt  }
0x6a: {  	_ =	shalt  }
0x6b: {  	_ =	shalt  }
0x6c: {  	_ =	shalt  }
0x6d: {  	_ =	shalt  }
0x6e: {  	_ =	shalt  }
0x6f: {  	_ =	shalt  }
0x70: {  	_ =	shalt  }
0x71: {  	_ =	shalt  }
0x72: {  	_ =	shalt  }
0x73: {  	_ =	shalt  }
0x74: {  	_ =	shalt  }
0x75: {  	_ =	shalt  }
0x76: {  	_ =	shalt  }
0x77: {  	_ =	shalt  }
0x78: {  	_ =	shalt  }
0x79: {  	_ =	shalt  }
0x7a: {  	_ =	shalt  }
0x7b: {  	_ =	shalt  }
0x7c: {  	_ =	shalt  }
0x7d: {  	_ =	shalt  }
0x7e: {  	_ =	shalt  }
0x7f: {  	_ =	shalt  }
0x80: {  	_ =	shalt  }
0x81: {  	_ =	shalt  }
0x82: {  	_ =	shalt  }
0x83: {  	_ =	shalt  }
0x84: {  	_ =	shalt  }
0x85: {  	_ =	shalt  }
0x86: {  	_ =	shalt  }
0x87: {  	_ =	shalt  }
.Lfunc_end0:
.L_simem_size_0:
called_computation_lowered:
.L_overlay_start_0:
0x88: {  	s2 =	sld [smem:$0x3FD9]  }
0x89: {  	s3 =	sld [smem:$0x3FFE];
	_ =	sdelay $0x1  }
0x8a: {  	s1 =	srdreg.scid  }
0x8b: {  	s0 =	sand.u32 $0x1, s1  }
0x8c: {  	s17 =	sshll.u32 s0, $0xA;
	s2 =	sadd.s32 s3, s2  }
0x8d: {  	s2 =	sadd.s32 s2, s17  }
0x8e: {  	[smem:$0x3FC2] =	sst s2  }
0x8f: {  	_ = 	snop  }
0x90: {  	s2 =	sld [smem:$0x3FD0];
	(tm) =	ssettm $0x1  }
0x91: {  	s18 =	sld [smem:$0x3FFB];
	_ =	sdelay $0x3  }
0x92: {  	_ =	strace s18  }
0x93: {  	s3 =	sld [smem:$0x3FFC];
	_ =	sdelay $0x3  }
0x94: {  	_ =	strace s3  }
0x95: {  	s3 =	sld [smem:$0x3FFD];
	_ =	sdelay $0x3  }
0x96: {  	_ =	strace s3  }
0x97: {  	_ =	strace $0x8FFFFFFF  }
0x98: {  	s19 =	sld [smem:$0x3FDB];
	_ =	sdelay $0x1  }
0x99: {  	s4 =	simm.s32 $_scs_section_size  }
0x9a: {  	s5 =	simm.s32 $_size__tile_overlayer_lowered;
	s6 =	simm.s32 $_tile_overlayer_lowered  }
0x9b: {  	s22 =	simm.s32 $0x1BFF;
	s21 =	sshll.u32 s6, $0x1;
	s3 =	sadd.s32 s4, s19  }
0x9c: {  	s7 =	simm.s32 $0x0;
	s20 =	sshll.u32 s5, $0x1;
	s5 =	sadd.s32 s21, s3  }
0x9d: {  	[timem:s7], [sflag:s22] =	dma.local [hbm:s5], s20  }
0x9e: {  	_ =	swait.ge [sflag:s22], s20  }
0x9f: {  	s4 =	ssub.s32 $0x0, s20;
	[sflag:s22] =	ssyncset.done $0x0  }
0xa0: {  	[sflag:s22] =	ssyncadd.s32 s4;
	_ =	sdelay $0x1  }
0xa1: {  	s23 =	simm.s32 $0x1B8B  }
0xa2: {  	_ =	swait.ge [sflag:s23], $0x1  }
0xa3: {  	[sflag:s23] =	ssyncset.done $0x0  }
0xa4: {  	s25 =	simm.s32 $0x1B8E;
	s24 =	sld [smem:$0x3FFE];
	[sflag:s23] =	ssyncadd.s32 $0xFFFFFFFF  }
0xa5: {  	s26 =	simm.s32 $execute0_lowered;
	[smem:$0x3FD2] =	sst s25  }
0xa6: {  	s5 =	sshll.u32 s26, $0x1;
	_ =	strace $0x80000046;
	[dreg:$0x1] =	wrdreg $0xFFFFFFFF  }
0xa7: {  	s28 =	simm.s32 $_size_execute0_lowered;
	s3 =	sadd.s32 s3, s5;
	[dreg:$0x0] =	wrdreg $0x0  }
0xa8: {  	s5 =	sshll.u32 s28, $0x1;
	[dreg:$0x2] =	wrdreg s3  }
0xa9: {  	[dreg:$0x3] =	wrdreg s5  }
0xaa: {  	[dreg:$0x4] =	wrdreg $0xC0  }
0xab: {  	_ =	task [dreg:s7], $0x5FFFF  }
0xac: {  	[dreg:$0x1] =	wrdreg $0xFFFFFFFF  }
0xad: {  	[dreg:$0x0] =	wrdreg $0x60  }
0xae: {  	[dreg:$0x2] =	wrdreg s2  }
0xaf: {  	[dreg:$0x3] =	wrdreg s24  }
0xb0: {  	[dreg:$0x4] =	wrdreg $0x68000  }
0xb1: {  	[dreg:$0x5] =	wrdreg $0x9  }
0xb2: {  	_ =	task.clear_ibuf [dreg:s7], $0x6FFFF;
	_ =	strace $0x90000046  }
0xb3: {  	s29 =	simm.s32 $0x9;
	_ =	strace $0x80000048  }
0xb4: {  	_ =	swait.ge [sflag:s29], $0x1  }
0xb5: {  	[sflag:s29] =	ssyncadd.s32 $0xFFFFFFFF  }
0xb6: {  	_ =	strace $0x90000048  }
0xb7: {  	_ =	sfence  }
0xb8: {  	s30 =	sld [smem:$0x0];
	_ =	sdelay $0x2  }
0xb9: {  	s31 =	sshll.u32 s1, $0xD;
	s1 =	sshrl.u32 s1, $0x2  }
0xba: {  	s3 =	sand.u32 $0x4000, s31;
	s1 =	sadd.s32 s1, s30  }
0xbb: {  	s0 =	sor.u32 s3, s0;
	s1 =	sshll.u32 s1, $0x11  }
0xbc: {  	s0 =	sor.u32 s1, s0  }
0xbd: {  	s0 =	sadd.s32 $0x8F2B, s0  }
0xbe: {  	[sflag:s0] =	ssyncadd.remote.s32 $0x1  }
0xbf: {  	_ =	sfence.sel $0xFFFF  }
0xc0: {  	[dreg:$0x0] =	wrdreg $0xFFFFFFFF;
	(pc) =	sbr.abs _section_cstart, $3  }
0xc1: {  	[dreg:$0x1] =	wrdreg $0xFFFFFFFF  }
0xc2: {  	_ =	task.clear_ibuf [dreg:s7], $0x2FFFF;
	_ =	strace $0x9FFFFFFF  }
0xc3: {  	(tm) =	ssettm $0x7FFFFFFF  }
tec
execute0_lowered:
.L_overlay_start_1:
0x0: {  	(tag) =	ssettag $0x1  }
0x1: {  	s5 =	rddreg [dreg:$0x0]  }
0x2: {  	s4 =	rddreg [dreg:$0x1]  }
0x3: {  	s1 =	rddreg [dreg:$0x2]  }
0x4: {  	s2 =	srdreg.scid;
	s0 =	rddreg [dreg:$0x3];
	s3 =	simm.s32 $0x0  }
0x5: {  	s12 =	simm.s32 $0x2800;
	s13 =	simm.s32 $0x2;
	s14 =	simm.s32 $0x80  }
0x6: {  	s15 =	simm.s32 $0x100;
	s16 =	simm.s32 $0x180;
	s17 =	simm.s32 $0x200  }
0x7: {  	s18 =	simm.s32 $0x280;
	s19 =	simm.s32 $0x300;
	s20 =	simm.s32 $0x380  }
0x8: {  	s21 =	simm.s32 $0x1;
	s6 =	sand.u32 $0x1, s2;
	s2 =	stileid.u32  }
0x9: {  	s24 =	simm.s32 $0x0;
	[smem:$0x7FF] =	sst s3;
	s7 =	smul.u32 $0x140000, s6  }
0xa: {  	s8 =	smul.u32 $0x14000, s2;
	_ =	strace $0x80000047;
	s31 =	sshll.u32 s6, $0x4  }
0xb: {  	s9 =	smul.u32 $0x50000, s2;
	s6 =	ssub.s32 $0x2, s6;
	s22 =	sshll.u32 s2, $0x6  }
0xc: {  	s10 =	sshrl.u32 s6, $0x1;
	s7 =	sadd.s32 s8, s7;
	s8 =	sor.u32 s2, s31  }
0xd: {  	s22 =	sor.u32 $0x1C02, s22;
	s7 =	sshrl.u32 s7, $0x3;
	s8 =	smul.u32 $0x500, s8  }
0xe: {  	s9 =	sshrl.u32 s9, $0x2;
	s10 =	ssub.s32 s6, s10;
	s7 =	sadd.s32 s7, s4  }
0xf: {  	s4 =	sadd.s32 s9, s1;
	s5 =	sadd.s32 s5, s8;
	s6 =	sadd.s32 $0x1800, s7  }
0x10: {  	s7 =	smax.u32 s10, $0x1;
	s8 =	sadd.s32 $0x4000, s4;
	s9 =	sadd.s32 $0x8000, s4  }
0x11: {  	v0 =	vimm.f32 $0.0e+00;
	v1 =	vimm.f32 $1.000000000e+00;
	s10 =	sadd.s32 $0xC000, s4;
	s11 =	sadd.s32 $0x10000, s4;
	s23 =	sshrl.u32 s4, $0x3  }
.LBB2_1:
0x12: {  	s25 =	simm.s32 $0x200;
	s26 =	simm.s32 $0x0  }
.LBB2_2:
0x13: {  	p0 =	sne.s32 s25, $0xFE00;
	[tilespmem:s26+$0x2800] =	vst v0;
	s26 =	smov.u32 s25;
	s25 =	sadd.s32 $0x200, s25  }
.Ltmp0:
0x14: {  	(pc) =	sbr.rel @p0 .LBB2_2-.Ltmp0, $2  }
0x15: {  	_ =	sdelay $0x2  }
0x16: {  	s26 =	sshra.s32 s26, $0x2  }
0x17: {  	[tilespmem:s26+$0x2800] =	vst v0  }
0x18: {  	[spmem:s4] =	stream.linear.scatter [tilespmem:s12], [sflag:$0x2], $0x4000, $0x38;
	[tilespmem:$0x9000] =	vst v63  }
0x19: {  	_ =	swait.ge [sflag:s13], $0x4000  }
0x1a: {  	[sflag:s13] =	ssyncset.done $0x0  }
0x1b: {  	[sflag:s13] =	ssyncadd.s32 $0xFFFFC000  }
0x1c: {  	[spmem:s8] =	stream.linear.scatter [tilespmem:s12], [sflag:$0x2], $0x4000, $0x38;
	[tilespmem:$0x9000] =	vst v63  }
0x1d: {  	_ =	swait.ge [sflag:s13], $0x4000  }
0x1e: {  	[sflag:s13] =	ssyncset.done $0x0  }
0x1f: {  	[sflag:s13] =	ssyncadd.s32 $0xFFFFC000  }
0x20: {  	[spmem:s9] =	stream.linear.scatter [tilespmem:s12], [sflag:$0x2], $0x4000, $0x38;
	[tilespmem:$0x9000] =	vst v63  }
0x21: {  	_ =	swait.ge [sflag:s13], $0x4000  }
0x22: {  	[sflag:s13] =	ssyncset.done $0x0  }
0x23: {  	[sflag:s13] =	ssyncadd.s32 $0xFFFFC000  }
0x24: {  	[spmem:s10] =	stream.linear.scatter [tilespmem:s12], [sflag:$0x2], $0x4000, $0x38;
	[tilespmem:$0x9000] =	vst v63  }
0x25: {  	_ =	swait.ge [sflag:s13], $0x4000  }
0x26: {  	[sflag:s13] =	ssyncset.done $0x0  }
0x27: {  	[sflag:s13] =	ssyncadd.s32 $0xFFFFC000  }
0x28: {  	[spmem:s11] =	stream.linear.scatter [tilespmem:s12], [sflag:$0x2], $0x4000, $0x38;
	[tilespmem:$0x9000] =	vst v63  }
0x29: {  	_ =	swait.ge [sflag:s13], $0x4000  }
0x2a: {  	[sflag:s13] =	ssyncset.done $0x0  }
0x2b: {  	s25 =	simm.s32 $0x200;
	s26 =	simm.s32 $0x0;
	[sflag:s13] =	ssyncadd.s32 $0xFFFFC000  }
.LBB2_4:
0x2c: {  	p0 =	sne.s32 s25, $0xFE00;
	[tilespmem:s26+$0x2800] =	vst v1;
	s26 =	smov.u32 s25;
	s25 =	sadd.s32 $0x200, s25  }
.Ltmp1:
0x2d: {  	(pc) =	sbr.rel @p0 .LBB2_4-.Ltmp1, $2  }
0x2e: {  	_ =	sdelay $0x2  }
0x2f: {  	s26 =	sshra.s32 s26, $0x2  }
0x30: {  	[tilespmem:s26+$0x2800] =	vst v1  }
0x31: {  	[tilespmem:s3], [sflag:$0x2] =	stream.linear.gather [hbm4b:s5+s3], $0x2800, $0x38;
	[tilespmem:$0x9000] =	vst v63  }
0x32: {  	_ =	swait.ge [sflag:s13], $0x2800  }
0x33: {  	[sflag:s13] =	ssyncset.done $0x0  }
0x34: {  	[sflag:s13] =	ssyncadd.s32 $0xFFFFD800  }
0x35: {  	[bflag:$0x0] =	sbarrier.arrive $0xFFFF  }
0x36: {  	[spmem:s1] =	stream.indirect.scatter.add.f32 [tilespmem:s12], [sflag:$0x1], $0x10, s3, s14, $0xb8;
	[tilespmem:$0x9000] =	vst v63  }
0x37: {  	_ = 	snop  }
0x38: {  	[spmem:s1] =	stream.indirect.scatter.add.f32 [tilespmem:s12], [sflag:$0x1], $0x10, s14, s14, $0xb8;
	[tilespmem:$0x9000] =	vst v63  }
0x39: {  	_ = 	snop  }
0x3a: {  	[spmem:s1] =	stream.indirect.scatter.add.f32 [tilespmem:s12], [sflag:$0x1], $0x10, s15, s14, $0xb8;
	[tilespmem:$0x9000] =	vst v63  }
0x3b: {  	_ = 	snop  }
0x3c: {  	[spmem:s1] =	stream.indirect.scatter.add.f32 [tilespmem:s12], [sflag:$0x1], $0x10, s16, s14, $0xb8;
	[tilespmem:$0x9000] =	vst v63  }
0x3d: {  	_ = 	snop  }
0x3e: {  	[spmem:s1] =	stream.indirect.scatter.add.f32 [tilespmem:s12], [sflag:$0x1], $0x10, s17, s14, $0xb8;
	[tilespmem:$0x9000] =	vst v63  }
0x3f: {  	_ = 	snop  }
0x40: {  	[spmem:s1] =	stream.indirect.scatter.add.f32 [tilespmem:s12], [sflag:$0x1], $0x10, s18, s14, $0xb8;
	[tilespmem:$0x9000] =	vst v63  }
0x41: {  	_ = 	snop  }
0x42: {  	[spmem:s1] =	stream.indirect.scatter.add.f32 [tilespmem:s12], [sflag:$0x1], $0x10, s19, s14, $0xb8;
	[tilespmem:$0x9000] =	vst v63  }
0x43: {  	_ = 	snop  }
0x44: {  	[spmem:s1] =	stream.indirect.scatter.add.f32 [tilespmem:s12], [sflag:$0x1], $0x10, s20, s14, $0xb8;
	[tilespmem:$0x9000] =	vst v63  }
0x45: {  	_ =	swait.ge [sflag:s21], $0x800  }
0x46: {  	[sflag:s21] =	ssyncset.done $0x0  }
0x47: {  	s25 =	simm.s32 $0x1200;
	s26 =	simm.s32 $0x400;
	[sflag:s21] =	ssyncadd.s32 $0xFFFFF800  }
.LBB2_6:
0x48: {  	[spmem:s1] =	stream.indirect.scatter.add.f32 [tilespmem:s12], [sflag:$0x1], $0x10, s26, s14, $0xb8;
	[tilespmem:$0x9000] =	vst v63  }
0x49: {  	s26 =	smov.u32 s25;
	p0 =	sne.s32 s25, $0x9E00  }
.Ltmp2:
0x4a: {  	s25 =	sadd.s32 $0x200, s25;
	(pc) =	sbr.rel @p0 .LBB2_6-.Ltmp2, $4  }
0x4b: {  	_ = 	snop  }
0x4c: {  	_ =	swait.ge [sflag:s21], $0x800  }
0x4d: {  	[sflag:s21] =	ssyncset.done $0x0  }
0x4e: {  	s26 =	sshra.s32 s26, $0x2;
	[sflag:s21] =	ssyncadd.s32 $0xFFFFF800  }
0x4f: {  	[spmem:s1] =	stream.indirect.scatter.add.f32 [tilespmem:s12], [sflag:$0x1], $0x10, s26, s14, $0xb8;
	[tilespmem:$0x9000] =	vst v63  }
0x50: {  	_ =	swait.ge [sflag:s21], $0x800  }
0x51: {  	[sflag:s21] =	ssyncset.done $0x0  }
0x52: {  	[sflag:s21] =	ssyncadd.s32 $0xFFFFF800  }
0x53: {  	_ =	swait.ge [sflag:s21], $0x800  }
0x54: {  	[sflag:s21] =	ssyncset.done $0x0  }
0x55: {  	[sflag:s21] =	ssyncadd.s32 $0xFFFFF800  }
0x56: {  	_ =	swait.ge [sflag:s21], $0x800  }
0x57: {  	[sflag:s21] =	ssyncset.done $0x0  }
0x58: {  	[sflag:s21] =	ssyncadd.s32 $0xFFFFF800  }
0x59: {  	_ =	swait.ge [sflag:s21], $0x800  }
0x5a: {  	[sflag:s21] =	ssyncset.done $0x0  }
0x5b: {  	[sflag:s21] =	ssyncadd.s32 $0xFFFFF800  }
0x5c: {  	_ =	swait.ge [sflag:s21], $0x800  }
0x5d: {  	[sflag:s21] =	ssyncset.done $0x0  }
0x5e: {  	[sflag:s21] =	ssyncadd.s32 $0xFFFFF800  }
0x5f: {  	_ =	swait.ge [sflag:s21], $0x800  }
0x60: {  	[sflag:s21] =	ssyncset.done $0x0  }
0x61: {  	[sflag:s21] =	ssyncadd.s32 $0xFFFFF800  }
0x62: {  	_ =	swait.ge [sflag:s21], $0x800  }
0x63: {  	[sflag:s21] =	ssyncset.done $0x0  }
0x64: {  	[sflag:s21] =	ssyncadd.s32 $0xFFFFF800  }
0x65: {  	_ =	swait.ge [sflag:s21], $0x800  }
0x66: {  	s24 =	sadd.s32 $0x1, s24;
	[sflag:s21] =	ssyncset.done $0x0  }
0x67: {  	p0 =	sne.s32 s24, s7;
	[sflag:s21] =	ssyncadd.s32 $0xFFFFF800  }
.Ltmp3:
0x68: {  	[bflag:$0x0] =	sbarrier.arrive $0xFFFF;
	(pc) =	sbr.rel @p0 .LBB2_1-.Ltmp3, $4  }
0x69: {  	[hbm:s6], [sflag:s22] =	dma.local [spmem:s23], $0x2800  }
0x6a: {  	_ =	swait.ge [sflag:s13], $0x2800  }
0x6b: {  	[sflag:s13] =	ssyncset.done $0x0  }
0x6c: {  	[sflag:s13] =	ssyncadd.s32 $0xFFFFD800  }
0x6d: {  	_ =	sfence.sel $0x180000  }
0x6e: {  	[bflag:$0x0] =	sbarrier.arrive $0xFFFF  }
0x6f: {  	p0 =	sne.s32 s2, $0x0;
	_ =	strace $0x90000047  }
0x70: {  	s0 =	sadd.s32 @!p0 $0x100000, s0;
	[bflag:$0x2] =	sbarrier.arrive $0xFFFF  }
0x71: {  	[sflag:s0] =	ssyncadd.tile.s32 @!p0 $0x1;
	_ =	shalt  }
.Lfunc_end2:
_tile_overlayer_lowered:
.L_overlay_start_2:
0x72: {  	(tag) =	ssettag $0x2  }
0x73: {  	s0 =	rddreg [dreg:$0x0];
	s2 =	stileid.u32  }
0x74: {  	s1 =	rddreg [dreg:$0x1];
	p0 =	sne.s32 s2, $0x0  }
0x75: {  	s3 =	rddreg [dreg:$0x2];
	[bflag:$0x3] =	sbarrier.arrive $0xFFFF;
	s2 =	simm.s32 @!p0 $0x1C02  }
0x76: {  	[timem:s3], [sflag:s2] =	dma.local @!p0 [hbm:s0], s1  }
0x77: {  	s0 =	simm.s32 @!p0 $0x2  }
0x78: {  	_ =	swait.ge @!p0 [sflag:s0], s1  }
0x79: {  	s1 =	ssub.s32 @!p0 $0x0, s1;
	[sflag:s0] =	ssyncset.done @!p0 $0x0  }
0x7a: {  	[sflag:s0] =	ssyncadd.s32 @!p0 s1  }
0x7b: {  	[bflag:$0x3] =	sbarrier.arrive $0xFFFF  }
0x7c: {  	_ =	shalt  }

</sc_bundles>
